<compile_context>
chip_gen: v7x
topology: tpu7x:2x2x1
jax: 0.10.2.dev20260603
libtpu: 0.0.44.dev20260713+nightly
codegen_flags: <defaults>
</compile_context>

<pallas_src>
import functools

import jax
import jax.numpy as jnp
from jax import lax
from jax.experimental import pallas as pl
from jax.experimental.pallas import tpu as pltpu
from jax.experimental.pallas import tpu_sc as plsc

N = 10000
E = 320000
D = 128
NC = 2
NS = 16
NW = NC * NS
K = 40
CW = E // (K * NW)
GC = 10
GPW = CW // GC
OROWS = 624
ZROWS = 40
LANES = 16
DG = D // LANES


def _sc_aggregate(x, idx3d, attr):
    mesh = plsc.VectorSubcoreMesh(core_axis_name="c", subcore_axis_name="s")

    @functools.partial(
        pl.kernel,
        out_type=jax.ShapeDtypeStruct((NC, N, D), jnp.float32),
        mesh=mesh,
        scratch_types=[
            pltpu.VMEM((2, 2 * GC, K), jnp.int32),
            pltpu.VMEM((K, D), jnp.float32),
            pltpu.VMEM((K, D), jnp.float32),
            pltpu.VMEM((K, D), jnp.float32),
            pltpu.VMEM((K, D), jnp.float32),
            pltpu.VMEM((K, D), jnp.float32),
            pltpu.VMEM((K, D), jnp.float32),
            pltpu.VMEM_SHARED((N, D), jnp.float32),
            pltpu.SemaphoreType.DMA,
            pltpu.SemaphoreType.DMA,
            pltpu.SemaphoreType.DMA,
            pltpu.SemaphoreType.DMA,
            pltpu.SemaphoreType.DMA,
            pltpu.SemaphoreType.DMA,
            pltpu.SemaphoreType.DMA,
        ],
    )
    def agg_kernel(x_hbm, idx_hbm, attr_hbm, out_hbm,
                   idxb, ab0, ab1, xb0, xb1, mb0, mb1, accum,
                   si, sg0, sg1, sa0, sa1, ss0, ss1):
        c = lax.axis_index("c")
        s = lax.axis_index("s")
        wid = s * NC + c

        pltpu.sync_copy(idx_hbm.at[wid * GPW], idxb.at[0])

        def early_gather(ci, xb, ab, sg, sa):
            pltpu.async_copy(x_hbm.at[idxb.at[0, ci]], xb, sg)
            pltpu.async_copy(attr_hbm.at[pl.ds((wid * CW + ci) * K, K)], ab,
                             sa)

        early_gather(0, xb0, ab0, sg0, sa0)
        early_gather(1, xb1, ab1, sg1, sa1)

        zv = jnp.zeros((LANES,), jnp.float32)

        def zrow(i, carry):
            for j in range(DG):
                mb0[i, pl.ds(j * LANES, LANES)] = zv
            return carry

        lax.fori_loop(0, ZROWS, zrow, 0)

        def zcp(r, carry):
            pltpu.async_copy(
                mb0, accum.at[pl.ds(s * OROWS + r * ZROWS, ZROWS)], si)
            return carry

        def zcp_wait(r, carry):
            pltpu.make_async_copy(
                mb0, accum.at[pl.ds(s * OROWS + r * ZROWS, ZROWS)], si).wait()
            return carry

        lax.fori_loop(0, 16, zcp, 0)
        lax.fori_loop(0, 16, zcp_wait, 0)

        plsc.subcore_barrier()

        def idx_start(g):
            pltpu.async_copy(idx_hbm.at[wid * GPW + g], idxb.at[g % 2], si)

        def idx_wait(g):
            pltpu.make_async_copy(idx_hbm.at[wid * GPW + g],
                                  idxb.at[g % 2], si).wait()

        def src_row(ci):
            return idxb.at[(ci // GC) % 2, ci % GC]

        def dst_row(ci):
            return idxb.at[(ci // GC) % 2, GC + ci % GC]

        def gather_start(ci, xb, ab, sg, sa):
            pltpu.async_copy(x_hbm.at[src_row(ci)], xb, sg)
            pltpu.async_copy(attr_hbm.at[pl.ds((wid * CW + ci) * K, K)], ab, sa)

        def gather_wait(ci, xb, ab, sg, sa):
            pltpu.make_async_copy(x_hbm.at[src_row(ci)], xb, sg).wait()
            pltpu.make_async_copy(
                attr_hbm.at[pl.ds((wid * CW + ci) * K, K)], ab, sa).wait()

        def scatter_start(ci, mb, ss):
            pltpu.async_copy(mb, accum.at[dst_row(ci)], ss, add=True)

        def scatter_wait(ci, mb, ss):
            pltpu.make_async_copy(mb, accum.at[dst_row(ci)], ss).wait()

        def compute(xb, ab, mb):
            def body(e4, carry2):
                for ee in range(4):
                    e = 4 * e4 + ee
                    for j in range(DG):
                        sl = pl.ds(j * LANES, LANES)
                        mb[e, sl] = jnp.maximum(xb[e, sl] + ab[e, sl], 0.0)
                return carry2

            lax.fori_loop(0, K // 4, body, 0)

        def half(i, c0, ab, xb, mb, sg, sa, ss):
            gather_wait(c0, xb, ab, sg, sa)

            @pl.when(i > 0)
            def _():
                scatter_wait(c0, mb, ss)

            compute(xb, ab, mb)
            scatter_start(c0, mb, ss)

            @pl.when(i < CW // 2 - 1)
            def _():
                gather_start(c0 + 2, xb, ab, sg, sa)

        def outer(i, carry):
            c0 = 2 * i

            @pl.when(jnp.logical_and(i % (GC // 2) == GC // 2 - 1,
                                     i < CW // 2 - 1))
            def _():
                idx_wait(i // (GC // 2) + 1)

            @pl.when(jnp.logical_and(i % (GC // 2) == 1,
                                     i < (GPW - 1) * (GC // 2)))
            def _():
                idx_start(i // (GC // 2) + 1)

            half(i, c0, ab0, xb0, mb0, sg0, sa0, ss0)
            half(i, c0 + 1, ab1, xb1, mb1, sg1, sa1, ss1)
            return carry

        lax.fori_loop(0, CW // 2, outer, 0)

        scatter_wait(CW - 2, mb0, ss0)
        scatter_wait(CW - 1, mb1, ss1)

        plsc.subcore_barrier()

        pltpu.sync_copy(accum.at[pl.ds(s * OROWS, OROWS)],
                        out_hbm.at[c, pl.ds(s * OROWS, OROWS)])

        @pl.when(s == 0)
        def _():
            pltpu.sync_copy(accum.at[pl.ds(NS * OROWS, N - NS * OROWS)],
                            out_hbm.at[c, pl.ds(NS * OROWS, N - NS * OROWS)])

    return agg_kernel(x, idx3d, attr)


def _tc_mlp(x, parts, W1, b1, gamma, beta, W2, b2):
    def body(x_ref, p_ref, w1_ref, b1_ref, g_ref, be_ref, w2_ref,
             b2_ref, o_ref):
        xv = x_ref[...]
        h0 = xv + p_ref[0] + p_ref[1]
        h = lax.dot_general(h0, w1_ref[...], (((1,), (1,)), ((), ())),
                            preferred_element_type=jnp.float32) + b1_ref[...]
        mean = jnp.mean(h, axis=0, keepdims=True)
        cent = h - mean
        var = jnp.mean(cent * cent, axis=0, keepdims=True)
        hn = cent * lax.rsqrt(var + 1e-5) * g_ref[...] + be_ref[...]
        hr = jnp.maximum(hn, 0.0)
        h2 = lax.dot_general(hr, w2_ref[...], (((1,), (1,)), ((), ())),
                             preferred_element_type=jnp.float32) + b2_ref[...]
        o_ref[...] = xv + jnp.maximum(h2, 0.0)

    return pl.pallas_call(
        body,
        out_shape=jax.ShapeDtypeStruct((N, D), jnp.float32),
    )(x, parts, W1, b1, gamma, beta, W2, b2)


def kernel(x, edge_index, edge_attr, W1, b1, gamma, beta, W2, b2):
    src3d = edge_index[0].astype(jnp.int32).reshape(NW * GPW, GC, K)
    dst3d = edge_index[1].astype(jnp.int32).reshape(NW * GPW, GC, K)
    idx3d = jnp.concatenate([src3d, dst3d], axis=1)
    parts = _sc_aggregate(x, idx3d, edge_attr)
    return _tc_mlp(x, parts, W1,
                   b1.reshape(1, D), gamma.reshape(1, D), beta.reshape(1, D),
                   W2, b2.reshape(1, D))

# --- scband reference (transcript-rebuilt; emitter-appended) ---
"""Pipeline reference for scband-gineconv-layer-13048110645792 (READ-ONLY COPY).

The authoritative reference and input builder live on the scoring server;
editing this copy changes nothing except your own understanding.
"""

import jax, jax.numpy as jnp
import numpy as np

N = 10000
E = 320000
D = 128

def setup_inputs(seed: int = 0) -> dict:
    key = jax.random.key(seed)
    ks = jax.random.split(key, 8)
    x = jax.random.normal(ks[0], (N, D), dtype=jnp.float32)
    edge_index = jax.random.randint(ks[1], (2, E), 0, N, dtype=jnp.int64)
    edge_attr = jax.random.normal(ks[2], (E, D), dtype=jnp.float32)
    # mlp params: Linear(D,D) -> BatchNorm1d(D) -> ReLU -> Linear(D,D)
    s = 1.0 / np.sqrt(D)
    W1 = jax.random.uniform(ks[3], (D, D), dtype=jnp.float32, minval=-s, maxval=s)
    b1 = jax.random.uniform(ks[4], (D,), dtype=jnp.float32, minval=-s, maxval=s)
    gamma = jnp.ones((D,), dtype=jnp.float32)
    beta = jnp.zeros((D,), dtype=jnp.float32)
    W2 = jax.random.uniform(ks[5], (D, D), dtype=jnp.float32, minval=-s, maxval=s)
    b2 = jax.random.uniform(ks[6], (D,), dtype=jnp.float32, minval=-s, maxval=s)
    return {"x": x, "edge_index": edge_index, "edge_attr": edge_attr,
            "W1": W1, "b1": b1, "gamma": gamma, "beta": beta, "W2": W2, "b2": b2}

def reference(x, edge_index, edge_attr, W1, b1, gamma, beta, W2, b2):
    src = edge_index[0]
    dst = edge_index[1]
    # GINEConv message: relu(x_j + edge_attr), sum-aggregated at destination node
    msg = jax.nn.relu(jnp.take(x, src, axis=0) + edge_attr)
    agg = jax.ops.segment_sum(msg, dst, num_segments=N)
    eps = 0.0  # GINEConv default eps, train_eps=False
    h = (1.0 + eps) * x + agg
    # mlp: Linear -> BatchNorm1d (training mode, batch stats) -> ReLU -> Linear
    h = h @ W1.T + b1
    mean = jnp.mean(h, axis=0)
    var = jnp.var(h, axis=0)  # biased variance, matches BN normalization
    h = (h - mean) / jnp.sqrt(var + 1e-5) * gamma + beta
    h = jax.nn.relu(h)
    h = h @ W2.T + b2
    # outer: relu, dropout(p=0.0) is identity, residual add
    out = jax.nn.relu(h)
    out = x + out
    return out

if __name__ == "__main__":
    import jax
    _d = setup_inputs()
    print(jax.jit(kernel)(*tuple(_d.values())))

</pallas_src>

<mosaic_0001>
#map = affine_map<(d0, d1) -> (0, 0)>
#map1 = affine_map<(d0, d1) -> (0, 0, 0)>
module attributes {stable_mosaic.version = 14 : i64} {
  func.func @agg_kernel(%arg0: i32, %arg1: i32, %arg2: memref<10000x128xf32, #tpu.memory_space<hbm>>, %arg3: memref<800x20x40xi32, #tpu.memory_space<hbm>>, %arg4: memref<320000x128xf32, #tpu.memory_space<hbm>>, %arg5: memref<2x10000x128xf32, #tpu.memory_space<hbm>>, %arg6: memref<2x20x40xi32, #tpu.memory_space<vmem>>, %arg7: memref<40x128xf32, #tpu.memory_space<vmem>>, %arg8: memref<40x128xf32, #tpu.memory_space<vmem>>, %arg9: memref<40x128xf32, #tpu.memory_space<vmem>>, %arg10: memref<40x128xf32, #tpu.memory_space<vmem>>, %arg11: memref<40x128xf32, #tpu.memory_space<vmem>>, %arg12: memref<40x128xf32, #tpu.memory_space<vmem>>, %arg13: memref<10000x128xf32, #tpu.memory_space<vmem_shared>>, %arg14: memref<!tpu.dma_semaphore, #tpu.memory_space<semaphore_mem>>, %arg15: memref<!tpu.dma_semaphore, #tpu.memory_space<semaphore_mem>>, %arg16: memref<!tpu.dma_semaphore, #tpu.memory_space<semaphore_mem>>, %arg17: memref<!tpu.dma_semaphore, #tpu.memory_space<semaphore_mem>>, %arg18: memref<!tpu.dma_semaphore, #tpu.memory_space<semaphore_mem>>, %arg19: memref<!tpu.dma_semaphore, #tpu.memory_space<semaphore_mem>>, %arg20: memref<!tpu.dma_semaphore, #tpu.memory_space<semaphore_mem>>) attributes {dimension_semantics = [#tpu.dimension_semantics<core_parallel>, #tpu.dimension_semantics<subcore_parallel>], iteration_bounds = array<i64: 2, 16>, scalar_prefetch = 0 : i64, scratch_operands = 15 : i64, tpu.core_type = #tpu.core_type<sc_vector_subcore>, window_params = [{transform_indices = #map}, {transform_indices = #map1}, {transform_indices = #map}, {transform_indices = #map1}]} {
    %mul3A = arith.constant 2 : i32
    %mul3A_0 = arith.muli %arg1, %mul3A : i32
    %add3A = arith.addi %mul3A_0, %arg0 : i32
    %mul3A_1 = arith.constant 25 : i32
    %mul3A_2 = arith.muli %add3A, %mul3A_1 : i32
    %run_scoped3A = arith.constant 0 : i32
    "tpu.region"() ({
      %run_scoped3A_84 = tpu.sem_alloc : memref<!tpu.dma_semaphore, #tpu.memory_space<semaphore_mem>>
      %dma_start3A_85 = arith.constant 0 : i32
      %dma_start3A_86 = arith.constant 0 : i32
      %dma_start3A_87 = tpu.memref_slice %arg6[%run_scoped3A, %dma_start3A_85, %dma_start3A_86] : memref<2x20x40xi32, #tpu.memory_space<vmem>> -> memref<1x20x40xi32, #tpu.memory_space<vmem>>
      %dma_start3A_88 = tpu.memref_squeeze %dma_start3A_87 : memref<1x20x40xi32, #tpu.memory_space<vmem>> -> memref<20x40xi32, #tpu.memory_space<vmem>>
      %dma_start3A_89 = arith.constant 0 : i32
      %dma_start3A_90 = arith.constant 0 : i32
      %dma_start3A_91 = tpu.memref_slice %arg3[%mul3A_2, %dma_start3A_89, %dma_start3A_90] : memref<800x20x40xi32, #tpu.memory_space<hbm>> -> memref<1x20x40xi32, #tpu.memory_space<hbm>>
      %dma_start3A_92 = tpu.memref_squeeze %dma_start3A_91 : memref<1x20x40xi32, #tpu.memory_space<hbm>> -> memref<20x40xi32, #tpu.memory_space<hbm>>
      %dma_start3A_93 = arith.constant 0 : i32
      %dma_start3A_94 = arith.constant 0 : i32
      %dma_start3A_95 = tpu.memref_slice %arg6[%run_scoped3A, %dma_start3A_93, %dma_start3A_94] : memref<2x20x40xi32, #tpu.memory_space<vmem>> -> memref<1x20x40xi32, #tpu.memory_space<vmem>>
      %dma_start3A_96 = tpu.memref_squeeze %dma_start3A_95 : memref<1x20x40xi32, #tpu.memory_space<vmem>> -> memref<20x40xi32, #tpu.memory_space<vmem>>
      %dma_start3A_97 = arith.constant 0 : i32
      %dma_start3A_98 = arith.constant 0 : i32
      %dma_start3A_99 = tpu.memref_slice %arg3[%mul3A_2, %dma_start3A_97, %dma_start3A_98] : memref<800x20x40xi32, #tpu.memory_space<hbm>> -> memref<1x20x40xi32, #tpu.memory_space<hbm>>
      %dma_start3A_100 = tpu.memref_squeeze %dma_start3A_99 : memref<1x20x40xi32, #tpu.memory_space<hbm>> -> memref<20x40xi32, #tpu.memory_space<hbm>>
      tpu.enqueue_dma source(%dma_start3A_100 : memref<20x40xi32, #tpu.memory_space<hbm>>) target(%dma_start3A_96 : memref<20x40xi32, #tpu.memory_space<vmem>>) target_semaphore(%run_scoped3A_84 : memref<!tpu.dma_semaphore, #tpu.memory_space<semaphore_mem>>)
      %dma_wait3A_101 = arith.constant 0 : i32
      %dma_wait3A_102 = arith.constant 0 : i32
      %dma_wait3A_103 = tpu.memref_slice %arg6[%run_scoped3A, %dma_wait3A_101, %dma_wait3A_102] : memref<2x20x40xi32, #tpu.memory_space<vmem>> -> memref<1x20x40xi32, #tpu.memory_space<vmem>>
      %dma_wait3A_104 = tpu.memref_squeeze %dma_wait3A_103 : memref<1x20x40xi32, #tpu.memory_space<vmem>> -> memref<20x40xi32, #tpu.memory_space<vmem>>
      %dma_wait3A_105 = arith.constant 0 : i32
      %dma_wait3A_106 = arith.constant 0 : i32
      %dma_wait3A_107 = tpu.memref_slice %arg3[%mul3A_2, %dma_wait3A_105, %dma_wait3A_106] : memref<800x20x40xi32, #tpu.memory_space<hbm>> -> memref<1x20x40xi32, #tpu.memory_space<hbm>>
      %dma_wait3A_108 = tpu.memref_squeeze %dma_wait3A_107 : memref<1x20x40xi32, #tpu.memory_space<hbm>> -> memref<20x40xi32, #tpu.memory_space<hbm>>
      %dma_wait3A_109 = arith.constant 0 : i32
      %dma_wait3A_110 = arith.constant 0 : i32
      %dma_wait3A_111 = tpu.memref_slice %arg6[%run_scoped3A, %dma_wait3A_109, %dma_wait3A_110] : memref<2x20x40xi32, #tpu.memory_space<vmem>> -> memref<1x20x40xi32, #tpu.memory_space<vmem>>
      %dma_wait3A_112 = tpu.memref_squeeze %dma_wait3A_111 : memref<1x20x40xi32, #tpu.memory_space<vmem>> -> memref<20x40xi32, #tpu.memory_space<vmem>>
      %dma_wait3A_113 = arith.constant 0 : i32
      %dma_wait3A_114 = arith.constant 0 : i32
      %dma_wait3A_115 = tpu.memref_slice %arg3[%mul3A_2, %dma_wait3A_113, %dma_wait3A_114] : memref<800x20x40xi32, #tpu.memory_space<hbm>> -> memref<1x20x40xi32, #tpu.memory_space<hbm>>
      %dma_wait3A_116 = tpu.memref_squeeze %dma_wait3A_115 : memref<1x20x40xi32, #tpu.memory_space<hbm>> -> memref<20x40xi32, #tpu.memory_space<hbm>>
      tpu.wait_dma2 semaphore(%run_scoped3A_84 : memref<!tpu.dma_semaphore, #tpu.memory_space<semaphore_mem>>) src(%dma_wait3A_116 : memref<20x40xi32, #tpu.memory_space<hbm>>) dst(%dma_wait3A_112 : memref<20x40xi32, #tpu.memory_space<vmem>>)
      tpu.yield
    }) : () -> ()
    %dma_start3A = arith.constant 0 : i32
    %dma_start3A_3 = arith.constant 0 : i32
    %dma_start3A_4 = arith.constant 0 : i32
    %dma_start3A_5 = tpu.memref_slice %arg6[%dma_start3A, %dma_start3A_3, %dma_start3A_4] : memref<2x20x40xi32, #tpu.memory_space<vmem>> -> memref<1x1x40xi32, #tpu.memory_space<vmem>>
    %dma_start3A_6 = tpu.memref_squeeze %dma_start3A_5 : memref<1x1x40xi32, #tpu.memory_space<vmem>> -> memref<40xi32, #tpu.memory_space<vmem>>
    %dma_start3A_7 = arith.constant 0 : i32
    %dma_start3A_8 = arith.constant 0 : i32
    %dma_start3A_9 = tpu.memref_slice %arg2[%dma_start3A_7, %dma_start3A_8] : memref<10000x128xf32, #tpu.memory_space<hbm>> -> memref<10000x128xf32, #tpu.memory_space<hbm>>
    tpu.enqueue_indirect_dma source(%dma_start3A_9 : memref<10000x128xf32, #tpu.memory_space<hbm>>) target(%arg9 : memref<40x128xf32, #tpu.memory_space<vmem>>) offsets(%dma_start3A_6 : memref<40xi32, #tpu.memory_space<vmem>>) semaphore(%arg15 : memref<!tpu.dma_semaphore, #tpu.memory_space<semaphore_mem>>)
    %mul3A_10 = arith.constant 250 : i32
    %mul3A_11 = arith.muli %add3A, %mul3A_10 : i32
    %add3A_12 = arith.constant 0 : i32
    %add3A_13 = arith.addi %mul3A_11, %add3A_12 : i32
    %mul3A_14 = arith.constant 40 : i32
    %mul3A_15 = arith.muli %add3A_13, %mul3A_14 : i32
    %dma_start3A_16 = arith.constant 0 : i32
    %dma_start3A_17 = tpu.memref_slice %arg4[%mul3A_15, %dma_start3A_16] : memref<320000x128xf32, #tpu.memory_space<hbm>> -> memref<40x128xf32, #tpu.memory_space<hbm>>
    %dma_start3A_18 = arith.constant 0 : i32
    %dma_start3A_19 = tpu.memref_slice %arg4[%mul3A_15, %dma_start3A_18] : memref<320000x128xf32, #tpu.memory_space<hbm>> -> memref<40x128xf32, #tpu.memory_space<hbm>>
    tpu.enqueue_dma source(%dma_start3A_19 : memref<40x128xf32, #tpu.memory_space<hbm>>) target(%arg7 : memref<40x128xf32, #tpu.memory_space<vmem>>) target_semaphore(%arg17 : memref<!tpu.dma_semaphore, #tpu.memory_space<semaphore_mem>>)
    %dma_start3A_20 = arith.constant 0 : i32
    %dma_start3A_21 = arith.constant 1 : i32
    %dma_start3A_22 = arith.constant 0 : i32
    %dma_start3A_23 = tpu.memref_slice %arg6[%dma_start3A_20, %dma_start3A_21, %dma_start3A_22] : memref<2x20x40xi32, #tpu.memory_space<vmem>> -> memref<1x1x40xi32, #tpu.memory_space<vmem>>
    %dma_start3A_24 = tpu.memref_squeeze %dma_start3A_23 : memref<1x1x40xi32, #tpu.memory_space<vmem>> -> memref<40xi32, #tpu.memory_space<vmem>>
    %dma_start3A_25 = arith.constant 0 : i32
    %dma_start3A_26 = arith.constant 0 : i32
    %dma_start3A_27 = tpu.memref_slice %arg2[%dma_start3A_25, %dma_start3A_26] : memref<10000x128xf32, #tpu.memory_space<hbm>> -> memref<10000x128xf32, #tpu.memory_space<hbm>>
    tpu.enqueue_indirect_dma source(%dma_start3A_27 : memref<10000x128xf32, #tpu.memory_space<hbm>>) target(%arg10 : memref<40x128xf32, #tpu.memory_space<vmem>>) offsets(%dma_start3A_24 : memref<40xi32, #tpu.memory_space<vmem>>) semaphore(%arg16 : memref<!tpu.dma_semaphore, #tpu.memory_space<semaphore_mem>>)
    %mul3A_28 = arith.constant 250 : i32
    %mul3A_29 = arith.muli %add3A, %mul3A_28 : i32
    %add3A_30 = arith.constant 1 : i32
    %add3A_31 = arith.addi %mul3A_29, %add3A_30 : i32
    %mul3A_32 = arith.constant 40 : i32
    %mul3A_33 = arith.muli %add3A_31, %mul3A_32 : i32
    %dma_start3A_34 = arith.constant 0 : i32
    %dma_start3A_35 = tpu.memref_slice %arg4[%mul3A_33, %dma_start3A_34] : memref<320000x128xf32, #tpu.memory_space<hbm>> -> memref<40x128xf32, #tpu.memory_space<hbm>>
    %dma_start3A_36 = arith.constant 0 : i32
    %dma_start3A_37 = tpu.memref_slice %arg4[%mul3A_33, %dma_start3A_36] : memref<320000x128xf32, #tpu.memory_space<hbm>> -> memref<40x128xf32, #tpu.memory_space<hbm>>
    tpu.enqueue_dma source(%dma_start3A_37 : memref<40x128xf32, #tpu.memory_space<hbm>>) target(%arg8 : memref<40x128xf32, #tpu.memory_space<vmem>>) target_semaphore(%arg18 : memref<!tpu.dma_semaphore, #tpu.memory_space<semaphore_mem>>)
    %broadcast_in_dim3A = arith.constant 0.000000e+00 : f32
    %broadcast_in_dim3A_38 = vector.broadcast %broadcast_in_dim3A : f32 to vector<16xf32>
    %scan3A = arith.constant 0 : i32
    %scan3A_39 = arith.constant 0 : i32
    %scan3A_40 = arith.constant 40 : i32
    %scan3A_41 = arith.addi %scan3A_39, %scan3A_40 : i32
    %scan3A_42 = arith.constant 1 : i32
    scf.for %scan3A_84 = %scan3A_39 to %scan3A_41 step %scan3A_42  : i32 {
      %swap3A = arith.index_cast %scan3A_84 : i32 to index
      %swap3A_85 = arith.constant 0 : index
      %swap3A_86 = tpu.vector_load %arg11[%swap3A, %swap3A_85] {strides = array<i32>} : memref<40x128xf32, #tpu.memory_space<vmem>>, vector<1x16xf32>,
      %swap3A_87 = vector.shape_cast %swap3A_86 : vector<1x16xf32> to vector<16xf32>
      %swap3A_88 = vector.shape_cast %broadcast_in_dim3A_38 : vector<16xf32> to vector<1x16xf32>
      tpu.vector_store %arg11[%swap3A, %swap3A_85], %swap3A_88 {strides = array<i32>} : memref<40x128xf32, #tpu.memory_space<vmem>>, vector<1x16xf32>,
      %swap3A_89 = arith.index_cast %scan3A_84 : i32 to index
      %swap3A_90 = arith.constant 16 : index
      %swap3A_91 = tpu.vector_load %arg11[%swap3A_89, %swap3A_90] {strides = array<i32>} : memref<40x128xf32, #tpu.memory_space<vmem>>, vector<1x16xf32>,
      %swap3A_92 = vector.shape_cast %swap3A_91 : vector<1x16xf32> to vector<16xf32>
      %swap3A_93 = vector.shape_cast %broadcast_in_dim3A_38 : vector<16xf32> to vector<1x16xf32>
      tpu.vector_store %arg11[%swap3A_89, %swap3A_90], %swap3A_93 {strides = array<i32>} : memref<40x128xf32, #tpu.memory_space<vmem>>, vector<1x16xf32>,
      %swap3A_94 = arith.index_cast %scan3A_84 : i32 to index
      %swap3A_95 = arith.constant 32 : index
      %swap3A_96 = tpu.vector_load %arg11[%swap3A_94, %swap3A_95] {strides = array<i32>} : memref<40x128xf32, #tpu.memory_space<vmem>>, vector<1x16xf32>,
      %swap3A_97 = vector.shape_cast %swap3A_96 : vector<1x16xf32> to vector<16xf32>
      %swap3A_98 = vector.shape_cast %broadcast_in_dim3A_38 : vector<16xf32> to vector<1x16xf32>
      tpu.vector_store %arg11[%swap3A_94, %swap3A_95], %swap3A_98 {strides = array<i32>} : memref<40x128xf32, #tpu.memory_space<vmem>>, vector<1x16xf32>,
      %swap3A_99 = arith.index_cast %scan3A_84 : i32 to index
      %swap3A_100 = arith.constant 48 : index
      %swap3A_101 = tpu.vector_load %arg11[%swap3A_99, %swap3A_100] {strides = array<i32>} : memref<40x128xf32, #tpu.memory_space<vmem>>, vector<1x16xf32>,
      %swap3A_102 = vector.shape_cast %swap3A_101 : vector<1x16xf32> to vector<16xf32>
      %swap3A_103 = vector.shape_cast %broadcast_in_dim3A_38 : vector<16xf32> to vector<1x16xf32>
      tpu.vector_store %arg11[%swap3A_99, %swap3A_100], %swap3A_103 {strides = array<i32>} : memref<40x128xf32, #tpu.memory_space<vmem>>, vector<1x16xf32>,
      %swap3A_104 = arith.index_cast %scan3A_84 : i32 to index
      %swap3A_105 = arith.constant 64 : index
      %swap3A_106 = tpu.vector_load %arg11[%swap3A_104, %swap3A_105] {strides = array<i32>} : memref<40x128xf32, #tpu.memory_space<vmem>>, vector<1x16xf32>,
      %swap3A_107 = vector.shape_cast %swap3A_106 : vector<1x16xf32> to vector<16xf32>
      %swap3A_108 = vector.shape_cast %broadcast_in_dim3A_38 : vector<16xf32> to vector<1x16xf32>
      tpu.vector_store %arg11[%swap3A_104, %swap3A_105], %swap3A_108 {strides = array<i32>} : memref<40x128xf32, #tpu.memory_space<vmem>>, vector<1x16xf32>,
      %swap3A_109 = arith.index_cast %scan3A_84 : i32 to index
      %swap3A_110 = arith.constant 80 : index
      %swap3A_111 = tpu.vector_load %arg11[%swap3A_109, %swap3A_110] {strides = array<i32>} : memref<40x128xf32, #tpu.memory_space<vmem>>, vector<1x16xf32>,
      %swap3A_112 = vector.shape_cast %swap3A_111 : vector<1x16xf32> to vector<16xf32>
      %swap3A_113 = vector.shape_cast %broadcast_in_dim3A_38 : vector<16xf32> to vector<1x16xf32>
      tpu.vector_store %arg11[%swap3A_109, %swap3A_110], %swap3A_113 {strides = array<i32>} : memref<40x128xf32, #tpu.memory_space<vmem>>, vector<1x16xf32>,
      %swap3A_114 = arith.index_cast %scan3A_84 : i32 to index
      %swap3A_115 = arith.constant 96 : index
      %swap3A_116 = tpu.vector_load %arg11[%swap3A_114, %swap3A_115] {strides = array<i32>} : memref<40x128xf32, #tpu.memory_space<vmem>>, vector<1x16xf32>,
      %swap3A_117 = vector.shape_cast %swap3A_116 : vector<1x16xf32> to vector<16xf32>
      %swap3A_118 = vector.shape_cast %broadcast_in_dim3A_38 : vector<16xf32> to vector<1x16xf32>
      tpu.vector_store %arg11[%swap3A_114, %swap3A_115], %swap3A_118 {strides = array<i32>} : memref<40x128xf32, #tpu.memory_space<vmem>>, vector<1x16xf32>,
      %swap3A_119 = arith.index_cast %scan3A_84 : i32 to index
      %swap3A_120 = arith.constant 112 : index
      %swap3A_121 = tpu.vector_load %arg11[%swap3A_119, %swap3A_120] {strides = array<i32>} : memref<40x128xf32, #tpu.memory_space<vmem>>, vector<1x16xf32>,
      %swap3A_122 = vector.shape_cast %swap3A_121 : vector<1x16xf32> to vector<16xf32>
      %swap3A_123 = vector.shape_cast %broadcast_in_dim3A_38 : vector<16xf32> to vector<1x16xf32>
      tpu.vector_store %arg11[%swap3A_119, %swap3A_120], %swap3A_123 {strides = array<i32>} : memref<40x128xf32, #tpu.memory_space<vmem>>, vector<1x16xf32>,
    }
    %scan3A_43 = arith.constant 40 : i32
    %scan3A_44 = arith.constant 0 : i32
    %scan3A_45 = arith.constant 0 : i32
    %scan3A_46 = arith.constant 16 : i32
    %scan3A_47 = arith.addi %scan3A_45, %scan3A_46 : i32
    %scan3A_48 = arith.constant 1 : i32
    scf.for %scan3A_84 = %scan3A_45 to %scan3A_47 step %scan3A_48  : i32 {
      %mul3A_85 = arith.constant 624 : i32
      %mul3A_86 = arith.muli %arg1, %mul3A_85 : i32
      %mul3A_87 = arith.constant 40 : i32
      %mul3A_88 = arith.muli %scan3A_84, %mul3A_87 : i32
      %add3A_89 = arith.addi %mul3A_86, %mul3A_88 : i32
      %dma_start3A_90 = arith.constant 0 : i32
      %dma_start3A_91 = tpu.memref_slice %arg13[%add3A_89, %dma_start3A_90] : memref<10000x128xf32, #tpu.memory_space<vmem_shared>> -> memref<40x128xf32, #tpu.memory_space<vmem_shared>>
      %dma_start3A_92 = arith.constant 0 : i32
      %dma_start3A_93 = tpu.memref_slice %arg13[%add3A_89, %dma_start3A_92] : memref<10000x128xf32, #tpu.memory_space<vmem_shared>> -> memref<40x128xf32, #tpu.memory_space<vmem_shared>>
      tpu.enqueue_dma source(%arg11 : memref<40x128xf32, #tpu.memory_space<vmem>>) target(%dma_start3A_93 : memref<40x128xf32, #tpu.memory_space<vmem_shared>>) target_semaphore(%arg14 : memref<!tpu.dma_semaphore, #tpu.memory_space<semaphore_mem>>)
    }
    %scan3A_49 = arith.constant 16 : i32
    %scan3A_50 = arith.constant 0 : i32
    %scan3A_51 = arith.constant 0 : i32
    %scan3A_52 = arith.constant 16 : i32
    %scan3A_53 = arith.addi %scan3A_51, %scan3A_52 : i32
    %scan3A_54 = arith.constant 1 : i32
    scf.for %scan3A_84 = %scan3A_51 to %scan3A_53 step %scan3A_54  : i32 {
      %mul3A_85 = arith.constant 624 : i32
      %mul3A_86 = arith.muli %arg1, %mul3A_85 : i32
      %mul3A_87 = arith.constant 40 : i32
      %mul3A_88 = arith.muli %scan3A_84, %mul3A_87 : i32
      %add3A_89 = arith.addi %mul3A_86, %mul3A_88 : i32
      %dma_wait3A_90 = arith.constant 0 : i32
      %dma_wait3A_91 = tpu.memref_slice %arg13[%add3A_89, %dma_wait3A_90] : memref<10000x128xf32, #tpu.memory_space<vmem_shared>> -> memref<40x128xf32, #tpu.memory_space<vmem_shared>>
      %dma_wait3A_92 = arith.constant 0 : i32
      %dma_wait3A_93 = tpu.memref_slice %arg13[%add3A_89, %dma_wait3A_92] : memref<10000x128xf32, #tpu.memory_space<vmem_shared>> -> memref<40x128xf32, #tpu.memory_space<vmem_shared>>
      tpu.wait_dma2 semaphore(%arg14 : memref<!tpu.dma_semaphore, #tpu.memory_space<semaphore_mem>>) src(%arg11 : memref<40x128xf32, #tpu.memory_space<vmem>>) dst(%dma_wait3A_93 : memref<40x128xf32, #tpu.memory_space<vmem_shared>>)
    }
    %scan3A_55 = arith.constant 16 : i32
    %barrier3A = arith.constant 0 : index
    tpu.barrier barrier_id(%barrier3A)
    %scan3A_56 = arith.constant 0 : i32
    %scan3A_57 = arith.constant 0 : i32
    %scan3A_58 = arith.constant 125 : i32
    %scan3A_59 = arith.addi %scan3A_57, %scan3A_58 : i32
    %scan3A_60 = arith.constant 1 : i32
    scf.for %scan3A_84 = %scan3A_57 to %scan3A_59 step %scan3A_60  : i32 {
      %mul3A_85 = arith.constant 2 : i32
      %mul3A_86 = arith.muli %mul3A_85, %scan3A_84 : i32
      %jit3A = arith.constant 5 : i32
      %eq3A_87 = arith.constant 0 : i32
      %eq3A_88 = arith.cmpi eq, %jit3A, %eq3A_87 : i32
      %jit3A_89 = arith.constant 1 : i32
      %select_n3A = arith.select %eq3A_88, %jit3A_89, %jit3A : i32
      %rem3A = arith.remsi %scan3A_84, %select_n3A : i32
      %ne3A = arith.constant 0 : i32
      %ne3A_90 = arith.cmpi ne, %rem3A, %ne3A : i32
      %lt3A = arith.constant 0 : i32
      %lt3A_91 = arith.cmpi slt, %rem3A, %lt3A : i32
      %lt3A_92 = arith.constant 0 : i32
      %lt3A_93 = arith.cmpi slt, %select_n3A, %lt3A_92 : i32
      %ne3A_94 = arith.xori %lt3A_91, %lt3A_93 : i1
      %and3A = arith.andi %ne3A_94, %ne3A_90 : i1
      %add3A_95 = arith.addi %rem3A, %select_n3A : i32
      %select_n3A_96 = arith.select %and3A, %add3A_95, %rem3A : i32
      %eq3A_97 = arith.constant 4 : i32
      %eq3A_98 = arith.cmpi eq, %select_n3A_96, %eq3A_97 : i32
      %lt3A_99 = arith.constant 124 : i32
      %lt3A_100 = arith.cmpi slt, %scan3A_84, %lt3A_99 : i32
      %and3A_101 = arith.andi %eq3A_98, %lt3A_100 : i1
      %convert_element_type3A_102 = arith.extui %and3A_101 : i1 to i32
      %cond3A_103 = arith.constant 0 : i32
      %cond3A_104 = arith.cmpi ne, %convert_element_type3A_102, %cond3A_103 : i32
      scf.if %cond3A_104 {
        %jit3A_429 = arith.constant 5 : i32
        %div3A_430 = arith.divsi %scan3A_84, %jit3A_429 : i32
        %sign3A_431 = arith.constant 0 : i32
        %sign3A_432 = arith.cmpi sgt, %scan3A_84, %sign3A_431 : i32
        %sign3A_433 = arith.extui %sign3A_432 : i1 to i32
        %sign3A_434 = arith.constant 0 : i32
        %sign3A_435 = arith.cmpi slt, %scan3A_84, %sign3A_434 : i32
        %sign3A_436 = arith.extui %sign3A_435 : i1 to i32
        %sign3A_437 = arith.subi %sign3A_433, %sign3A_436 : i32
        %sign3A_438 = arith.constant 0 : i32
        %sign3A_439 = arith.cmpi sgt, %jit3A_429, %sign3A_438 : i32
        %sign3A_440 = arith.extui %sign3A_439 : i1 to i32
        %sign3A_441 = arith.constant 0 : i32
        %sign3A_442 = arith.cmpi slt, %jit3A_429, %sign3A_441 : i32
        %sign3A_443 = arith.extui %sign3A_442 : i1 to i32
        %sign3A_444 = arith.subi %sign3A_440, %sign3A_443 : i32
        %ne3A_445 = arith.cmpi ne, %sign3A_437, %sign3A_444 : i32
        %rem3A_446 = arith.remsi %scan3A_84, %jit3A_429 : i32
        %ne3A_447 = arith.constant 0 : i32
        %ne3A_448 = arith.cmpi ne, %rem3A_446, %ne3A_447 : i32
        %and3A_449 = arith.andi %ne3A_445, %ne3A_448 : i1
        %sub3A_450 = arith.constant 1 : i32
        %sub3A_451 = arith.subi %div3A_430, %sub3A_450 : i32
        %select_n3A_452 = arith.select %and3A_449, %sub3A_451, %div3A_430 : i32
        %add3A_453 = arith.constant 1 : i32
        %add3A_454 = arith.addi %select_n3A_452, %add3A_453 : i32
        %mul3A_455 = arith.constant 25 : i32
        %mul3A_456 = arith.muli %add3A, %mul3A_455 : i32
        %add3A_457 = arith.addi %mul3A_456, %add3A_454 : i32
        %jit3A_458 = arith.constant 2 : i32
        %eq3A_459 = arith.constant 0 : i32
        %eq3A_460 = arith.cmpi eq, %jit3A_458, %eq3A_459 : i32
        %jit3A_461 = arith.constant 1 : i32
        %select_n3A_462 = arith.select %eq3A_460, %jit3A_461, %jit3A_458 : i32
        %rem3A_463 = arith.remsi %add3A_454, %select_n3A_462 : i32
        %ne3A_464 = arith.constant 0 : i32
        %ne3A_465 = arith.cmpi ne, %rem3A_463, %ne3A_464 : i32
        %lt3A_466 = arith.constant 0 : i32
        %lt3A_467 = arith.cmpi slt, %rem3A_463, %lt3A_466 : i32
        %lt3A_468 = arith.constant 0 : i32
        %lt3A_469 = arith.cmpi slt, %select_n3A_462, %lt3A_468 : i32
        %ne3A_470 = arith.xori %lt3A_467, %lt3A_469 : i1
        %and3A_471 = arith.andi %ne3A_470, %ne3A_465 : i1
        %add3A_472 = arith.addi %rem3A_463, %select_n3A_462 : i32
        %select_n3A_473 = arith.select %and3A_471, %add3A_472, %rem3A_463 : i32
        %dma_wait3A_474 = arith.constant 0 : i32
        %dma_wait3A_475 = arith.constant 0 : i32
        %dma_wait3A_476 = tpu.memref_slice %arg6[%select_n3A_473, %dma_wait3A_474, %dma_wait3A_475] : memref<2x20x40xi32, #tpu.memory_space<vmem>> -> memref<1x20x40xi32, #tpu.memory_space<vmem>>
        %dma_wait3A_477 = tpu.memref_squeeze %dma_wait3A_476 : memref<1x20x40xi32, #tpu.memory_space<vmem>> -> memref<20x40xi32, #tpu.memory_space<vmem>>
        %dma_wait3A_478 = arith.constant 0 : i32
        %dma_wait3A_479 = arith.constant 0 : i32
        %dma_wait3A_480 = tpu.memref_slice %arg3[%add3A_457, %dma_wait3A_478, %dma_wait3A_479] : memref<800x20x40xi32, #tpu.memory_space<hbm>> -> memref<1x20x40xi32, #tpu.memory_space<hbm>>
        %dma_wait3A_481 = tpu.memref_squeeze %dma_wait3A_480 : memref<1x20x40xi32, #tpu.memory_space<hbm>> -> memref<20x40xi32, #tpu.memory_space<hbm>>
        %dma_wait3A_482 = arith.constant 0 : i32
        %dma_wait3A_483 = arith.constant 0 : i32
        %dma_wait3A_484 = tpu.memref_slice %arg6[%select_n3A_473, %dma_wait3A_482, %dma_wait3A_483] : memref<2x20x40xi32, #tpu.memory_space<vmem>> -> memref<1x20x40xi32, #tpu.memory_space<vmem>>
        %dma_wait3A_485 = tpu.memref_squeeze %dma_wait3A_484 : memref<1x20x40xi32, #tpu.memory_space<vmem>> -> memref<20x40xi32, #tpu.memory_space<vmem>>
        %dma_wait3A_486 = arith.constant 0 : i32
        %dma_wait3A_487 = arith.constant 0 : i32
        %dma_wait3A_488 = tpu.memref_slice %arg3[%add3A_457, %dma_wait3A_486, %dma_wait3A_487] : memref<800x20x40xi32, #tpu.memory_space<hbm>> -> memref<1x20x40xi32, #tpu.memory_space<hbm>>
        %dma_wait3A_489 = tpu.memref_squeeze %dma_wait3A_488 : memref<1x20x40xi32, #tpu.memory_space<hbm>> -> memref<20x40xi32, #tpu.memory_space<hbm>>
        tpu.wait_dma2 semaphore(%arg14 : memref<!tpu.dma_semaphore, #tpu.memory_space<semaphore_mem>>) src(%dma_wait3A_489 : memref<20x40xi32, #tpu.memory_space<hbm>>) dst(%dma_wait3A_485 : memref<20x40xi32, #tpu.memory_space<vmem>>)
      } else {
      }
      %jit3A_105 = arith.constant 5 : i32
      %eq3A_106 = arith.constant 0 : i32
      %eq3A_107 = arith.cmpi eq, %jit3A_105, %eq3A_106 : i32
      %jit3A_108 = arith.constant 1 : i32
      %select_n3A_109 = arith.select %eq3A_107, %jit3A_108, %jit3A_105 : i32
      %rem3A_110 = arith.remsi %scan3A_84, %select_n3A_109 : i32
      %ne3A_111 = arith.constant 0 : i32
      %ne3A_112 = arith.cmpi ne, %rem3A_110, %ne3A_111 : i32
      %lt3A_113 = arith.constant 0 : i32
      %lt3A_114 = arith.cmpi slt, %rem3A_110, %lt3A_113 : i32
      %lt3A_115 = arith.constant 0 : i32
      %lt3A_116 = arith.cmpi slt, %select_n3A_109, %lt3A_115 : i32
      %ne3A_117 = arith.xori %lt3A_114, %lt3A_116 : i1
      %and3A_118 = arith.andi %ne3A_117, %ne3A_112 : i1
      %add3A_119 = arith.addi %rem3A_110, %select_n3A_109 : i32
      %select_n3A_120 = arith.select %and3A_118, %add3A_119, %rem3A_110 : i32
      %eq3A_121 = arith.constant 1 : i32
      %eq3A_122 = arith.cmpi eq, %select_n3A_120, %eq3A_121 : i32
      %lt3A_123 = arith.constant 120 : i32
      %lt3A_124 = arith.cmpi slt, %scan3A_84, %lt3A_123 : i32
      %and3A_125 = arith.andi %eq3A_122, %lt3A_124 : i1
      %convert_element_type3A_126 = arith.extui %and3A_125 : i1 to i32
      %cond3A_127 = arith.constant 0 : i32
      %cond3A_128 = arith.cmpi ne, %convert_element_type3A_126, %cond3A_127 : i32
      scf.if %cond3A_128 {
        %jit3A_429 = arith.constant 5 : i32
        %div3A_430 = arith.divsi %scan3A_84, %jit3A_429 : i32
        %sign3A_431 = arith.constant 0 : i32
        %sign3A_432 = arith.cmpi sgt, %scan3A_84, %sign3A_431 : i32
        %sign3A_433 = arith.extui %sign3A_432 : i1 to i32
        %sign3A_434 = arith.constant 0 : i32
        %sign3A_435 = arith.cmpi slt, %scan3A_84, %sign3A_434 : i32
        %sign3A_436 = arith.extui %sign3A_435 : i1 to i32
        %sign3A_437 = arith.subi %sign3A_433, %sign3A_436 : i32
        %sign3A_438 = arith.constant 0 : i32
        %sign3A_439 = arith.cmpi sgt, %jit3A_429, %sign3A_438 : i32
        %sign3A_440 = arith.extui %sign3A_439 : i1 to i32
        %sign3A_441 = arith.constant 0 : i32
        %sign3A_442 = arith.cmpi slt, %jit3A_429, %sign3A_441 : i32
        %sign3A_443 = arith.extui %sign3A_442 : i1 to i32
        %sign3A_444 = arith.subi %sign3A_440, %sign3A_443 : i32
        %ne3A_445 = arith.cmpi ne, %sign3A_437, %sign3A_444 : i32
        %rem3A_446 = arith.remsi %scan3A_84, %jit3A_429 : i32
        %ne3A_447 = arith.constant 0 : i32
        %ne3A_448 = arith.cmpi ne, %rem3A_446, %ne3A_447 : i32
        %and3A_449 = arith.andi %ne3A_445, %ne3A_448 : i1
        %sub3A_450 = arith.constant 1 : i32
        %sub3A_451 = arith.subi %div3A_430, %sub3A_450 : i32
        %select_n3A_452 = arith.select %and3A_449, %sub3A_451, %div3A_430 : i32
        %add3A_453 = arith.constant 1 : i32
        %add3A_454 = arith.addi %select_n3A_452, %add3A_453 : i32
        %mul3A_455 = arith.constant 25 : i32
        %mul3A_456 = arith.muli %add3A, %mul3A_455 : i32
        %add3A_457 = arith.addi %mul3A_456, %add3A_454 : i32
        %jit3A_458 = arith.constant 2 : i32
        %eq3A_459 = arith.constant 0 : i32
        %eq3A_460 = arith.cmpi eq, %jit3A_458, %eq3A_459 : i32
        %jit3A_461 = arith.constant 1 : i32
        %select_n3A_462 = arith.select %eq3A_460, %jit3A_461, %jit3A_458 : i32
        %rem3A_463 = arith.remsi %add3A_454, %select_n3A_462 : i32
        %ne3A_464 = arith.constant 0 : i32
        %ne3A_465 = arith.cmpi ne, %rem3A_463, %ne3A_464 : i32
        %lt3A_466 = arith.constant 0 : i32
        %lt3A_467 = arith.cmpi slt, %rem3A_463, %lt3A_466 : i32
        %lt3A_468 = arith.constant 0 : i32
        %lt3A_469 = arith.cmpi slt, %select_n3A_462, %lt3A_468 : i32
        %ne3A_470 = arith.xori %lt3A_467, %lt3A_469 : i1
        %and3A_471 = arith.andi %ne3A_470, %ne3A_465 : i1
        %add3A_472 = arith.addi %rem3A_463, %select_n3A_462 : i32
        %select_n3A_473 = arith.select %and3A_471, %add3A_472, %rem3A_463 : i32
        %dma_start3A_474 = arith.constant 0 : i32
        %dma_start3A_475 = arith.constant 0 : i32
        %dma_start3A_476 = tpu.memref_slice %arg6[%select_n3A_473, %dma_start3A_474, %dma_start3A_475] : memref<2x20x40xi32, #tpu.memory_space<vmem>> -> memref<1x20x40xi32, #tpu.memory_space<vmem>>
        %dma_start3A_477 = tpu.memref_squeeze %dma_start3A_476 : memref<1x20x40xi32, #tpu.memory_space<vmem>> -> memref<20x40xi32, #tpu.memory_space<vmem>>
        %dma_start3A_478 = arith.constant 0 : i32
        %dma_start3A_479 = arith.constant 0 : i32
        %dma_start3A_480 = tpu.memref_slice %arg3[%add3A_457, %dma_start3A_478, %dma_start3A_479] : memref<800x20x40xi32, #tpu.memory_space<hbm>> -> memref<1x20x40xi32, #tpu.memory_space<hbm>>
        %dma_start3A_481 = tpu.memref_squeeze %dma_start3A_480 : memref<1x20x40xi32, #tpu.memory_space<hbm>> -> memref<20x40xi32, #tpu.memory_space<hbm>>
        %dma_start3A_482 = arith.constant 0 : i32
        %dma_start3A_483 = arith.constant 0 : i32
        %dma_start3A_484 = tpu.memref_slice %arg6[%select_n3A_473, %dma_start3A_482, %dma_start3A_483] : memref<2x20x40xi32, #tpu.memory_space<vmem>> -> memref<1x20x40xi32, #tpu.memory_space<vmem>>
        %dma_start3A_485 = tpu.memref_squeeze %dma_start3A_484 : memref<1x20x40xi32, #tpu.memory_space<vmem>> -> memref<20x40xi32, #tpu.memory_space<vmem>>
        %dma_start3A_486 = arith.constant 0 : i32
        %dma_start3A_487 = arith.constant 0 : i32
        %dma_start3A_488 = tpu.memref_slice %arg3[%add3A_457, %dma_start3A_486, %dma_start3A_487] : memref<800x20x40xi32, #tpu.memory_space<hbm>> -> memref<1x20x40xi32, #tpu.memory_space<hbm>>
        %dma_start3A_489 = tpu.memref_squeeze %dma_start3A_488 : memref<1x20x40xi32, #tpu.memory_space<hbm>> -> memref<20x40xi32, #tpu.memory_space<hbm>>
        tpu.enqueue_dma source(%dma_start3A_489 : memref<20x40xi32, #tpu.memory_space<hbm>>) target(%dma_start3A_485 : memref<20x40xi32, #tpu.memory_space<vmem>>) target_semaphore(%arg14 : memref<!tpu.dma_semaphore, #tpu.memory_space<semaphore_mem>>)
      } else {
      }
      %jit3A_129 = arith.constant 10 : i32
      %div3A = arith.divsi %mul3A_86, %jit3A_129 : i32
      %sign3A = arith.constant 0 : i32
      %sign3A_130 = arith.cmpi sgt, %mul3A_86, %sign3A : i32
      %sign3A_131 = arith.extui %sign3A_130 : i1 to i32
      %sign3A_132 = arith.constant 0 : i32
      %sign3A_133 = arith.cmpi slt, %mul3A_86, %sign3A_132 : i32
      %sign3A_134 = arith.extui %sign3A_133 : i1 to i32
      %sign3A_135 = arith.subi %sign3A_131, %sign3A_134 : i32
      %sign3A_136 = arith.constant 0 : i32
      %sign3A_137 = arith.cmpi sgt, %jit3A_129, %sign3A_136 : i32
      %sign3A_138 = arith.extui %sign3A_137 : i1 to i32
      %sign3A_139 = arith.constant 0 : i32
      %sign3A_140 = arith.cmpi slt, %jit3A_129, %sign3A_139 : i32
      %sign3A_141 = arith.extui %sign3A_140 : i1 to i32
      %sign3A_142 = arith.subi %sign3A_138, %sign3A_141 : i32
      %ne3A_143 = arith.cmpi ne, %sign3A_135, %sign3A_142 : i32
      %rem3A_144 = arith.remsi %mul3A_86, %jit3A_129 : i32
      %ne3A_145 = arith.constant 0 : i32
      %ne3A_146 = arith.cmpi ne, %rem3A_144, %ne3A_145 : i32
      %and3A_147 = arith.andi %ne3A_143, %ne3A_146 : i1
      %sub3A = arith.constant 1 : i32
      %sub3A_148 = arith.subi %div3A, %sub3A : i32
      %select_n3A_149 = arith.select %and3A_147, %sub3A_148, %div3A : i32
      %jit3A_150 = arith.constant 2 : i32
      %eq3A_151 = arith.constant 0 : i32
      %eq3A_152 = arith.cmpi eq, %jit3A_150, %eq3A_151 : i32
      %jit3A_153 = arith.constant 1 : i32
      %select_n3A_154 = arith.select %eq3A_152, %jit3A_153, %jit3A_150 : i32
      %rem3A_155 = arith.remsi %select_n3A_149, %select_n3A_154 : i32
      %ne3A_156 = arith.constant 0 : i32
      %ne3A_157 = arith.cmpi ne, %rem3A_155, %ne3A_156 : i32
      %lt3A_158 = arith.constant 0 : i32
      %lt3A_159 = arith.cmpi slt, %rem3A_155, %lt3A_158 : i32
      %lt3A_160 = arith.constant 0 : i32
      %lt3A_161 = arith.cmpi slt, %select_n3A_154, %lt3A_160 : i32
      %ne3A_162 = arith.xori %lt3A_159, %lt3A_161 : i1
      %and3A_163 = arith.andi %ne3A_162, %ne3A_157 : i1
      %add3A_164 = arith.addi %rem3A_155, %select_n3A_154 : i32
      %select_n3A_165 = arith.select %and3A_163, %add3A_164, %rem3A_155 : i32
      %jit3A_166 = arith.constant 10 : i32
      %eq3A_167 = arith.constant 0 : i32
      %eq3A_168 = arith.cmpi eq, %jit3A_166, %eq3A_167 : i32
      %jit3A_169 = arith.constant 1 : i32
      %select_n3A_170 = arith.select %eq3A_168, %jit3A_169, %jit3A_166 : i32
      %rem3A_171 = arith.remsi %mul3A_86, %select_n3A_170 : i32
      %ne3A_172 = arith.constant 0 : i32
      %ne3A_173 = arith.cmpi ne, %rem3A_171, %ne3A_172 : i32
      %lt3A_174 = arith.constant 0 : i32
      %lt3A_175 = arith.cmpi slt, %rem3A_171, %lt3A_174 : i32
      %lt3A_176 = arith.constant 0 : i32
      %lt3A_177 = arith.cmpi slt, %select_n3A_170, %lt3A_176 : i32
      %ne3A_178 = arith.xori %lt3A_175, %lt3A_177 : i1
      %and3A_179 = arith.andi %ne3A_178, %ne3A_173 : i1
      %add3A_180 = arith.addi %rem3A_171, %select_n3A_170 : i32
      %select_n3A_181 = arith.select %and3A_179, %add3A_180, %rem3A_171 : i32
      %dma_wait3A_182 = arith.constant 0 : i32
      %dma_wait3A_183 = tpu.memref_slice %arg6[%select_n3A_165, %select_n3A_181, %dma_wait3A_182] : memref<2x20x40xi32, #tpu.memory_space<vmem>> -> memref<1x1x40xi32, #tpu.memory_space<vmem>>
      %dma_wait3A_184 = tpu.memref_squeeze %dma_wait3A_183 : memref<1x1x40xi32, #tpu.memory_space<vmem>> -> memref<40xi32, #tpu.memory_space<vmem>>
      %dma_wait3A_185 = arith.constant 0 : i32
      %dma_wait3A_186 = arith.constant 0 : i32
      %dma_wait3A_187 = tpu.memref_slice %arg2[%dma_wait3A_185, %dma_wait3A_186] : memref<10000x128xf32, #tpu.memory_space<hbm>> -> memref<10000x128xf32, #tpu.memory_space<hbm>>
      tpu.wait_indirect_dma semaphore(%arg15 : memref<!tpu.dma_semaphore, #tpu.memory_space<semaphore_mem>>) src(%dma_wait3A_187 : memref<10000x128xf32, #tpu.memory_space<hbm>>) dst(%arg9 : memref<40x128xf32, #tpu.memory_space<vmem>>)
      %mul3A_188 = arith.constant 250 : i32
      %mul3A_189 = arith.muli %add3A, %mul3A_188 : i32
      %add3A_190 = arith.addi %mul3A_189, %mul3A_86 : i32
      %mul3A_191 = arith.constant 40 : i32
      %mul3A_192 = arith.muli %add3A_190, %mul3A_191 : i32
      %dma_wait3A_193 = arith.constant 0 : i32
      %dma_wait3A_194 = tpu.memref_slice %arg4[%mul3A_192, %dma_wait3A_193] : memref<320000x128xf32, #tpu.memory_space<hbm>> -> memref<40x128xf32, #tpu.memory_space<hbm>>
      %dma_wait3A_195 = arith.constant 0 : i32
      %dma_wait3A_196 = tpu.memref_slice %arg4[%mul3A_192, %dma_wait3A_195] : memref<320000x128xf32, #tpu.memory_space<hbm>> -> memref<40x128xf32, #tpu.memory_space<hbm>>
      tpu.wait_dma2 semaphore(%arg17 : memref<!tpu.dma_semaphore, #tpu.memory_space<semaphore_mem>>) src(%dma_wait3A_196 : memref<40x128xf32, #tpu.memory_space<hbm>>) dst(%arg7 : memref<40x128xf32, #tpu.memory_space<vmem>>)
      %gt3A = arith.constant 0 : i32
      %gt3A_197 = arith.cmpi sgt, %scan3A_84, %gt3A : i32
      %convert_element_type3A_198 = arith.extui %gt3A_197 : i1 to i32
      %cond3A_199 = arith.constant 0 : i32
      %cond3A_200 = arith.cmpi ne, %convert_element_type3A_198, %cond3A_199 : i32
      scf.if %cond3A_200 {
        %jit3A_429 = arith.constant 10 : i32
        %div3A_430 = arith.divsi %mul3A_86, %jit3A_429 : i32
        %sign3A_431 = arith.constant 0 : i32
        %sign3A_432 = arith.cmpi sgt, %mul3A_86, %sign3A_431 : i32
        %sign3A_433 = arith.extui %sign3A_432 : i1 to i32
        %sign3A_434 = arith.constant 0 : i32
        %sign3A_435 = arith.cmpi slt, %mul3A_86, %sign3A_434 : i32
        %sign3A_436 = arith.extui %sign3A_435 : i1 to i32
        %sign3A_437 = arith.subi %sign3A_433, %sign3A_436 : i32
        %sign3A_438 = arith.constant 0 : i32
        %sign3A_439 = arith.cmpi sgt, %jit3A_429, %sign3A_438 : i32
        %sign3A_440 = arith.extui %sign3A_439 : i1 to i32
        %sign3A_441 = arith.constant 0 : i32
        %sign3A_442 = arith.cmpi slt, %jit3A_429, %sign3A_441 : i32
        %sign3A_443 = arith.extui %sign3A_442 : i1 to i32
        %sign3A_444 = arith.subi %sign3A_440, %sign3A_443 : i32
        %ne3A_445 = arith.cmpi ne, %sign3A_437, %sign3A_444 : i32
        %rem3A_446 = arith.remsi %mul3A_86, %jit3A_429 : i32
        %ne3A_447 = arith.constant 0 : i32
        %ne3A_448 = arith.cmpi ne, %rem3A_446, %ne3A_447 : i32
        %and3A_449 = arith.andi %ne3A_445, %ne3A_448 : i1
        %sub3A_450 = arith.constant 1 : i32
        %sub3A_451 = arith.subi %div3A_430, %sub3A_450 : i32
        %select_n3A_452 = arith.select %and3A_449, %sub3A_451, %div3A_430 : i32
        %jit3A_453 = arith.constant 2 : i32
        %eq3A_454 = arith.constant 0 : i32
        %eq3A_455 = arith.cmpi eq, %jit3A_453, %eq3A_454 : i32
        %jit3A_456 = arith.constant 1 : i32
        %select_n3A_457 = arith.select %eq3A_455, %jit3A_456, %jit3A_453 : i32
        %rem3A_458 = arith.remsi %select_n3A_452, %select_n3A_457 : i32
        %ne3A_459 = arith.constant 0 : i32
        %ne3A_460 = arith.cmpi ne, %rem3A_458, %ne3A_459 : i32
        %lt3A_461 = arith.constant 0 : i32
        %lt3A_462 = arith.cmpi slt, %rem3A_458, %lt3A_461 : i32
        %lt3A_463 = arith.constant 0 : i32
        %lt3A_464 = arith.cmpi slt, %select_n3A_457, %lt3A_463 : i32
        %ne3A_465 = arith.xori %lt3A_462, %lt3A_464 : i1
        %and3A_466 = arith.andi %ne3A_465, %ne3A_460 : i1
        %add3A_467 = arith.addi %rem3A_458, %select_n3A_457 : i32
        %select_n3A_468 = arith.select %and3A_466, %add3A_467, %rem3A_458 : i32
        %jit3A_469 = arith.constant 10 : i32
        %eq3A_470 = arith.constant 0 : i32
        %eq3A_471 = arith.cmpi eq, %jit3A_469, %eq3A_470 : i32
        %jit3A_472 = arith.constant 1 : i32
        %select_n3A_473 = arith.select %eq3A_471, %jit3A_472, %jit3A_469 : i32
        %rem3A_474 = arith.remsi %mul3A_86, %select_n3A_473 : i32
        %ne3A_475 = arith.constant 0 : i32
        %ne3A_476 = arith.cmpi ne, %rem3A_474, %ne3A_475 : i32
        %lt3A_477 = arith.constant 0 : i32
        %lt3A_478 = arith.cmpi slt, %rem3A_474, %lt3A_477 : i32
        %lt3A_479 = arith.constant 0 : i32
        %lt3A_480 = arith.cmpi slt, %select_n3A_473, %lt3A_479 : i32
        %ne3A_481 = arith.xori %lt3A_478, %lt3A_480 : i1
        %and3A_482 = arith.andi %ne3A_481, %ne3A_476 : i1
        %add3A_483 = arith.addi %rem3A_474, %select_n3A_473 : i32
        %select_n3A_484 = arith.select %and3A_482, %add3A_483, %rem3A_474 : i32
        %add3A_485 = arith.constant 10 : i32
        %add3A_486 = arith.addi %add3A_485, %select_n3A_484 : i32
        %dma_wait3A_487 = arith.constant 0 : i32
        %dma_wait3A_488 = tpu.memref_slice %arg6[%select_n3A_468, %add3A_486, %dma_wait3A_487] : memref<2x20x40xi32, #tpu.memory_space<vmem>> -> memref<1x1x40xi32, #tpu.memory_space<vmem>>
        %dma_wait3A_489 = tpu.memref_squeeze %dma_wait3A_488 : memref<1x1x40xi32, #tpu.memory_space<vmem>> -> memref<40xi32, #tpu.memory_space<vmem>>
        %dma_wait3A_490 = arith.constant 0 : i32
        %dma_wait3A_491 = arith.constant 0 : i32
        %dma_wait3A_492 = tpu.memref_slice %arg13[%dma_wait3A_490, %dma_wait3A_491] : memref<10000x128xf32, #tpu.memory_space<vmem_shared>> -> memref<10000x128xf32, #tpu.memory_space<vmem_shared>>
        tpu.wait_indirect_dma semaphore(%arg19 : memref<!tpu.dma_semaphore, #tpu.memory_space<semaphore_mem>>) src(%arg11 : memref<40x128xf32, #tpu.memory_space<vmem>>) dst(%dma_wait3A_492 : memref<10000x128xf32, #tpu.memory_space<vmem_shared>>)
      } else {
      }
      %scan3A_201 = arith.constant 0 : i32
      %scan3A_202 = arith.constant 0 : i32
      %scan3A_203 = arith.constant 10 : i32
      %scan3A_204 = arith.addi %scan3A_202, %scan3A_203 : i32
      %scan3A_205 = arith.constant 1 : i32
      scf.for %scan3A_429 = %scan3A_202 to %scan3A_204 step %scan3A_205  : i32 {
        %mul3A_430 = arith.constant 4 : i32
        %mul3A_431 = arith.muli %mul3A_430, %scan3A_429 : i32
        %add3A_432 = arith.constant 0 : i32
        %add3A_433 = arith.addi %mul3A_431, %add3A_432 : i32
        %get3A = arith.index_cast %add3A_433 : i32 to index
        %get3A_434 = arith.constant 0 : index
        %get3A_435 = tpu.vector_load %arg9[%get3A, %get3A_434] {strides = array<i32>} : memref<40x128xf32, #tpu.memory_space<vmem>>, vector<1x16xf32>,
        %get3A_436 = vector.shape_cast %get3A_435 : vector<1x16xf32> to vector<16xf32>
        %get3A_437 = arith.index_cast %add3A_433 : i32 to index
        %get3A_438 = arith.constant 0 : index
        %get3A_439 = tpu.vector_load %arg7[%get3A_437, %get3A_438] {strides = array<i32>} : memref<40x128xf32, #tpu.memory_space<vmem>>, vector<1x16xf32>,
        %get3A_440 = vector.shape_cast %get3A_439 : vector<1x16xf32> to vector<16xf32>
        %add3A_441 = arith.addf %get3A_436, %get3A_440 : vector<16xf32>
        %max3A = arith.constant 0.000000e+00 : f32
        %max3A_442 = vector.broadcast %max3A : f32 to vector<16xf32>
        %max3A_443 = arith.maximumf %add3A_441, %max3A_442 : vector<16xf32>
        %swap3A = arith.index_cast %add3A_433 : i32 to index
        %swap3A_444 = arith.constant 0 : index
        %swap3A_445 = tpu.vector_load %arg11[%swap3A, %swap3A_444] {strides = array<i32>} : memref<40x128xf32, #tpu.memory_space<vmem>>, vector<1x16xf32>,
        %swap3A_446 = vector.shape_cast %swap3A_445 : vector<1x16xf32> to vector<16xf32>
        %swap3A_447 = vector.shape_cast %max3A_443 : vector<16xf32> to vector<1x16xf32>
        tpu.vector_store %arg11[%swap3A, %swap3A_444], %swap3A_447 {strides = array<i32>} : memref<40x128xf32, #tpu.memory_space<vmem>>, vector<1x16xf32>,
        %get3A_448 = arith.index_cast %add3A_433 : i32 to index
        %get3A_449 = arith.constant 16 : index
        %get3A_450 = tpu.vector_load %arg9[%get3A_448, %get3A_449] {strides = array<i32>} : memref<40x128xf32, #tpu.memory_space<vmem>>, vector<1x16xf32>,
        %get3A_451 = vector.shape_cast %get3A_450 : vector<1x16xf32> to vector<16xf32>
        %get3A_452 = arith.index_cast %add3A_433 : i32 to index
        %get3A_453 = arith.constant 16 : index
        %get3A_454 = tpu.vector_load %arg7[%get3A_452, %get3A_453] {strides = array<i32>} : memref<40x128xf32, #tpu.memory_space<vmem>>, vector<1x16xf32>,
        %get3A_455 = vector.shape_cast %get3A_454 : vector<1x16xf32> to vector<16xf32>
        %add3A_456 = arith.addf %get3A_451, %get3A_455 : vector<16xf32>
        %max3A_457 = arith.constant 0.000000e+00 : f32
        %max3A_458 = vector.broadcast %max3A_457 : f32 to vector<16xf32>
        %max3A_459 = arith.maximumf %add3A_456, %max3A_458 : vector<16xf32>
        %swap3A_460 = arith.index_cast %add3A_433 : i32 to index
        %swap3A_461 = arith.constant 16 : index
        %swap3A_462 = tpu.vector_load %arg11[%swap3A_460, %swap3A_461] {strides = array<i32>} : memref<40x128xf32, #tpu.memory_space<vmem>>, vector<1x16xf32>,
        %swap3A_463 = vector.shape_cast %swap3A_462 : vector<1x16xf32> to vector<16xf32>
        %swap3A_464 = vector.shape_cast %max3A_459 : vector<16xf32> to vector<1x16xf32>
        tpu.vector_store %arg11[%swap3A_460, %swap3A_461], %swap3A_464 {strides = array<i32>} : memref<40x128xf32, #tpu.memory_space<vmem>>, vector<1x16xf32>,
        %get3A_465 = arith.index_cast %add3A_433 : i32 to index
        %get3A_466 = arith.constant 32 : index
        %get3A_467 = tpu.vector_load %arg9[%get3A_465, %get3A_466] {strides = array<i32>} : memref<40x128xf32, #tpu.memory_space<vmem>>, vector<1x16xf32>,
        %get3A_468 = vector.shape_cast %get3A_467 : vector<1x16xf32> to vector<16xf32>
        %get3A_469 = arith.index_cast %add3A_433 : i32 to index
        %get3A_470 = arith.constant 32 : index
        %get3A_471 = tpu.vector_load %arg7[%get3A_469, %get3A_470] {strides = array<i32>} : memref<40x128xf32, #tpu.memory_space<vmem>>, vector<1x16xf32>,
        %get3A_472 = vector.shape_cast %get3A_471 : vector<1x16xf32> to vector<16xf32>
        %add3A_473 = arith.addf %get3A_468, %get3A_472 : vector<16xf32>
        %max3A_474 = arith.constant 0.000000e+00 : f32
        %max3A_475 = vector.broadcast %max3A_474 : f32 to vector<16xf32>
        %max3A_476 = arith.maximumf %add3A_473, %max3A_475 : vector<16xf32>
        %swap3A_477 = arith.index_cast %add3A_433 : i32 to index
        %swap3A_478 = arith.constant 32 : index
        %swap3A_479 = tpu.vector_load %arg11[%swap3A_477, %swap3A_478] {strides = array<i32>} : memref<40x128xf32, #tpu.memory_space<vmem>>, vector<1x16xf32>,
        %swap3A_480 = vector.shape_cast %swap3A_479 : vector<1x16xf32> to vector<16xf32>
        %swap3A_481 = vector.shape_cast %max3A_476 : vector<16xf32> to vector<1x16xf32>
        tpu.vector_store %arg11[%swap3A_477, %swap3A_478], %swap3A_481 {strides = array<i32>} : memref<40x128xf32, #tpu.memory_space<vmem>>, vector<1x16xf32>,
        %get3A_482 = arith.index_cast %add3A_433 : i32 to index
        %get3A_483 = arith.constant 48 : index
        %get3A_484 = tpu.vector_load %arg9[%get3A_482, %get3A_483] {strides = array<i32>} : memref<40x128xf32, #tpu.memory_space<vmem>>, vector<1x16xf32>,
        %get3A_485 = vector.shape_cast %get3A_484 : vector<1x16xf32> to vector<16xf32>
        %get3A_486 = arith.index_cast %add3A_433 : i32 to index
        %get3A_487 = arith.constant 48 : index
        %get3A_488 = tpu.vector_load %arg7[%get3A_486, %get3A_487] {strides = array<i32>} : memref<40x128xf32, #tpu.memory_space<vmem>>, vector<1x16xf32>,
        %get3A_489 = vector.shape_cast %get3A_488 : vector<1x16xf32> to vector<16xf32>
        %add3A_490 = arith.addf %get3A_485, %get3A_489 : vector<16xf32>
        %max3A_491 = arith.constant 0.000000e+00 : f32
        %max3A_492 = vector.broadcast %max3A_491 : f32 to vector<16xf32>
        %max3A_493 = arith.maximumf %add3A_490, %max3A_492 : vector<16xf32>
        %swap3A_494 = arith.index_cast %add3A_433 : i32 to index
        %swap3A_495 = arith.constant 48 : index
        %swap3A_496 = tpu.vector_load %arg11[%swap3A_494, %swap3A_495] {strides = array<i32>} : memref<40x128xf32, #tpu.memory_space<vmem>>, vector<1x16xf32>,
        %swap3A_497 = vector.shape_cast %swap3A_496 : vector<1x16xf32> to vector<16xf32>
        %swap3A_498 = vector.shape_cast %max3A_493 : vector<16xf32> to vector<1x16xf32>
        tpu.vector_store %arg11[%swap3A_494, %swap3A_495], %swap3A_498 {strides = array<i32>} : memref<40x128xf32, #tpu.memory_space<vmem>>, vector<1x16xf32>,
        %get3A_499 = arith.index_cast %add3A_433 : i32 to index
        %get3A_500 = arith.constant 64 : index
        %get3A_501 = tpu.vector_load %arg9[%get3A_499, %get3A_500] {strides = array<i32>} : memref<40x128xf32, #tpu.memory_space<vmem>>, vector<1x16xf32>,
        %get3A_502 = vector.shape_cast %get3A_501 : vector<1x16xf32> to vector<16xf32>
        %get3A_503 = arith.index_cast %add3A_433 : i32 to index
        %get3A_504 = arith.constant 64 : index
        %get3A_505 = tpu.vector_load %arg7[%get3A_503, %get3A_504] {strides = array<i32>} : memref<40x128xf32, #tpu.memory_space<vmem>>, vector<1x16xf32>,
        %get3A_506 = vector.shape_cast %get3A_505 : vector<1x16xf32> to vector<16xf32>
        %add3A_507 = arith.addf %get3A_502, %get3A_506 : vector<16xf32>
        %max3A_508 = arith.constant 0.000000e+00 : f32
        %max3A_509 = vector.broadcast %max3A_508 : f32 to vector<16xf32>
        %max3A_510 = arith.maximumf %add3A_507, %max3A_509 : vector<16xf32>
        %swap3A_511 = arith.index_cast %add3A_433 : i32 to index
        %swap3A_512 = arith.constant 64 : index
        %swap3A_513 = tpu.vector_load %arg11[%swap3A_511, %swap3A_512] {strides = array<i32>} : memref<40x128xf32, #tpu.memory_space<vmem>>, vector<1x16xf32>,
        %swap3A_514 = vector.shape_cast %swap3A_513 : vector<1x16xf32> to vector<16xf32>
        %swap3A_515 = vector.shape_cast %max3A_510 : vector<16xf32> to vector<1x16xf32>
        tpu.vector_store %arg11[%swap3A_511, %swap3A_512], %swap3A_515 {strides = array<i32>} : memref<40x128xf32, #tpu.memory_space<vmem>>, vector<1x16xf32>,
        %get3A_516 = arith.index_cast %add3A_433 : i32 to index
        %get3A_517 = arith.constant 80 : index
        %get3A_518 = tpu.vector_load %arg9[%get3A_516, %get3A_517] {strides = array<i32>} : memref<40x128xf32, #tpu.memory_space<vmem>>, vector<1x16xf32>,
        %get3A_519 = vector.shape_cast %get3A_518 : vector<1x16xf32> to vector<16xf32>
        %get3A_520 = arith.index_cast %add3A_433 : i32 to index
        %get3A_521 = arith.constant 80 : index
        %get3A_522 = tpu.vector_load %arg7[%get3A_520, %get3A_521] {strides = array<i32>} : memref<40x128xf32, #tpu.memory_space<vmem>>, vector<1x16xf32>,
        %get3A_523 = vector.shape_cast %get3A_522 : vector<1x16xf32> to vector<16xf32>
        %add3A_524 = arith.addf %get3A_519, %get3A_523 : vector<16xf32>
        %max3A_525 = arith.constant 0.000000e+00 : f32
        %max3A_526 = vector.broadcast %max3A_525 : f32 to vector<16xf32>
        %max3A_527 = arith.maximumf %add3A_524, %max3A_526 : vector<16xf32>
        %swap3A_528 = arith.index_cast %add3A_433 : i32 to index
        %swap3A_529 = arith.constant 80 : index
        %swap3A_530 = tpu.vector_load %arg11[%swap3A_528, %swap3A_529] {strides = array<i32>} : memref<40x128xf32, #tpu.memory_space<vmem>>, vector<1x16xf32>,
        %swap3A_531 = vector.shape_cast %swap3A_530 : vector<1x16xf32> to vector<16xf32>
        %swap3A_532 = vector.shape_cast %max3A_527 : vector<16xf32> to vector<1x16xf32>
        tpu.vector_store %arg11[%swap3A_528, %swap3A_529], %swap3A_532 {strides = array<i32>} : memref<40x128xf32, #tpu.memory_space<vmem>>, vector<1x16xf32>,
        %get3A_533 = arith.index_cast %add3A_433 : i32 to index
        %get3A_534 = arith.constant 96 : index
        %get3A_535 = tpu.vector_load %arg9[%get3A_533, %get3A_534] {strides = array<i32>} : memref<40x128xf32, #tpu.memory_space<vmem>>, vector<1x16xf32>,
        %get3A_536 = vector.shape_cast %get3A_535 : vector<1x16xf32> to vector<16xf32>
        %get3A_537 = arith.index_cast %add3A_433 : i32 to index
        %get3A_538 = arith.constant 96 : index
        %get3A_539 = tpu.vector_load %arg7[%get3A_537, %get3A_538] {strides = array<i32>} : memref<40x128xf32, #tpu.memory_space<vmem>>, vector<1x16xf32>,
        %get3A_540 = vector.shape_cast %get3A_539 : vector<1x16xf32> to vector<16xf32>
        %add3A_541 = arith.addf %get3A_536, %get3A_540 : vector<16xf32>
        %max3A_542 = arith.constant 0.000000e+00 : f32
        %max3A_543 = vector.broadcast %max3A_542 : f32 to vector<16xf32>
        %max3A_544 = arith.maximumf %add3A_541, %max3A_543 : vector<16xf32>
        %swap3A_545 = arith.index_cast %add3A_433 : i32 to index
        %swap3A_546 = arith.constant 96 : index
        %swap3A_547 = tpu.vector_load %arg11[%swap3A_545, %swap3A_546] {strides = array<i32>} : memref<40x128xf32, #tpu.memory_space<vmem>>, vector<1x16xf32>,
        %swap3A_548 = vector.shape_cast %swap3A_547 : vector<1x16xf32> to vector<16xf32>
        %swap3A_549 = vector.shape_cast %max3A_544 : vector<16xf32> to vector<1x16xf32>
        tpu.vector_store %arg11[%swap3A_545, %swap3A_546], %swap3A_549 {strides = array<i32>} : memref<40x128xf32, #tpu.memory_space<vmem>>, vector<1x16xf32>,
        %get3A_550 = arith.index_cast %add3A_433 : i32 to index
        %get3A_551 = arith.constant 112 : index
        %get3A_552 = tpu.vector_load %arg9[%get3A_550, %get3A_551] {strides = array<i32>} : memref<40x128xf32, #tpu.memory_space<vmem>>, vector<1x16xf32>,
        %get3A_553 = vector.shape_cast %get3A_552 : vector<1x16xf32> to vector<16xf32>
        %get3A_554 = arith.index_cast %add3A_433 : i32 to index
        %get3A_555 = arith.constant 112 : index
        %get3A_556 = tpu.vector_load %arg7[%get3A_554, %get3A_555] {strides = array<i32>} : memref<40x128xf32, #tpu.memory_space<vmem>>, vector<1x16xf32>,
        %get3A_557 = vector.shape_cast %get3A_556 : vector<1x16xf32> to vector<16xf32>
        %add3A_558 = arith.addf %get3A_553, %get3A_557 : vector<16xf32>
        %max3A_559 = arith.constant 0.000000e+00 : f32
        %max3A_560 = vector.broadcast %max3A_559 : f32 to vector<16xf32>
        %max3A_561 = arith.maximumf %add3A_558, %max3A_560 : vector<16xf32>
        %swap3A_562 = arith.index_cast %add3A_433 : i32 to index
        %swap3A_563 = arith.constant 112 : index
        %swap3A_564 = tpu.vector_load %arg11[%swap3A_562, %swap3A_563] {strides = array<i32>} : memref<40x128xf32, #tpu.memory_space<vmem>>, vector<1x16xf32>,
        %swap3A_565 = vector.shape_cast %swap3A_564 : vector<1x16xf32> to vector<16xf32>
        %swap3A_566 = vector.shape_cast %max3A_561 : vector<16xf32> to vector<1x16xf32>
        tpu.vector_store %arg11[%swap3A_562, %swap3A_563], %swap3A_566 {strides = array<i32>} : memref<40x128xf32, #tpu.memory_space<vmem>>, vector<1x16xf32>,
        %mul3A_567 = arith.constant 4 : i32
        %mul3A_568 = arith.muli %mul3A_567, %scan3A_429 : i32
        %add3A_569 = arith.constant 1 : i32
        %add3A_570 = arith.addi %mul3A_568, %add3A_569 : i32
        %get3A_571 = arith.index_cast %add3A_570 : i32 to index
        %get3A_572 = arith.constant 0 : index
        %get3A_573 = tpu.vector_load %arg9[%get3A_571, %get3A_572] {strides = array<i32>} : memref<40x128xf32, #tpu.memory_space<vmem>>, vector<1x16xf32>,
        %get3A_574 = vector.shape_cast %get3A_573 : vector<1x16xf32> to vector<16xf32>
        %get3A_575 = arith.index_cast %add3A_570 : i32 to index
        %get3A_576 = arith.constant 0 : index
        %get3A_577 = tpu.vector_load %arg7[%get3A_575, %get3A_576] {strides = array<i32>} : memref<40x128xf32, #tpu.memory_space<vmem>>, vector<1x16xf32>,
        %get3A_578 = vector.shape_cast %get3A_577 : vector<1x16xf32> to vector<16xf32>
        %add3A_579 = arith.addf %get3A_574, %get3A_578 : vector<16xf32>
        %max3A_580 = arith.constant 0.000000e+00 : f32
        %max3A_581 = vector.broadcast %max3A_580 : f32 to vector<16xf32>
        %max3A_582 = arith.maximumf %add3A_579, %max3A_581 : vector<16xf32>
        %swap3A_583 = arith.index_cast %add3A_570 : i32 to index
        %swap3A_584 = arith.constant 0 : index
        %swap3A_585 = tpu.vector_load %arg11[%swap3A_583, %swap3A_584] {strides = array<i32>} : memref<40x128xf32, #tpu.memory_space<vmem>>, vector<1x16xf32>,
        %swap3A_586 = vector.shape_cast %swap3A_585 : vector<1x16xf32> to vector<16xf32>
        %swap3A_587 = vector.shape_cast %max3A_582 : vector<16xf32> to vector<1x16xf32>
        tpu.vector_store %arg11[%swap3A_583, %swap3A_584], %swap3A_587 {strides = array<i32>} : memref<40x128xf32, #tpu.memory_space<vmem>>, vector<1x16xf32>,
        %get3A_588 = arith.index_cast %add3A_570 : i32 to index
        %get3A_589 = arith.constant 16 : index
        %get3A_590 = tpu.vector_load %arg9[%get3A_588, %get3A_589] {strides = array<i32>} : memref<40x128xf32, #tpu.memory_space<vmem>>, vector<1x16xf32>,
        %get3A_591 = vector.shape_cast %get3A_590 : vector<1x16xf32> to vector<16xf32>
        %get3A_592 = arith.index_cast %add3A_570 : i32 to index
        %get3A_593 = arith.constant 16 : index
        %get3A_594 = tpu.vector_load %arg7[%get3A_592, %get3A_593] {strides = array<i32>} : memref<40x128xf32, #tpu.memory_space<vmem>>, vector<1x16xf32>,
        %get3A_595 = vector.shape_cast %get3A_594 : vector<1x16xf32> to vector<16xf32>
        %add3A_596 = arith.addf %get3A_591, %get3A_595 : vector<16xf32>
        %max3A_597 = arith.constant 0.000000e+00 : f32
        %max3A_598 = vector.broadcast %max3A_597 : f32 to vector<16xf32>
        %max3A_599 = arith.maximumf %add3A_596, %max3A_598 : vector<16xf32>
        %swap3A_600 = arith.index_cast %add3A_570 : i32 to index
        %swap3A_601 = arith.constant 16 : index
        %swap3A_602 = tpu.vector_load %arg11[%swap3A_600, %swap3A_601] {strides = array<i32>} : memref<40x128xf32, #tpu.memory_space<vmem>>, vector<1x16xf32>,
        %swap3A_603 = vector.shape_cast %swap3A_602 : vector<1x16xf32> to vector<16xf32>
        %swap3A_604 = vector.shape_cast %max3A_599 : vector<16xf32> to vector<1x16xf32>
        tpu.vector_store %arg11[%swap3A_600, %swap3A_601], %swap3A_604 {strides = array<i32>} : memref<40x128xf32, #tpu.memory_space<vmem>>, vector<1x16xf32>,
        %get3A_605 = arith.index_cast %add3A_570 : i32 to index
        %get3A_606 = arith.constant 32 : index
        %get3A_607 = tpu.vector_load %arg9[%get3A_605, %get3A_606] {strides = array<i32>} : memref<40x128xf32, #tpu.memory_space<vmem>>, vector<1x16xf32>,
        %get3A_608 = vector.shape_cast %get3A_607 : vector<1x16xf32> to vector<16xf32>
        %get3A_609 = arith.index_cast %add3A_570 : i32 to index
        %get3A_610 = arith.constant 32 : index
        %get3A_611 = tpu.vector_load %arg7[%get3A_609, %get3A_610] {strides = array<i32>} : memref<40x128xf32, #tpu.memory_space<vmem>>, vector<1x16xf32>,
        %get3A_612 = vector.shape_cast %get3A_611 : vector<1x16xf32> to vector<16xf32>
        %add3A_613 = arith.addf %get3A_608, %get3A_612 : vector<16xf32>
        %max3A_614 = arith.constant 0.000000e+00 : f32
        %max3A_615 = vector.broadcast %max3A_614 : f32 to vector<16xf32>
        %max3A_616 = arith.maximumf %add3A_613, %max3A_615 : vector<16xf32>
        %swap3A_617 = arith.index_cast %add3A_570 : i32 to index
        %swap3A_618 = arith.constant 32 : index
        %swap3A_619 = tpu.vector_load %arg11[%swap3A_617, %swap3A_618] {strides = array<i32>} : memref<40x128xf32, #tpu.memory_space<vmem>>, vector<1x16xf32>,
        %swap3A_620 = vector.shape_cast %swap3A_619 : vector<1x16xf32> to vector<16xf32>
        %swap3A_621 = vector.shape_cast %max3A_616 : vector<16xf32> to vector<1x16xf32>
        tpu.vector_store %arg11[%swap3A_617, %swap3A_618], %swap3A_621 {strides = array<i32>} : memref<40x128xf32, #tpu.memory_space<vmem>>, vector<1x16xf32>,
        %get3A_622 = arith.index_cast %add3A_570 : i32 to index
        %get3A_623 = arith.constant 48 : index
        %get3A_624 = tpu.vector_load %arg9[%get3A_622, %get3A_623] {strides = array<i32>} : memref<40x128xf32, #tpu.memory_space<vmem>>, vector<1x16xf32>,
        %get3A_625 = vector.shape_cast %get3A_624 : vector<1x16xf32> to vector<16xf32>
        %get3A_626 = arith.index_cast %add3A_570 : i32 to index
        %get3A_627 = arith.constant 48 : index
        %get3A_628 = tpu.vector_load %arg7[%get3A_626, %get3A_627] {strides = array<i32>} : memref<40x128xf32, #tpu.memory_space<vmem>>, vector<1x16xf32>,
        %get3A_629 = vector.shape_cast %get3A_628 : vector<1x16xf32> to vector<16xf32>
        %add3A_630 = arith.addf %get3A_625, %get3A_629 : vector<16xf32>
        %max3A_631 = arith.constant 0.000000e+00 : f32
        %max3A_632 = vector.broadcast %max3A_631 : f32 to vector<16xf32>
        %max3A_633 = arith.maximumf %add3A_630, %max3A_632 : vector<16xf32>
        %swap3A_634 = arith.index_cast %add3A_570 : i32 to index
        %swap3A_635 = arith.constant 48 : index
        %swap3A_636 = tpu.vector_load %arg11[%swap3A_634, %swap3A_635] {strides = array<i32>} : memref<40x128xf32, #tpu.memory_space<vmem>>, vector<1x16xf32>,
        %swap3A_637 = vector.shape_cast %swap3A_636 : vector<1x16xf32> to vector<16xf32>
        %swap3A_638 = vector.shape_cast %max3A_633 : vector<16xf32> to vector<1x16xf32>
        tpu.vector_store %arg11[%swap3A_634, %swap3A_635], %swap3A_638 {strides = array<i32>} : memref<40x128xf32, #tpu.memory_space<vmem>>, vector<1x16xf32>,
        %get3A_639 = arith.index_cast %add3A_570 : i32 to index
        %get3A_640 = arith.constant 64 : index
        %get3A_641 = tpu.vector_load %arg9[%get3A_639, %get3A_640] {strides = array<i32>} : memref<40x128xf32, #tpu.memory_space<vmem>>, vector<1x16xf32>,
        %get3A_642 = vector.shape_cast %get3A_641 : vector<1x16xf32> to vector<16xf32>
        %get3A_643 = arith.index_cast %add3A_570 : i32 to index
        %get3A_644 = arith.constant 64 : index
        %get3A_645 = tpu.vector_load %arg7[%get3A_643, %get3A_644] {strides = array<i32>} : memref<40x128xf32, #tpu.memory_space<vmem>>, vector<1x16xf32>,
        %get3A_646 = vector.shape_cast %get3A_645 : vector<1x16xf32> to vector<16xf32>
        %add3A_647 = arith.addf %get3A_642, %get3A_646 : vector<16xf32>
        %max3A_648 = arith.constant 0.000000e+00 : f32
        %max3A_649 = vector.broadcast %max3A_648 : f32 to vector<16xf32>
        %max3A_650 = arith.maximumf %add3A_647, %max3A_649 : vector<16xf32>
        %swap3A_651 = arith.index_cast %add3A_570 : i32 to index
        %swap3A_652 = arith.constant 64 : index
        %swap3A_653 = tpu.vector_load %arg11[%swap3A_651, %swap3A_652] {strides = array<i32>} : memref<40x128xf32, #tpu.memory_space<vmem>>, vector<1x16xf32>,
        %swap3A_654 = vector.shape_cast %swap3A_653 : vector<1x16xf32> to vector<16xf32>
        %swap3A_655 = vector.shape_cast %max3A_650 : vector<16xf32> to vector<1x16xf32>
        tpu.vector_store %arg11[%swap3A_651, %swap3A_652], %swap3A_655 {strides = array<i32>} : memref<40x128xf32, #tpu.memory_space<vmem>>, vector<1x16xf32>,
        %get3A_656 = arith.index_cast %add3A_570 : i32 to index
        %get3A_657 = arith.constant 80 : index
        %get3A_658 = tpu.vector_load %arg9[%get3A_656, %get3A_657] {strides = array<i32>} : memref<40x128xf32, #tpu.memory_space<vmem>>, vector<1x16xf32>,
        %get3A_659 = vector.shape_cast %get3A_658 : vector<1x16xf32> to vector<16xf32>
        %get3A_660 = arith.index_cast %add3A_570 : i32 to index
        %get3A_661 = arith.constant 80 : index
        %get3A_662 = tpu.vector_load %arg7[%get3A_660, %get3A_661] {strides = array<i32>} : memref<40x128xf32, #tpu.memory_space<vmem>>, vector<1x16xf32>,
        %get3A_663 = vector.shape_cast %get3A_662 : vector<1x16xf32> to vector<16xf32>
        %add3A_664 = arith.addf %get3A_659, %get3A_663 : vector<16xf32>
        %max3A_665 = arith.constant 0.000000e+00 : f32
        %max3A_666 = vector.broadcast %max3A_665 : f32 to vector<16xf32>
        %max3A_667 = arith.maximumf %add3A_664, %max3A_666 : vector<16xf32>
        %swap3A_668 = arith.index_cast %add3A_570 : i32 to index
        %swap3A_669 = arith.constant 80 : index
        %swap3A_670 = tpu.vector_load %arg11[%swap3A_668, %swap3A_669] {strides = array<i32>} : memref<40x128xf32, #tpu.memory_space<vmem>>, vector<1x16xf32>,
        %swap3A_671 = vector.shape_cast %swap3A_670 : vector<1x16xf32> to vector<16xf32>
        %swap3A_672 = vector.shape_cast %max3A_667 : vector<16xf32> to vector<1x16xf32>
        tpu.vector_store %arg11[%swap3A_668, %swap3A_669], %swap3A_672 {strides = array<i32>} : memref<40x128xf32, #tpu.memory_space<vmem>>, vector<1x16xf32>,
        %get3A_673 = arith.index_cast %add3A_570 : i32 to index
        %get3A_674 = arith.constant 96 : index
        %get3A_675 = tpu.vector_load %arg9[%get3A_673, %get3A_674] {strides = array<i32>} : memref<40x128xf32, #tpu.memory_space<vmem>>, vector<1x16xf32>,
        %get3A_676 = vector.shape_cast %get3A_675 : vector<1x16xf32> to vector<16xf32>
        %get3A_677 = arith.index_cast %add3A_570 : i32 to index
        %get3A_678 = arith.constant 96 : index
        %get3A_679 = tpu.vector_load %arg7[%get3A_677, %get3A_678] {strides = array<i32>} : memref<40x128xf32, #tpu.memory_space<vmem>>, vector<1x16xf32>,
        %get3A_680 = vector.shape_cast %get3A_679 : vector<1x16xf32> to vector<16xf32>
        %add3A_681 = arith.addf %get3A_676, %get3A_680 : vector<16xf32>
        %max3A_682 = arith.constant 0.000000e+00 : f32
        %max3A_683 = vector.broadcast %max3A_682 : f32 to vector<16xf32>
        %max3A_684 = arith.maximumf %add3A_681, %max3A_683 : vector<16xf32>
        %swap3A_685 = arith.index_cast %add3A_570 : i32 to index
        %swap3A_686 = arith.constant 96 : index
        %swap3A_687 = tpu.vector_load %arg11[%swap3A_685, %swap3A_686] {strides = array<i32>} : memref<40x128xf32, #tpu.memory_space<vmem>>, vector<1x16xf32>,
        %swap3A_688 = vector.shape_cast %swap3A_687 : vector<1x16xf32> to vector<16xf32>
        %swap3A_689 = vector.shape_cast %max3A_684 : vector<16xf32> to vector<1x16xf32>
        tpu.vector_store %arg11[%swap3A_685, %swap3A_686], %swap3A_689 {strides = array<i32>} : memref<40x128xf32, #tpu.memory_space<vmem>>, vector<1x16xf32>,
        %get3A_690 = arith.index_cast %add3A_570 : i32 to index
        %get3A_691 = arith.constant 112 : index
        %get3A_692 = tpu.vector_load %arg9[%get3A_690, %get3A_691] {strides = array<i32>} : memref<40x128xf32, #tpu.memory_space<vmem>>, vector<1x16xf32>,
        %get3A_693 = vector.shape_cast %get3A_692 : vector<1x16xf32> to vector<16xf32>
        %get3A_694 = arith.index_cast %add3A_570 : i32 to index
        %get3A_695 = arith.constant 112 : index
        %get3A_696 = tpu.vector_load %arg7[%get3A_694, %get3A_695] {strides = array<i32>} : memref<40x128xf32, #tpu.memory_space<vmem>>, vector<1x16xf32>,
        %get3A_697 = vector.shape_cast %get3A_696 : vector<1x16xf32> to vector<16xf32>
        %add3A_698 = arith.addf %get3A_693, %get3A_697 : vector<16xf32>
        %max3A_699 = arith.constant 0.000000e+00 : f32
        %max3A_700 = vector.broadcast %max3A_699 : f32 to vector<16xf32>
        %max3A_701 = arith.maximumf %add3A_698, %max3A_700 : vector<16xf32>
        %swap3A_702 = arith.index_cast %add3A_570 : i32 to index
        %swap3A_703 = arith.constant 112 : index
        %swap3A_704 = tpu.vector_load %arg11[%swap3A_702, %swap3A_703] {strides = array<i32>} : memref<40x128xf32, #tpu.memory_space<vmem>>, vector<1x16xf32>,
        %swap3A_705 = vector.shape_cast %swap3A_704 : vector<1x16xf32> to vector<16xf32>
        %swap3A_706 = vector.shape_cast %max3A_701 : vector<16xf32> to vector<1x16xf32>
        tpu.vector_store %arg11[%swap3A_702, %swap3A_703], %swap3A_706 {strides = array<i32>} : memref<40x128xf32, #tpu.memory_space<vmem>>, vector<1x16xf32>,
        %mul3A_707 = arith.constant 4 : i32
        %mul3A_708 = arith.muli %mul3A_707, %scan3A_429 : i32
        %add3A_709 = arith.constant 2 : i32
        %add3A_710 = arith.addi %mul3A_708, %add3A_709 : i32
        %get3A_711 = arith.index_cast %add3A_710 : i32 to index
        %get3A_712 = arith.constant 0 : index
        %get3A_713 = tpu.vector_load %arg9[%get3A_711, %get3A_712] {strides = array<i32>} : memref<40x128xf32, #tpu.memory_space<vmem>>, vector<1x16xf32>,
        %get3A_714 = vector.shape_cast %get3A_713 : vector<1x16xf32> to vector<16xf32>
        %get3A_715 = arith.index_cast %add3A_710 : i32 to index
        %get3A_716 = arith.constant 0 : index
        %get3A_717 = tpu.vector_load %arg7[%get3A_715, %get3A_716] {strides = array<i32>} : memref<40x128xf32, #tpu.memory_space<vmem>>, vector<1x16xf32>,
        %get3A_718 = vector.shape_cast %get3A_717 : vector<1x16xf32> to vector<16xf32>
        %add3A_719 = arith.addf %get3A_714, %get3A_718 : vector<16xf32>
        %max3A_720 = arith.constant 0.000000e+00 : f32
        %max3A_721 = vector.broadcast %max3A_720 : f32 to vector<16xf32>
        %max3A_722 = arith.maximumf %add3A_719, %max3A_721 : vector<16xf32>
        %swap3A_723 = arith.index_cast %add3A_710 : i32 to index
        %swap3A_724 = arith.constant 0 : index
        %swap3A_725 = tpu.vector_load %arg11[%swap3A_723, %swap3A_724] {strides = array<i32>} : memref<40x128xf32, #tpu.memory_space<vmem>>, vector<1x16xf32>,
        %swap3A_726 = vector.shape_cast %swap3A_725 : vector<1x16xf32> to vector<16xf32>
        %swap3A_727 = vector.shape_cast %max3A_722 : vector<16xf32> to vector<1x16xf32>
        tpu.vector_store %arg11[%swap3A_723, %swap3A_724], %swap3A_727 {strides = array<i32>} : memref<40x128xf32, #tpu.memory_space<vmem>>, vector<1x16xf32>,
        %get3A_728 = arith.index_cast %add3A_710 : i32 to index
        %get3A_729 = arith.constant 16 : index
        %get3A_730 = tpu.vector_load %arg9[%get3A_728, %get3A_729] {strides = array<i32>} : memref<40x128xf32, #tpu.memory_space<vmem>>, vector<1x16xf32>,
        %get3A_731 = vector.shape_cast %get3A_730 : vector<1x16xf32> to vector<16xf32>
        %get3A_732 = arith.index_cast %add3A_710 : i32 to index
        %get3A_733 = arith.constant 16 : index
        %get3A_734 = tpu.vector_load %arg7[%get3A_732, %get3A_733] {strides = array<i32>} : memref<40x128xf32, #tpu.memory_space<vmem>>, vector<1x16xf32>,
        %get3A_735 = vector.shape_cast %get3A_734 : vector<1x16xf32> to vector<16xf32>
        %add3A_736 = arith.addf %get3A_731, %get3A_735 : vector<16xf32>
        %max3A_737 = arith.constant 0.000000e+00 : f32
        %max3A_738 = vector.broadcast %max3A_737 : f32 to vector<16xf32>
        %max3A_739 = arith.maximumf %add3A_736, %max3A_738 : vector<16xf32>
        %swap3A_740 = arith.index_cast %add3A_710 : i32 to index
        %swap3A_741 = arith.constant 16 : index
        %swap3A_742 = tpu.vector_load %arg11[%swap3A_740, %swap3A_741] {strides = array<i32>} : memref<40x128xf32, #tpu.memory_space<vmem>>, vector<1x16xf32>,
        %swap3A_743 = vector.shape_cast %swap3A_742 : vector<1x16xf32> to vector<16xf32>
        %swap3A_744 = vector.shape_cast %max3A_739 : vector<16xf32> to vector<1x16xf32>
        tpu.vector_store %arg11[%swap3A_740, %swap3A_741], %swap3A_744 {strides = array<i32>} : memref<40x128xf32, #tpu.memory_space<vmem>>, vector<1x16xf32>,
        %get3A_745 = arith.index_cast %add3A_710 : i32 to index
        %get3A_746 = arith.constant 32 : index
        %get3A_747 = tpu.vector_load %arg9[%get3A_745, %get3A_746] {strides = array<i32>} : memref<40x128xf32, #tpu.memory_space<vmem>>, vector<1x16xf32>,
        %get3A_748 = vector.shape_cast %get3A_747 : vector<1x16xf32> to vector<16xf32>
        %get3A_749 = arith.index_cast %add3A_710 : i32 to index
        %get3A_750 = arith.constant 32 : index
        %get3A_751 = tpu.vector_load %arg7[%get3A_749, %get3A_750] {strides = array<i32>} : memref<40x128xf32, #tpu.memory_space<vmem>>, vector<1x16xf32>,
        %get3A_752 = vector.shape_cast %get3A_751 : vector<1x16xf32> to vector<16xf32>
        %add3A_753 = arith.addf %get3A_748, %get3A_752 : vector<16xf32>
        %max3A_754 = arith.constant 0.000000e+00 : f32
        %max3A_755 = vector.broadcast %max3A_754 : f32 to vector<16xf32>
        %max3A_756 = arith.maximumf %add3A_753, %max3A_755 : vector<16xf32>
        %swap3A_757 = arith.index_cast %add3A_710 : i32 to index
        %swap3A_758 = arith.constant 32 : index
        %swap3A_759 = tpu.vector_load %arg11[%swap3A_757, %swap3A_758] {strides = array<i32>} : memref<40x128xf32, #tpu.memory_space<vmem>>, vector<1x16xf32>,
        %swap3A_760 = vector.shape_cast %swap3A_759 : vector<1x16xf32> to vector<16xf32>
        %swap3A_761 = vector.shape_cast %max3A_756 : vector<16xf32> to vector<1x16xf32>
        tpu.vector_store %arg11[%swap3A_757, %swap3A_758], %swap3A_761 {strides = array<i32>} : memref<40x128xf32, #tpu.memory_space<vmem>>, vector<1x16xf32>,
        %get3A_762 = arith.index_cast %add3A_710 : i32 to index
        %get3A_763 = arith.constant 48 : index
        %get3A_764 = tpu.vector_load %arg9[%get3A_762, %get3A_763] {strides = array<i32>} : memref<40x128xf32, #tpu.memory_space<vmem>>, vector<1x16xf32>,
        %get3A_765 = vector.shape_cast %get3A_764 : vector<1x16xf32> to vector<16xf32>
        %get3A_766 = arith.index_cast %add3A_710 : i32 to index
        %get3A_767 = arith.constant 48 : index
        %get3A_768 = tpu.vector_load %arg7[%get3A_766, %get3A_767] {strides = array<i32>} : memref<40x128xf32, #tpu.memory_space<vmem>>, vector<1x16xf32>,
        %get3A_769 = vector.shape_cast %get3A_768 : vector<1x16xf32> to vector<16xf32>
        %add3A_770 = arith.addf %get3A_765, %get3A_769 : vector<16xf32>
        %max3A_771 = arith.constant 0.000000e+00 : f32
        %max3A_772 = vector.broadcast %max3A_771 : f32 to vector<16xf32>
        %max3A_773 = arith.maximumf %add3A_770, %max3A_772 : vector<16xf32>
        %swap3A_774 = arith.index_cast %add3A_710 : i32 to index
        %swap3A_775 = arith.constant 48 : index
        %swap3A_776 = tpu.vector_load %arg11[%swap3A_774, %swap3A_775] {strides = array<i32>} : memref<40x128xf32, #tpu.memory_space<vmem>>, vector<1x16xf32>,
        %swap3A_777 = vector.shape_cast %swap3A_776 : vector<1x16xf32> to vector<16xf32>
        %swap3A_778 = vector.shape_cast %max3A_773 : vector<16xf32> to vector<1x16xf32>
        tpu.vector_store %arg11[%swap3A_774, %swap3A_775], %swap3A_778 {strides = array<i32>} : memref<40x128xf32, #tpu.memory_space<vmem>>, vector<1x16xf32>,
        %get3A_779 = arith.index_cast %add3A_710 : i32 to index
        %get3A_780 = arith.constant 64 : index
        %get3A_781 = tpu.vector_load %arg9[%get3A_779, %get3A_780] {strides = array<i32>} : memref<40x128xf32, #tpu.memory_space<vmem>>, vector<1x16xf32>,
        %get3A_782 = vector.shape_cast %get3A_781 : vector<1x16xf32> to vector<16xf32>
        %get3A_783 = arith.index_cast %add3A_710 : i32 to index
        %get3A_784 = arith.constant 64 : index
        %get3A_785 = tpu.vector_load %arg7[%get3A_783, %get3A_784] {strides = array<i32>} : memref<40x128xf32, #tpu.memory_space<vmem>>, vector<1x16xf32>,
        %get3A_786 = vector.shape_cast %get3A_785 : vector<1x16xf32> to vector<16xf32>
        %add3A_787 = arith.addf %get3A_782, %get3A_786 : vector<16xf32>
        %max3A_788 = arith.constant 0.000000e+00 : f32
        %max3A_789 = vector.broadcast %max3A_788 : f32 to vector<16xf32>
        %max3A_790 = arith.maximumf %add3A_787, %max3A_789 : vector<16xf32>
        %swap3A_791 = arith.index_cast %add3A_710 : i32 to index
        %swap3A_792 = arith.constant 64 : index
        %swap3A_793 = tpu.vector_load %arg11[%swap3A_791, %swap3A_792] {strides = array<i32>} : memref<40x128xf32, #tpu.memory_space<vmem>>, vector<1x16xf32>,
        %swap3A_794 = vector.shape_cast %swap3A_793 : vector<1x16xf32> to vector<16xf32>
        %swap3A_795 = vector.shape_cast %max3A_790 : vector<16xf32> to vector<1x16xf32>
        tpu.vector_store %arg11[%swap3A_791, %swap3A_792], %swap3A_795 {strides = array<i32>} : memref<40x128xf32, #tpu.memory_space<vmem>>, vector<1x16xf32>,
        %get3A_796 = arith.index_cast %add3A_710 : i32 to index
        %get3A_797 = arith.constant 80 : index
        %get3A_798 = tpu.vector_load %arg9[%get3A_796, %get3A_797] {strides = array<i32>} : memref<40x128xf32, #tpu.memory_space<vmem>>, vector<1x16xf32>,
        %get3A_799 = vector.shape_cast %get3A_798 : vector<1x16xf32> to vector<16xf32>
        %get3A_800 = arith.index_cast %add3A_710 : i32 to index
        %get3A_801 = arith.constant 80 : index
        %get3A_802 = tpu.vector_load %arg7[%get3A_800, %get3A_801] {strides = array<i32>} : memref<40x128xf32, #tpu.memory_space<vmem>>, vector<1x16xf32>,
        %get3A_803 = vector.shape_cast %get3A_802 : vector<1x16xf32> to vector<16xf32>
        %add3A_804 = arith.addf %get3A_799, %get3A_803 : vector<16xf32>
        %max3A_805 = arith.constant 0.000000e+00 : f32
        %max3A_806 = vector.broadcast %max3A_805 : f32 to vector<16xf32>
        %max3A_807 = arith.maximumf %add3A_804, %max3A_806 : vector<16xf32>
        %swap3A_808 = arith.index_cast %add3A_710 : i32 to index
        %swap3A_809 = arith.constant 80 : index
        %swap3A_810 = tpu.vector_load %arg11[%swap3A_808, %swap3A_809] {strides = array<i32>} : memref<40x128xf32, #tpu.memory_space<vmem>>, vector<1x16xf32>,
        %swap3A_811 = vector.shape_cast %swap3A_810 : vector<1x16xf32> to vector<16xf32>
        %swap3A_812 = vector.shape_cast %max3A_807 : vector<16xf32> to vector<1x16xf32>
        tpu.vector_store %arg11[%swap3A_808, %swap3A_809], %swap3A_812 {strides = array<i32>} : memref<40x128xf32, #tpu.memory_space<vmem>>, vector<1x16xf32>,
        %get3A_813 = arith.index_cast %add3A_710 : i32 to index
        %get3A_814 = arith.constant 96 : index
        %get3A_815 = tpu.vector_load %arg9[%get3A_813, %get3A_814] {strides = array<i32>} : memref<40x128xf32, #tpu.memory_space<vmem>>, vector<1x16xf32>,
        %get3A_816 = vector.shape_cast %get3A_815 : vector<1x16xf32> to vector<16xf32>
        %get3A_817 = arith.index_cast %add3A_710 : i32 to index
        %get3A_818 = arith.constant 96 : index
        %get3A_819 = tpu.vector_load %arg7[%get3A_817, %get3A_818] {strides = array<i32>} : memref<40x128xf32, #tpu.memory_space<vmem>>, vector<1x16xf32>,
        %get3A_820 = vector.shape_cast %get3A_819 : vector<1x16xf32> to vector<16xf32>
        %add3A_821 = arith.addf %get3A_816, %get3A_820 : vector<16xf32>
        %max3A_822 = arith.constant 0.000000e+00 : f32
        %max3A_823 = vector.broadcast %max3A_822 : f32 to vector<16xf32>
        %max3A_824 = arith.maximumf %add3A_821, %max3A_823 : vector<16xf32>
        %swap3A_825 = arith.index_cast %add3A_710 : i32 to index
        %swap3A_826 = arith.constant 96 : index
        %swap3A_827 = tpu.vector_load %arg11[%swap3A_825, %swap3A_826] {strides = array<i32>} : memref<40x128xf32, #tpu.memory_space<vmem>>, vector<1x16xf32>,
        %swap3A_828 = vector.shape_cast %swap3A_827 : vector<1x16xf32> to vector<16xf32>
        %swap3A_829 = vector.shape_cast %max3A_824 : vector<16xf32> to vector<1x16xf32>
        tpu.vector_store %arg11[%swap3A_825, %swap3A_826], %swap3A_829 {strides = array<i32>} : memref<40x128xf32, #tpu.memory_space<vmem>>, vector<1x16xf32>,
        %get3A_830 = arith.index_cast %add3A_710 : i32 to index
        %get3A_831 = arith.constant 112 : index
        %get3A_832 = tpu.vector_load %arg9[%get3A_830, %get3A_831] {strides = array<i32>} : memref<40x128xf32, #tpu.memory_space<vmem>>, vector<1x16xf32>,
        %get3A_833 = vector.shape_cast %get3A_832 : vector<1x16xf32> to vector<16xf32>
        %get3A_834 = arith.index_cast %add3A_710 : i32 to index
        %get3A_835 = arith.constant 112 : index
        %get3A_836 = tpu.vector_load %arg7[%get3A_834, %get3A_835] {strides = array<i32>} : memref<40x128xf32, #tpu.memory_space<vmem>>, vector<1x16xf32>,
        %get3A_837 = vector.shape_cast %get3A_836 : vector<1x16xf32> to vector<16xf32>
        %add3A_838 = arith.addf %get3A_833, %get3A_837 : vector<16xf32>
        %max3A_839 = arith.constant 0.000000e+00 : f32
        %max3A_840 = vector.broadcast %max3A_839 : f32 to vector<16xf32>
        %max3A_841 = arith.maximumf %add3A_838, %max3A_840 : vector<16xf32>
        %swap3A_842 = arith.index_cast %add3A_710 : i32 to index
        %swap3A_843 = arith.constant 112 : index
        %swap3A_844 = tpu.vector_load %arg11[%swap3A_842, %swap3A_843] {strides = array<i32>} : memref<40x128xf32, #tpu.memory_space<vmem>>, vector<1x16xf32>,
        %swap3A_845 = vector.shape_cast %swap3A_844 : vector<1x16xf32> to vector<16xf32>
        %swap3A_846 = vector.shape_cast %max3A_841 : vector<16xf32> to vector<1x16xf32>
        tpu.vector_store %arg11[%swap3A_842, %swap3A_843], %swap3A_846 {strides = array<i32>} : memref<40x128xf32, #tpu.memory_space<vmem>>, vector<1x16xf32>,
        %mul3A_847 = arith.constant 4 : i32
        %mul3A_848 = arith.muli %mul3A_847, %scan3A_429 : i32
        %add3A_849 = arith.constant 3 : i32
        %add3A_850 = arith.addi %mul3A_848, %add3A_849 : i32
        %get3A_851 = arith.index_cast %add3A_850 : i32 to index
        %get3A_852 = arith.constant 0 : index
        %get3A_853 = tpu.vector_load %arg9[%get3A_851, %get3A_852] {strides = array<i32>} : memref<40x128xf32, #tpu.memory_space<vmem>>, vector<1x16xf32>,
        %get3A_854 = vector.shape_cast %get3A_853 : vector<1x16xf32> to vector<16xf32>
        %get3A_855 = arith.index_cast %add3A_850 : i32 to index
        %get3A_856 = arith.constant 0 : index
        %get3A_857 = tpu.vector_load %arg7[%get3A_855, %get3A_856] {strides = array<i32>} : memref<40x128xf32, #tpu.memory_space<vmem>>, vector<1x16xf32>,
        %get3A_858 = vector.shape_cast %get3A_857 : vector<1x16xf32> to vector<16xf32>
        %add3A_859 = arith.addf %get3A_854, %get3A_858 : vector<16xf32>
        %max3A_860 = arith.constant 0.000000e+00 : f32
        %max3A_861 = vector.broadcast %max3A_860 : f32 to vector<16xf32>
        %max3A_862 = arith.maximumf %add3A_859, %max3A_861 : vector<16xf32>
        %swap3A_863 = arith.index_cast %add3A_850 : i32 to index
        %swap3A_864 = arith.constant 0 : index
        %swap3A_865 = tpu.vector_load %arg11[%swap3A_863, %swap3A_864] {strides = array<i32>} : memref<40x128xf32, #tpu.memory_space<vmem>>, vector<1x16xf32>,
        %swap3A_866 = vector.shape_cast %swap3A_865 : vector<1x16xf32> to vector<16xf32>
        %swap3A_867 = vector.shape_cast %max3A_862 : vector<16xf32> to vector<1x16xf32>
        tpu.vector_store %arg11[%swap3A_863, %swap3A_864], %swap3A_867 {strides = array<i32>} : memref<40x128xf32, #tpu.memory_space<vmem>>, vector<1x16xf32>,
        %get3A_868 = arith.index_cast %add3A_850 : i32 to index
        %get3A_869 = arith.constant 16 : index
        %get3A_870 = tpu.vector_load %arg9[%get3A_868, %get3A_869] {strides = array<i32>} : memref<40x128xf32, #tpu.memory_space<vmem>>, vector<1x16xf32>,
        %get3A_871 = vector.shape_cast %get3A_870 : vector<1x16xf32> to vector<16xf32>
        %get3A_872 = arith.index_cast %add3A_850 : i32 to index
        %get3A_873 = arith.constant 16 : index
        %get3A_874 = tpu.vector_load %arg7[%get3A_872, %get3A_873] {strides = array<i32>} : memref<40x128xf32, #tpu.memory_space<vmem>>, vector<1x16xf32>,
        %get3A_875 = vector.shape_cast %get3A_874 : vector<1x16xf32> to vector<16xf32>
        %add3A_876 = arith.addf %get3A_871, %get3A_875 : vector<16xf32>
        %max3A_877 = arith.constant 0.000000e+00 : f32
        %max3A_878 = vector.broadcast %max3A_877 : f32 to vector<16xf32>
        %max3A_879 = arith.maximumf %add3A_876, %max3A_878 : vector<16xf32>
        %swap3A_880 = arith.index_cast %add3A_850 : i32 to index
        %swap3A_881 = arith.constant 16 : index
        %swap3A_882 = tpu.vector_load %arg11[%swap3A_880, %swap3A_881] {strides = array<i32>} : memref<40x128xf32, #tpu.memory_space<vmem>>, vector<1x16xf32>,
        %swap3A_883 = vector.shape_cast %swap3A_882 : vector<1x16xf32> to vector<16xf32>
        %swap3A_884 = vector.shape_cast %max3A_879 : vector<16xf32> to vector<1x16xf32>
        tpu.vector_store %arg11[%swap3A_880, %swap3A_881], %swap3A_884 {strides = array<i32>} : memref<40x128xf32, #tpu.memory_space<vmem>>, vector<1x16xf32>,
        %get3A_885 = arith.index_cast %add3A_850 : i32 to index
        %get3A_886 = arith.constant 32 : index
        %get3A_887 = tpu.vector_load %arg9[%get3A_885, %get3A_886] {strides = array<i32>} : memref<40x128xf32, #tpu.memory_space<vmem>>, vector<1x16xf32>,
        %get3A_888 = vector.shape_cast %get3A_887 : vector<1x16xf32> to vector<16xf32>
        %get3A_889 = arith.index_cast %add3A_850 : i32 to index
        %get3A_890 = arith.constant 32 : index
        %get3A_891 = tpu.vector_load %arg7[%get3A_889, %get3A_890] {strides = array<i32>} : memref<40x128xf32, #tpu.memory_space<vmem>>, vector<1x16xf32>,
        %get3A_892 = vector.shape_cast %get3A_891 : vector<1x16xf32> to vector<16xf32>
        %add3A_893 = arith.addf %get3A_888, %get3A_892 : vector<16xf32>
        %max3A_894 = arith.constant 0.000000e+00 : f32
        %max3A_895 = vector.broadcast %max3A_894 : f32 to vector<16xf32>
        %max3A_896 = arith.maximumf %add3A_893, %max3A_895 : vector<16xf32>
        %swap3A_897 = arith.index_cast %add3A_850 : i32 to index
        %swap3A_898 = arith.constant 32 : index
        %swap3A_899 = tpu.vector_load %arg11[%swap3A_897, %swap3A_898] {strides = array<i32>} : memref<40x128xf32, #tpu.memory_space<vmem>>, vector<1x16xf32>,
        %swap3A_900 = vector.shape_cast %swap3A_899 : vector<1x16xf32> to vector<16xf32>
        %swap3A_901 = vector.shape_cast %max3A_896 : vector<16xf32> to vector<1x16xf32>
        tpu.vector_store %arg11[%swap3A_897, %swap3A_898], %swap3A_901 {strides = array<i32>} : memref<40x128xf32, #tpu.memory_space<vmem>>, vector<1x16xf32>,
        %get3A_902 = arith.index_cast %add3A_850 : i32 to index
        %get3A_903 = arith.constant 48 : index
        %get3A_904 = tpu.vector_load %arg9[%get3A_902, %get3A_903] {strides = array<i32>} : memref<40x128xf32, #tpu.memory_space<vmem>>, vector<1x16xf32>,
        %get3A_905 = vector.shape_cast %get3A_904 : vector<1x16xf32> to vector<16xf32>
        %get3A_906 = arith.index_cast %add3A_850 : i32 to index
        %get3A_907 = arith.constant 48 : index
        %get3A_908 = tpu.vector_load %arg7[%get3A_906, %get3A_907] {strides = array<i32>} : memref<40x128xf32, #tpu.memory_space<vmem>>, vector<1x16xf32>,
        %get3A_909 = vector.shape_cast %get3A_908 : vector<1x16xf32> to vector<16xf32>
        %add3A_910 = arith.addf %get3A_905, %get3A_909 : vector<16xf32>
        %max3A_911 = arith.constant 0.000000e+00 : f32
        %max3A_912 = vector.broadcast %max3A_911 : f32 to vector<16xf32>
        %max3A_913 = arith.maximumf %add3A_910, %max3A_912 : vector<16xf32>
        %swap3A_914 = arith.index_cast %add3A_850 : i32 to index
        %swap3A_915 = arith.constant 48 : index
        %swap3A_916 = tpu.vector_load %arg11[%swap3A_914, %swap3A_915] {strides = array<i32>} : memref<40x128xf32, #tpu.memory_space<vmem>>, vector<1x16xf32>,
        %swap3A_917 = vector.shape_cast %swap3A_916 : vector<1x16xf32> to vector<16xf32>
        %swap3A_918 = vector.shape_cast %max3A_913 : vector<16xf32> to vector<1x16xf32>
        tpu.vector_store %arg11[%swap3A_914, %swap3A_915], %swap3A_918 {strides = array<i32>} : memref<40x128xf32, #tpu.memory_space<vmem>>, vector<1x16xf32>,
        %get3A_919 = arith.index_cast %add3A_850 : i32 to index
        %get3A_920 = arith.constant 64 : index
        %get3A_921 = tpu.vector_load %arg9[%get3A_919, %get3A_920] {strides = array<i32>} : memref<40x128xf32, #tpu.memory_space<vmem>>, vector<1x16xf32>,
        %get3A_922 = vector.shape_cast %get3A_921 : vector<1x16xf32> to vector<16xf32>
        %get3A_923 = arith.index_cast %add3A_850 : i32 to index
        %get3A_924 = arith.constant 64 : index
        %get3A_925 = tpu.vector_load %arg7[%get3A_923, %get3A_924] {strides = array<i32>} : memref<40x128xf32, #tpu.memory_space<vmem>>, vector<1x16xf32>,
        %get3A_926 = vector.shape_cast %get3A_925 : vector<1x16xf32> to vector<16xf32>
        %add3A_927 = arith.addf %get3A_922, %get3A_926 : vector<16xf32>
        %max3A_928 = arith.constant 0.000000e+00 : f32
        %max3A_929 = vector.broadcast %max3A_928 : f32 to vector<16xf32>
        %max3A_930 = arith.maximumf %add3A_927, %max3A_929 : vector<16xf32>
        %swap3A_931 = arith.index_cast %add3A_850 : i32 to index
        %swap3A_932 = arith.constant 64 : index
        %swap3A_933 = tpu.vector_load %arg11[%swap3A_931, %swap3A_932] {strides = array<i32>} : memref<40x128xf32, #tpu.memory_space<vmem>>, vector<1x16xf32>,
        %swap3A_934 = vector.shape_cast %swap3A_933 : vector<1x16xf32> to vector<16xf32>
        %swap3A_935 = vector.shape_cast %max3A_930 : vector<16xf32> to vector<1x16xf32>
        tpu.vector_store %arg11[%swap3A_931, %swap3A_932], %swap3A_935 {strides = array<i32>} : memref<40x128xf32, #tpu.memory_space<vmem>>, vector<1x16xf32>,
        %get3A_936 = arith.index_cast %add3A_850 : i32 to index
        %get3A_937 = arith.constant 80 : index
        %get3A_938 = tpu.vector_load %arg9[%get3A_936, %get3A_937] {strides = array<i32>} : memref<40x128xf32, #tpu.memory_space<vmem>>, vector<1x16xf32>,
        %get3A_939 = vector.shape_cast %get3A_938 : vector<1x16xf32> to vector<16xf32>
        %get3A_940 = arith.index_cast %add3A_850 : i32 to index
        %get3A_941 = arith.constant 80 : index
        %get3A_942 = tpu.vector_load %arg7[%get3A_940, %get3A_941] {strides = array<i32>} : memref<40x128xf32, #tpu.memory_space<vmem>>, vector<1x16xf32>,
        %get3A_943 = vector.shape_cast %get3A_942 : vector<1x16xf32> to vector<16xf32>
        %add3A_944 = arith.addf %get3A_939, %get3A_943 : vector<16xf32>
        %max3A_945 = arith.constant 0.000000e+00 : f32
        %max3A_946 = vector.broadcast %max3A_945 : f32 to vector<16xf32>
        %max3A_947 = arith.maximumf %add3A_944, %max3A_946 : vector<16xf32>
        %swap3A_948 = arith.index_cast %add3A_850 : i32 to index
        %swap3A_949 = arith.constant 80 : index
        %swap3A_950 = tpu.vector_load %arg11[%swap3A_948, %swap3A_949] {strides = array<i32>} : memref<40x128xf32, #tpu.memory_space<vmem>>, vector<1x16xf32>,
        %swap3A_951 = vector.shape_cast %swap3A_950 : vector<1x16xf32> to vector<16xf32>
        %swap3A_952 = vector.shape_cast %max3A_947 : vector<16xf32> to vector<1x16xf32>
        tpu.vector_store %arg11[%swap3A_948, %swap3A_949], %swap3A_952 {strides = array<i32>} : memref<40x128xf32, #tpu.memory_space<vmem>>, vector<1x16xf32>,
        %get3A_953 = arith.index_cast %add3A_850 : i32 to index
        %get3A_954 = arith.constant 96 : index
        %get3A_955 = tpu.vector_load %arg9[%get3A_953, %get3A_954] {strides = array<i32>} : memref<40x128xf32, #tpu.memory_space<vmem>>, vector<1x16xf32>,
        %get3A_956 = vector.shape_cast %get3A_955 : vector<1x16xf32> to vector<16xf32>
        %get3A_957 = arith.index_cast %add3A_850 : i32 to index
        %get3A_958 = arith.constant 96 : index
        %get3A_959 = tpu.vector_load %arg7[%get3A_957, %get3A_958] {strides = array<i32>} : memref<40x128xf32, #tpu.memory_space<vmem>>, vector<1x16xf32>,
        %get3A_960 = vector.shape_cast %get3A_959 : vector<1x16xf32> to vector<16xf32>
        %add3A_961 = arith.addf %get3A_956, %get3A_960 : vector<16xf32>
        %max3A_962 = arith.constant 0.000000e+00 : f32
        %max3A_963 = vector.broadcast %max3A_962 : f32 to vector<16xf32>
        %max3A_964 = arith.maximumf %add3A_961, %max3A_963 : vector<16xf32>
        %swap3A_965 = arith.index_cast %add3A_850 : i32 to index
        %swap3A_966 = arith.constant 96 : index
        %swap3A_967 = tpu.vector_load %arg11[%swap3A_965, %swap3A_966] {strides = array<i32>} : memref<40x128xf32, #tpu.memory_space<vmem>>, vector<1x16xf32>,
        %swap3A_968 = vector.shape_cast %swap3A_967 : vector<1x16xf32> to vector<16xf32>
        %swap3A_969 = vector.shape_cast %max3A_964 : vector<16xf32> to vector<1x16xf32>
        tpu.vector_store %arg11[%swap3A_965, %swap3A_966], %swap3A_969 {strides = array<i32>} : memref<40x128xf32, #tpu.memory_space<vmem>>, vector<1x16xf32>,
        %get3A_970 = arith.index_cast %add3A_850 : i32 to index
        %get3A_971 = arith.constant 112 : index
        %get3A_972 = tpu.vector_load %arg9[%get3A_970, %get3A_971] {strides = array<i32>} : memref<40x128xf32, #tpu.memory_space<vmem>>, vector<1x16xf32>,
        %get3A_973 = vector.shape_cast %get3A_972 : vector<1x16xf32> to vector<16xf32>
        %get3A_974 = arith.index_cast %add3A_850 : i32 to index
        %get3A_975 = arith.constant 112 : index
        %get3A_976 = tpu.vector_load %arg7[%get3A_974, %get3A_975] {strides = array<i32>} : memref<40x128xf32, #tpu.memory_space<vmem>>, vector<1x16xf32>,
        %get3A_977 = vector.shape_cast %get3A_976 : vector<1x16xf32> to vector<16xf32>
        %add3A_978 = arith.addf %get3A_973, %get3A_977 : vector<16xf32>
        %max3A_979 = arith.constant 0.000000e+00 : f32
        %max3A_980 = vector.broadcast %max3A_979 : f32 to vector<16xf32>
        %max3A_981 = arith.maximumf %add3A_978, %max3A_980 : vector<16xf32>
        %swap3A_982 = arith.index_cast %add3A_850 : i32 to index
        %swap3A_983 = arith.constant 112 : index
        %swap3A_984 = tpu.vector_load %arg11[%swap3A_982, %swap3A_983] {strides = array<i32>} : memref<40x128xf32, #tpu.memory_space<vmem>>, vector<1x16xf32>,
        %swap3A_985 = vector.shape_cast %swap3A_984 : vector<1x16xf32> to vector<16xf32>
        %swap3A_986 = vector.shape_cast %max3A_981 : vector<16xf32> to vector<1x16xf32>
        tpu.vector_store %arg11[%swap3A_982, %swap3A_983], %swap3A_986 {strides = array<i32>} : memref<40x128xf32, #tpu.memory_space<vmem>>, vector<1x16xf32>,
      }
      %scan3A_206 = arith.constant 10 : i32
      %jit3A_207 = arith.constant 10 : i32
      %div3A_208 = arith.divsi %mul3A_86, %jit3A_207 : i32
      %sign3A_209 = arith.constant 0 : i32
      %sign3A_210 = arith.cmpi sgt, %mul3A_86, %sign3A_209 : i32
      %sign3A_211 = arith.extui %sign3A_210 : i1 to i32
      %sign3A_212 = arith.constant 0 : i32
      %sign3A_213 = arith.cmpi slt, %mul3A_86, %sign3A_212 : i32
      %sign3A_214 = arith.extui %sign3A_213 : i1 to i32
      %sign3A_215 = arith.subi %sign3A_211, %sign3A_214 : i32
      %sign3A_216 = arith.constant 0 : i32
      %sign3A_217 = arith.cmpi sgt, %jit3A_207, %sign3A_216 : i32
      %sign3A_218 = arith.extui %sign3A_217 : i1 to i32
      %sign3A_219 = arith.constant 0 : i32
      %sign3A_220 = arith.cmpi slt, %jit3A_207, %sign3A_219 : i32
      %sign3A_221 = arith.extui %sign3A_220 : i1 to i32
      %sign3A_222 = arith.subi %sign3A_218, %sign3A_221 : i32
      %ne3A_223 = arith.cmpi ne, %sign3A_215, %sign3A_222 : i32
      %rem3A_224 = arith.remsi %mul3A_86, %jit3A_207 : i32
      %ne3A_225 = arith.constant 0 : i32
      %ne3A_226 = arith.cmpi ne, %rem3A_224, %ne3A_225 : i32
      %and3A_227 = arith.andi %ne3A_223, %ne3A_226 : i1
      %sub3A_228 = arith.constant 1 : i32
      %sub3A_229 = arith.subi %div3A_208, %sub3A_228 : i32
      %select_n3A_230 = arith.select %and3A_227, %sub3A_229, %div3A_208 : i32
      %jit3A_231 = arith.constant 2 : i32
      %eq3A_232 = arith.constant 0 : i32
      %eq3A_233 = arith.cmpi eq, %jit3A_231, %eq3A_232 : i32
      %jit3A_234 = arith.constant 1 : i32
      %select_n3A_235 = arith.select %eq3A_233, %jit3A_234, %jit3A_231 : i32
      %rem3A_236 = arith.remsi %select_n3A_230, %select_n3A_235 : i32
      %ne3A_237 = arith.constant 0 : i32
      %ne3A_238 = arith.cmpi ne, %rem3A_236, %ne3A_237 : i32
      %lt3A_239 = arith.constant 0 : i32
      %lt3A_240 = arith.cmpi slt, %rem3A_236, %lt3A_239 : i32
      %lt3A_241 = arith.constant 0 : i32
      %lt3A_242 = arith.cmpi slt, %select_n3A_235, %lt3A_241 : i32
      %ne3A_243 = arith.xori %lt3A_240, %lt3A_242 : i1
      %and3A_244 = arith.andi %ne3A_243, %ne3A_238 : i1
      %add3A_245 = arith.addi %rem3A_236, %select_n3A_235 : i32
      %select_n3A_246 = arith.select %and3A_244, %add3A_245, %rem3A_236 : i32
      %jit3A_247 = arith.constant 10 : i32
      %eq3A_248 = arith.constant 0 : i32
      %eq3A_249 = arith.cmpi eq, %jit3A_247, %eq3A_248 : i32
      %jit3A_250 = arith.constant 1 : i32
      %select_n3A_251 = arith.select %eq3A_249, %jit3A_250, %jit3A_247 : i32
      %rem3A_252 = arith.remsi %mul3A_86, %select_n3A_251 : i32
      %ne3A_253 = arith.constant 0 : i32
      %ne3A_254 = arith.cmpi ne, %rem3A_252, %ne3A_253 : i32
      %lt3A_255 = arith.constant 0 : i32
      %lt3A_256 = arith.cmpi slt, %rem3A_252, %lt3A_255 : i32
      %lt3A_257 = arith.constant 0 : i32
      %lt3A_258 = arith.cmpi slt, %select_n3A_251, %lt3A_257 : i32
      %ne3A_259 = arith.xori %lt3A_256, %lt3A_258 : i1
      %and3A_260 = arith.andi %ne3A_259, %ne3A_254 : i1
      %add3A_261 = arith.addi %rem3A_252, %select_n3A_251 : i32
      %select_n3A_262 = arith.select %and3A_260, %add3A_261, %rem3A_252 : i32
      %add3A_263 = arith.constant 10 : i32
      %add3A_264 = arith.addi %add3A_263, %select_n3A_262 : i32
      %dma_start3A_265 = arith.constant 0 : i32
      %dma_start3A_266 = tpu.memref_slice %arg6[%select_n3A_246, %add3A_264, %dma_start3A_265] : memref<2x20x40xi32, #tpu.memory_space<vmem>> -> memref<1x1x40xi32, #tpu.memory_space<vmem>>
      %dma_start3A_267 = tpu.memref_squeeze %dma_start3A_266 : memref<1x1x40xi32, #tpu.memory_space<vmem>> -> memref<40xi32, #tpu.memory_space<vmem>>
      %dma_start3A_268 = arith.constant 0 : i32
      %dma_start3A_269 = arith.constant 0 : i32
      %dma_start3A_270 = tpu.memref_slice %arg13[%dma_start3A_268, %dma_start3A_269] : memref<10000x128xf32, #tpu.memory_space<vmem_shared>> -> memref<10000x128xf32, #tpu.memory_space<vmem_shared>>
      tpu.enqueue_indirect_dma source(%arg11 : memref<40x128xf32, #tpu.memory_space<vmem>>) target(%dma_start3A_270 : memref<10000x128xf32, #tpu.memory_space<vmem_shared>>) offsets(%dma_start3A_267 : memref<40xi32, #tpu.memory_space<vmem>>) semaphore(%arg19 : memref<!tpu.dma_semaphore, #tpu.memory_space<semaphore_mem>>) {add = true}
      %lt3A_271 = arith.constant 124 : i32
      %lt3A_272 = arith.cmpi slt, %scan3A_84, %lt3A_271 : i32
      %convert_element_type3A_273 = arith.extui %lt3A_272 : i1 to i32
      %cond3A_274 = arith.constant 0 : i32
      %cond3A_275 = arith.cmpi ne, %convert_element_type3A_273, %cond3A_274 : i32
      scf.if %cond3A_275 {
        %add3A_429 = arith.constant 2 : i32
        %add3A_430 = arith.addi %mul3A_86, %add3A_429 : i32
        %jit3A_431 = arith.constant 10 : i32
        %div3A_432 = arith.divsi %add3A_430, %jit3A_431 : i32
        %sign3A_433 = arith.constant 0 : i32
        %sign3A_434 = arith.cmpi sgt, %add3A_430, %sign3A_433 : i32
        %sign3A_435 = arith.extui %sign3A_434 : i1 to i32
        %sign3A_436 = arith.constant 0 : i32
        %sign3A_437 = arith.cmpi slt, %add3A_430, %sign3A_436 : i32
        %sign3A_438 = arith.extui %sign3A_437 : i1 to i32
        %sign3A_439 = arith.subi %sign3A_435, %sign3A_438 : i32
        %sign3A_440 = arith.constant 0 : i32
        %sign3A_441 = arith.cmpi sgt, %jit3A_431, %sign3A_440 : i32
        %sign3A_442 = arith.extui %sign3A_441 : i1 to i32
        %sign3A_443 = arith.constant 0 : i32
        %sign3A_444 = arith.cmpi slt, %jit3A_431, %sign3A_443 : i32
        %sign3A_445 = arith.extui %sign3A_444 : i1 to i32
        %sign3A_446 = arith.subi %sign3A_442, %sign3A_445 : i32
        %ne3A_447 = arith.cmpi ne, %sign3A_439, %sign3A_446 : i32
        %rem3A_448 = arith.remsi %add3A_430, %jit3A_431 : i32
        %ne3A_449 = arith.constant 0 : i32
        %ne3A_450 = arith.cmpi ne, %rem3A_448, %ne3A_449 : i32
        %and3A_451 = arith.andi %ne3A_447, %ne3A_450 : i1
        %sub3A_452 = arith.constant 1 : i32
        %sub3A_453 = arith.subi %div3A_432, %sub3A_452 : i32
        %select_n3A_454 = arith.select %and3A_451, %sub3A_453, %div3A_432 : i32
        %jit3A_455 = arith.constant 2 : i32
        %eq3A_456 = arith.constant 0 : i32
        %eq3A_457 = arith.cmpi eq, %jit3A_455, %eq3A_456 : i32
        %jit3A_458 = arith.constant 1 : i32
        %select_n3A_459 = arith.select %eq3A_457, %jit3A_458, %jit3A_455 : i32
        %rem3A_460 = arith.remsi %select_n3A_454, %select_n3A_459 : i32
        %ne3A_461 = arith.constant 0 : i32
        %ne3A_462 = arith.cmpi ne, %rem3A_460, %ne3A_461 : i32
        %lt3A_463 = arith.constant 0 : i32
        %lt3A_464 = arith.cmpi slt, %rem3A_460, %lt3A_463 : i32
        %lt3A_465 = arith.constant 0 : i32
        %lt3A_466 = arith.cmpi slt, %select_n3A_459, %lt3A_465 : i32
        %ne3A_467 = arith.xori %lt3A_464, %lt3A_466 : i1
        %and3A_468 = arith.andi %ne3A_467, %ne3A_462 : i1
        %add3A_469 = arith.addi %rem3A_460, %select_n3A_459 : i32
        %select_n3A_470 = arith.select %and3A_468, %add3A_469, %rem3A_460 : i32
        %jit3A_471 = arith.constant 10 : i32
        %eq3A_472 = arith.constant 0 : i32
        %eq3A_473 = arith.cmpi eq, %jit3A_471, %eq3A_472 : i32
        %jit3A_474 = arith.constant 1 : i32
        %select_n3A_475 = arith.select %eq3A_473, %jit3A_474, %jit3A_471 : i32
        %rem3A_476 = arith.remsi %add3A_430, %select_n3A_475 : i32
        %ne3A_477 = arith.constant 0 : i32
        %ne3A_478 = arith.cmpi ne, %rem3A_476, %ne3A_477 : i32
        %lt3A_479 = arith.constant 0 : i32
        %lt3A_480 = arith.cmpi slt, %rem3A_476, %lt3A_479 : i32
        %lt3A_481 = arith.constant 0 : i32
        %lt3A_482 = arith.cmpi slt, %select_n3A_475, %lt3A_481 : i32
        %ne3A_483 = arith.xori %lt3A_480, %lt3A_482 : i1
        %and3A_484 = arith.andi %ne3A_483, %ne3A_478 : i1
        %add3A_485 = arith.addi %rem3A_476, %select_n3A_475 : i32
        %select_n3A_486 = arith.select %and3A_484, %add3A_485, %rem3A_476 : i32
        %dma_start3A_487 = arith.constant 0 : i32
        %dma_start3A_488 = tpu.memref_slice %arg6[%select_n3A_470, %select_n3A_486, %dma_start3A_487] : memref<2x20x40xi32, #tpu.memory_space<vmem>> -> memref<1x1x40xi32, #tpu.memory_space<vmem>>
        %dma_start3A_489 = tpu.memref_squeeze %dma_start3A_488 : memref<1x1x40xi32, #tpu.memory_space<vmem>> -> memref<40xi32, #tpu.memory_space<vmem>>
        %dma_start3A_490 = arith.constant 0 : i32
        %dma_start3A_491 = arith.constant 0 : i32
        %dma_start3A_492 = tpu.memref_slice %arg2[%dma_start3A_490, %dma_start3A_491] : memref<10000x128xf32, #tpu.memory_space<hbm>> -> memref<10000x128xf32, #tpu.memory_space<hbm>>
        tpu.enqueue_indirect_dma source(%dma_start3A_492 : memref<10000x128xf32, #tpu.memory_space<hbm>>) target(%arg9 : memref<40x128xf32, #tpu.memory_space<vmem>>) offsets(%dma_start3A_489 : memref<40xi32, #tpu.memory_space<vmem>>) semaphore(%arg15 : memref<!tpu.dma_semaphore, #tpu.memory_space<semaphore_mem>>)
        %mul3A_493 = arith.constant 250 : i32
        %mul3A_494 = arith.muli %add3A, %mul3A_493 : i32
        %add3A_495 = arith.addi %mul3A_494, %add3A_430 : i32
        %mul3A_496 = arith.constant 40 : i32
        %mul3A_497 = arith.muli %add3A_495, %mul3A_496 : i32
        %dma_start3A_498 = arith.constant 0 : i32
        %dma_start3A_499 = tpu.memref_slice %arg4[%mul3A_497, %dma_start3A_498] : memref<320000x128xf32, #tpu.memory_space<hbm>> -> memref<40x128xf32, #tpu.memory_space<hbm>>
        %dma_start3A_500 = arith.constant 0 : i32
        %dma_start3A_501 = tpu.memref_slice %arg4[%mul3A_497, %dma_start3A_500] : memref<320000x128xf32, #tpu.memory_space<hbm>> -> memref<40x128xf32, #tpu.memory_space<hbm>>
        tpu.enqueue_dma source(%dma_start3A_501 : memref<40x128xf32, #tpu.memory_space<hbm>>) target(%arg7 : memref<40x128xf32, #tpu.memory_space<vmem>>) target_semaphore(%arg17 : memref<!tpu.dma_semaphore, #tpu.memory_space<semaphore_mem>>)
      } else {
      }
      %add3A_276 = arith.constant 1 : i32
      %add3A_277 = arith.addi %mul3A_86, %add3A_276 : i32
      %jit3A_278 = arith.constant 10 : i32
      %div3A_279 = arith.divsi %add3A_277, %jit3A_278 : i32
      %sign3A_280 = arith.constant 0 : i32
      %sign3A_281 = arith.cmpi sgt, %add3A_277, %sign3A_280 : i32
      %sign3A_282 = arith.extui %sign3A_281 : i1 to i32
      %sign3A_283 = arith.constant 0 : i32
      %sign3A_284 = arith.cmpi slt, %add3A_277, %sign3A_283 : i32
      %sign3A_285 = arith.extui %sign3A_284 : i1 to i32
      %sign3A_286 = arith.subi %sign3A_282, %sign3A_285 : i32
      %sign3A_287 = arith.constant 0 : i32
      %sign3A_288 = arith.cmpi sgt, %jit3A_278, %sign3A_287 : i32
      %sign3A_289 = arith.extui %sign3A_288 : i1 to i32
      %sign3A_290 = arith.constant 0 : i32
      %sign3A_291 = arith.cmpi slt, %jit3A_278, %sign3A_290 : i32
      %sign3A_292 = arith.extui %sign3A_291 : i1 to i32
      %sign3A_293 = arith.subi %sign3A_289, %sign3A_292 : i32
      %ne3A_294 = arith.cmpi ne, %sign3A_286, %sign3A_293 : i32
      %rem3A_295 = arith.remsi %add3A_277, %jit3A_278 : i32
      %ne3A_296 = arith.constant 0 : i32
      %ne3A_297 = arith.cmpi ne, %rem3A_295, %ne3A_296 : i32
      %and3A_298 = arith.andi %ne3A_294, %ne3A_297 : i1
      %sub3A_299 = arith.constant 1 : i32
      %sub3A_300 = arith.subi %div3A_279, %sub3A_299 : i32
      %select_n3A_301 = arith.select %and3A_298, %sub3A_300, %div3A_279 : i32
      %jit3A_302 = arith.constant 2 : i32
      %eq3A_303 = arith.constant 0 : i32
      %eq3A_304 = arith.cmpi eq, %jit3A_302, %eq3A_303 : i32
      %jit3A_305 = arith.constant 1 : i32
      %select_n3A_306 = arith.select %eq3A_304, %jit3A_305, %jit3A_302 : i32
      %rem3A_307 = arith.remsi %select_n3A_301, %select_n3A_306 : i32
      %ne3A_308 = arith.constant 0 : i32
      %ne3A_309 = arith.cmpi ne, %rem3A_307, %ne3A_308 : i32
      %lt3A_310 = arith.constant 0 : i32
      %lt3A_311 = arith.cmpi slt, %rem3A_307, %lt3A_310 : i32
      %lt3A_312 = arith.constant 0 : i32
      %lt3A_313 = arith.cmpi slt, %select_n3A_306, %lt3A_312 : i32
      %ne3A_314 = arith.xori %lt3A_311, %lt3A_313 : i1
      %and3A_315 = arith.andi %ne3A_314, %ne3A_309 : i1
      %add3A_316 = arith.addi %rem3A_307, %select_n3A_306 : i32
      %select_n3A_317 = arith.select %and3A_315, %add3A_316, %rem3A_307 : i32
      %jit3A_318 = arith.constant 10 : i32
      %eq3A_319 = arith.constant 0 : i32
      %eq3A_320 = arith.cmpi eq, %jit3A_318, %eq3A_319 : i32
      %jit3A_321 = arith.constant 1 : i32
      %select_n3A_322 = arith.select %eq3A_320, %jit3A_321, %jit3A_318 : i32
      %rem3A_323 = arith.remsi %add3A_277, %select_n3A_322 : i32
      %ne3A_324 = arith.constant 0 : i32
      %ne3A_325 = arith.cmpi ne, %rem3A_323, %ne3A_324 : i32
      %lt3A_326 = arith.constant 0 : i32
      %lt3A_327 = arith.cmpi slt, %rem3A_323, %lt3A_326 : i32
      %lt3A_328 = arith.constant 0 : i32
      %lt3A_329 = arith.cmpi slt, %select_n3A_322, %lt3A_328 : i32
      %ne3A_330 = arith.xori %lt3A_327, %lt3A_329 : i1
      %and3A_331 = arith.andi %ne3A_330, %ne3A_325 : i1
      %add3A_332 = arith.addi %rem3A_323, %select_n3A_322 : i32
      %select_n3A_333 = arith.select %and3A_331, %add3A_332, %rem3A_323 : i32
      %dma_wait3A_334 = arith.constant 0 : i32
      %dma_wait3A_335 = tpu.memref_slice %arg6[%select_n3A_317, %select_n3A_333, %dma_wait3A_334] : memref<2x20x40xi32, #tpu.memory_space<vmem>> -> memref<1x1x40xi32, #tpu.memory_space<vmem>>
      %dma_wait3A_336 = tpu.memref_squeeze %dma_wait3A_335 : memref<1x1x40xi32, #tpu.memory_space<vmem>> -> memref<40xi32, #tpu.memory_space<vmem>>
      %dma_wait3A_337 = arith.constant 0 : i32
      %dma_wait3A_338 = arith.constant 0 : i32
      %dma_wait3A_339 = tpu.memref_slice %arg2[%dma_wait3A_337, %dma_wait3A_338] : memref<10000x128xf32, #tpu.memory_space<hbm>> -> memref<10000x128xf32, #tpu.memory_space<hbm>>
      tpu.wait_indirect_dma semaphore(%arg16 : memref<!tpu.dma_semaphore, #tpu.memory_space<semaphore_mem>>) src(%dma_wait3A_339 : memref<10000x128xf32, #tpu.memory_space<hbm>>) dst(%arg10 : memref<40x128xf32, #tpu.memory_space<vmem>>)
      %mul3A_340 = arith.constant 250 : i32
      %mul3A_341 = arith.muli %add3A, %mul3A_340 : i32
      %add3A_342 = arith.addi %mul3A_341, %add3A_277 : i32
      %mul3A_343 = arith.constant 40 : i32
      %mul3A_344 = arith.muli %add3A_342, %mul3A_343 : i32
      %dma_wait3A_345 = arith.constant 0 : i32
      %dma_wait3A_346 = tpu.memref_slice %arg4[%mul3A_344, %dma_wait3A_345] : memref<320000x128xf32, #tpu.memory_space<hbm>> -> memref<40x128xf32, #tpu.memory_space<hbm>>
      %dma_wait3A_347 = arith.constant 0 : i32
      %dma_wait3A_348 = tpu.memref_slice %arg4[%mul3A_344, %dma_wait3A_347] : memref<320000x128xf32, #tpu.memory_space<hbm>> -> memref<40x128xf32, #tpu.memory_space<hbm>>
      tpu.wait_dma2 semaphore(%arg18 : memref<!tpu.dma_semaphore, #tpu.memory_space<semaphore_mem>>) src(%dma_wait3A_348 : memref<40x128xf32, #tpu.memory_space<hbm>>) dst(%arg8 : memref<40x128xf32, #tpu.memory_space<vmem>>)
      %gt3A_349 = arith.constant 0 : i32
      %gt3A_350 = arith.cmpi sgt, %scan3A_84, %gt3A_349 : i32
      %convert_element_type3A_351 = arith.extui %gt3A_350 : i1 to i32
      %cond3A_352 = arith.constant 0 : i32
      %cond3A_353 = arith.cmpi ne, %convert_element_type3A_351, %cond3A_352 : i32
      scf.if %cond3A_353 {
        %jit3A_429 = arith.constant 10 : i32
        %div3A_430 = arith.divsi %add3A_277, %jit3A_429 : i32
        %sign3A_431 = arith.constant 0 : i32
        %sign3A_432 = arith.cmpi sgt, %add3A_277, %sign3A_431 : i32
        %sign3A_433 = arith.extui %sign3A_432 : i1 to i32
        %sign3A_434 = arith.constant 0 : i32
        %sign3A_435 = arith.cmpi slt, %add3A_277, %sign3A_434 : i32
        %sign3A_436 = arith.extui %sign3A_435 : i1 to i32
        %sign3A_437 = arith.subi %sign3A_433, %sign3A_436 : i32
        %sign3A_438 = arith.constant 0 : i32
        %sign3A_439 = arith.cmpi sgt, %jit3A_429, %sign3A_438 : i32
        %sign3A_440 = arith.extui %sign3A_439 : i1 to i32
        %sign3A_441 = arith.constant 0 : i32
        %sign3A_442 = arith.cmpi slt, %jit3A_429, %sign3A_441 : i32
        %sign3A_443 = arith.extui %sign3A_442 : i1 to i32
        %sign3A_444 = arith.subi %sign3A_440, %sign3A_443 : i32
        %ne3A_445 = arith.cmpi ne, %sign3A_437, %sign3A_444 : i32
        %rem3A_446 = arith.remsi %add3A_277, %jit3A_429 : i32
        %ne3A_447 = arith.constant 0 : i32
        %ne3A_448 = arith.cmpi ne, %rem3A_446, %ne3A_447 : i32
        %and3A_449 = arith.andi %ne3A_445, %ne3A_448 : i1
        %sub3A_450 = arith.constant 1 : i32
        %sub3A_451 = arith.subi %div3A_430, %sub3A_450 : i32
        %select_n3A_452 = arith.select %and3A_449, %sub3A_451, %div3A_430 : i32
        %jit3A_453 = arith.constant 2 : i32
        %eq3A_454 = arith.constant 0 : i32
        %eq3A_455 = arith.cmpi eq, %jit3A_453, %eq3A_454 : i32
        %jit3A_456 = arith.constant 1 : i32
        %select_n3A_457 = arith.select %eq3A_455, %jit3A_456, %jit3A_453 : i32
        %rem3A_458 = arith.remsi %select_n3A_452, %select_n3A_457 : i32
        %ne3A_459 = arith.constant 0 : i32
        %ne3A_460 = arith.cmpi ne, %rem3A_458, %ne3A_459 : i32
        %lt3A_461 = arith.constant 0 : i32
        %lt3A_462 = arith.cmpi slt, %rem3A_458, %lt3A_461 : i32
        %lt3A_463 = arith.constant 0 : i32
        %lt3A_464 = arith.cmpi slt, %select_n3A_457, %lt3A_463 : i32
        %ne3A_465 = arith.xori %lt3A_462, %lt3A_464 : i1
        %and3A_466 = arith.andi %ne3A_465, %ne3A_460 : i1
        %add3A_467 = arith.addi %rem3A_458, %select_n3A_457 : i32
        %select_n3A_468 = arith.select %and3A_466, %add3A_467, %rem3A_458 : i32
        %jit3A_469 = arith.constant 10 : i32
        %eq3A_470 = arith.constant 0 : i32
        %eq3A_471 = arith.cmpi eq, %jit3A_469, %eq3A_470 : i32
        %jit3A_472 = arith.constant 1 : i32
        %select_n3A_473 = arith.select %eq3A_471, %jit3A_472, %jit3A_469 : i32
        %rem3A_474 = arith.remsi %add3A_277, %select_n3A_473 : i32
        %ne3A_475 = arith.constant 0 : i32
        %ne3A_476 = arith.cmpi ne, %rem3A_474, %ne3A_475 : i32
        %lt3A_477 = arith.constant 0 : i32
        %lt3A_478 = arith.cmpi slt, %rem3A_474, %lt3A_477 : i32
        %lt3A_479 = arith.constant 0 : i32
        %lt3A_480 = arith.cmpi slt, %select_n3A_473, %lt3A_479 : i32
        %ne3A_481 = arith.xori %lt3A_478, %lt3A_480 : i1
        %and3A_482 = arith.andi %ne3A_481, %ne3A_476 : i1
        %add3A_483 = arith.addi %rem3A_474, %select_n3A_473 : i32
        %select_n3A_484 = arith.select %and3A_482, %add3A_483, %rem3A_474 : i32
        %add3A_485 = arith.constant 10 : i32
        %add3A_486 = arith.addi %add3A_485, %select_n3A_484 : i32
        %dma_wait3A_487 = arith.constant 0 : i32
        %dma_wait3A_488 = tpu.memref_slice %arg6[%select_n3A_468, %add3A_486, %dma_wait3A_487] : memref<2x20x40xi32, #tpu.memory_space<vmem>> -> memref<1x1x40xi32, #tpu.memory_space<vmem>>
        %dma_wait3A_489 = tpu.memref_squeeze %dma_wait3A_488 : memref<1x1x40xi32, #tpu.memory_space<vmem>> -> memref<40xi32, #tpu.memory_space<vmem>>
        %dma_wait3A_490 = arith.constant 0 : i32
        %dma_wait3A_491 = arith.constant 0 : i32
        %dma_wait3A_492 = tpu.memref_slice %arg13[%dma_wait3A_490, %dma_wait3A_491] : memref<10000x128xf32, #tpu.memory_space<vmem_shared>> -> memref<10000x128xf32, #tpu.memory_space<vmem_shared>>
        tpu.wait_indirect_dma semaphore(%arg20 : memref<!tpu.dma_semaphore, #tpu.memory_space<semaphore_mem>>) src(%arg12 : memref<40x128xf32, #tpu.memory_space<vmem>>) dst(%dma_wait3A_492 : memref<10000x128xf32, #tpu.memory_space<vmem_shared>>)
      } else {
      }
      %scan3A_354 = arith.constant 0 : i32
      %scan3A_355 = arith.constant 0 : i32
      %scan3A_356 = arith.constant 10 : i32
      %scan3A_357 = arith.addi %scan3A_355, %scan3A_356 : i32
      %scan3A_358 = arith.constant 1 : i32
      scf.for %scan3A_429 = %scan3A_355 to %scan3A_357 step %scan3A_358  : i32 {
        %mul3A_430 = arith.constant 4 : i32
        %mul3A_431 = arith.muli %mul3A_430, %scan3A_429 : i32
        %add3A_432 = arith.constant 0 : i32
        %add3A_433 = arith.addi %mul3A_431, %add3A_432 : i32
        %get3A = arith.index_cast %add3A_433 : i32 to index
        %get3A_434 = arith.constant 0 : index
        %get3A_435 = tpu.vector_load %arg10[%get3A, %get3A_434] {strides = array<i32>} : memref<40x128xf32, #tpu.memory_space<vmem>>, vector<1x16xf32>,
        %get3A_436 = vector.shape_cast %get3A_435 : vector<1x16xf32> to vector<16xf32>
        %get3A_437 = arith.index_cast %add3A_433 : i32 to index
        %get3A_438 = arith.constant 0 : index
        %get3A_439 = tpu.vector_load %arg8[%get3A_437, %get3A_438] {strides = array<i32>} : memref<40x128xf32, #tpu.memory_space<vmem>>, vector<1x16xf32>,
        %get3A_440 = vector.shape_cast %get3A_439 : vector<1x16xf32> to vector<16xf32>
        %add3A_441 = arith.addf %get3A_436, %get3A_440 : vector<16xf32>
        %max3A = arith.constant 0.000000e+00 : f32
        %max3A_442 = vector.broadcast %max3A : f32 to vector<16xf32>
        %max3A_443 = arith.maximumf %add3A_441, %max3A_442 : vector<16xf32>
        %swap3A = arith.index_cast %add3A_433 : i32 to index
        %swap3A_444 = arith.constant 0 : index
        %swap3A_445 = tpu.vector_load %arg12[%swap3A, %swap3A_444] {strides = array<i32>} : memref<40x128xf32, #tpu.memory_space<vmem>>, vector<1x16xf32>,
        %swap3A_446 = vector.shape_cast %swap3A_445 : vector<1x16xf32> to vector<16xf32>
        %swap3A_447 = vector.shape_cast %max3A_443 : vector<16xf32> to vector<1x16xf32>
        tpu.vector_store %arg12[%swap3A, %swap3A_444], %swap3A_447 {strides = array<i32>} : memref<40x128xf32, #tpu.memory_space<vmem>>, vector<1x16xf32>,
        %get3A_448 = arith.index_cast %add3A_433 : i32 to index
        %get3A_449 = arith.constant 16 : index
        %get3A_450 = tpu.vector_load %arg10[%get3A_448, %get3A_449] {strides = array<i32>} : memref<40x128xf32, #tpu.memory_space<vmem>>, vector<1x16xf32>,
        %get3A_451 = vector.shape_cast %get3A_450 : vector<1x16xf32> to vector<16xf32>
        %get3A_452 = arith.index_cast %add3A_433 : i32 to index
        %get3A_453 = arith.constant 16 : index
        %get3A_454 = tpu.vector_load %arg8[%get3A_452, %get3A_453] {strides = array<i32>} : memref<40x128xf32, #tpu.memory_space<vmem>>, vector<1x16xf32>,
        %get3A_455 = vector.shape_cast %get3A_454 : vector<1x16xf32> to vector<16xf32>
        %add3A_456 = arith.addf %get3A_451, %get3A_455 : vector<16xf32>
        %max3A_457 = arith.constant 0.000000e+00 : f32
        %max3A_458 = vector.broadcast %max3A_457 : f32 to vector<16xf32>
        %max3A_459 = arith.maximumf %add3A_456, %max3A_458 : vector<16xf32>
        %swap3A_460 = arith.index_cast %add3A_433 : i32 to index
        %swap3A_461 = arith.constant 16 : index
        %swap3A_462 = tpu.vector_load %arg12[%swap3A_460, %swap3A_461] {strides = array<i32>} : memref<40x128xf32, #tpu.memory_space<vmem>>, vector<1x16xf32>,
        %swap3A_463 = vector.shape_cast %swap3A_462 : vector<1x16xf32> to vector<16xf32>
        %swap3A_464 = vector.shape_cast %max3A_459 : vector<16xf32> to vector<1x16xf32>
        tpu.vector_store %arg12[%swap3A_460, %swap3A_461], %swap3A_464 {strides = array<i32>} : memref<40x128xf32, #tpu.memory_space<vmem>>, vector<1x16xf32>,
        %get3A_465 = arith.index_cast %add3A_433 : i32 to index
        %get3A_466 = arith.constant 32 : index
        %get3A_467 = tpu.vector_load %arg10[%get3A_465, %get3A_466] {strides = array<i32>} : memref<40x128xf32, #tpu.memory_space<vmem>>, vector<1x16xf32>,
        %get3A_468 = vector.shape_cast %get3A_467 : vector<1x16xf32> to vector<16xf32>
        %get3A_469 = arith.index_cast %add3A_433 : i32 to index
        %get3A_470 = arith.constant 32 : index
        %get3A_471 = tpu.vector_load %arg8[%get3A_469, %get3A_470] {strides = array<i32>} : memref<40x128xf32, #tpu.memory_space<vmem>>, vector<1x16xf32>,
        %get3A_472 = vector.shape_cast %get3A_471 : vector<1x16xf32> to vector<16xf32>
        %add3A_473 = arith.addf %get3A_468, %get3A_472 : vector<16xf32>
        %max3A_474 = arith.constant 0.000000e+00 : f32
        %max3A_475 = vector.broadcast %max3A_474 : f32 to vector<16xf32>
        %max3A_476 = arith.maximumf %add3A_473, %max3A_475 : vector<16xf32>
        %swap3A_477 = arith.index_cast %add3A_433 : i32 to index
        %swap3A_478 = arith.constant 32 : index
        %swap3A_479 = tpu.vector_load %arg12[%swap3A_477, %swap3A_478] {strides = array<i32>} : memref<40x128xf32, #tpu.memory_space<vmem>>, vector<1x16xf32>,
        %swap3A_480 = vector.shape_cast %swap3A_479 : vector<1x16xf32> to vector<16xf32>
        %swap3A_481 = vector.shape_cast %max3A_476 : vector<16xf32> to vector<1x16xf32>
        tpu.vector_store %arg12[%swap3A_477, %swap3A_478], %swap3A_481 {strides = array<i32>} : memref<40x128xf32, #tpu.memory_space<vmem>>, vector<1x16xf32>,
        %get3A_482 = arith.index_cast %add3A_433 : i32 to index
        %get3A_483 = arith.constant 48 : index
        %get3A_484 = tpu.vector_load %arg10[%get3A_482, %get3A_483] {strides = array<i32>} : memref<40x128xf32, #tpu.memory_space<vmem>>, vector<1x16xf32>,
        %get3A_485 = vector.shape_cast %get3A_484 : vector<1x16xf32> to vector<16xf32>
        %get3A_486 = arith.index_cast %add3A_433 : i32 to index
        %get3A_487 = arith.constant 48 : index
        %get3A_488 = tpu.vector_load %arg8[%get3A_486, %get3A_487] {strides = array<i32>} : memref<40x128xf32, #tpu.memory_space<vmem>>, vector<1x16xf32>,
        %get3A_489 = vector.shape_cast %get3A_488 : vector<1x16xf32> to vector<16xf32>
        %add3A_490 = arith.addf %get3A_485, %get3A_489 : vector<16xf32>
        %max3A_491 = arith.constant 0.000000e+00 : f32
        %max3A_492 = vector.broadcast %max3A_491 : f32 to vector<16xf32>
        %max3A_493 = arith.maximumf %add3A_490, %max3A_492 : vector<16xf32>
        %swap3A_494 = arith.index_cast %add3A_433 : i32 to index
        %swap3A_495 = arith.constant 48 : index
        %swap3A_496 = tpu.vector_load %arg12[%swap3A_494, %swap3A_495] {strides = array<i32>} : memref<40x128xf32, #tpu.memory_space<vmem>>, vector<1x16xf32>,
        %swap3A_497 = vector.shape_cast %swap3A_496 : vector<1x16xf32> to vector<16xf32>
        %swap3A_498 = vector.shape_cast %max3A_493 : vector<16xf32> to vector<1x16xf32>
        tpu.vector_store %arg12[%swap3A_494, %swap3A_495], %swap3A_498 {strides = array<i32>} : memref<40x128xf32, #tpu.memory_space<vmem>>, vector<1x16xf32>,
        %get3A_499 = arith.index_cast %add3A_433 : i32 to index
        %get3A_500 = arith.constant 64 : index
        %get3A_501 = tpu.vector_load %arg10[%get3A_499, %get3A_500] {strides = array<i32>} : memref<40x128xf32, #tpu.memory_space<vmem>>, vector<1x16xf32>,
        %get3A_502 = vector.shape_cast %get3A_501 : vector<1x16xf32> to vector<16xf32>
        %get3A_503 = arith.index_cast %add3A_433 : i32 to index
        %get3A_504 = arith.constant 64 : index
        %get3A_505 = tpu.vector_load %arg8[%get3A_503, %get3A_504] {strides = array<i32>} : memref<40x128xf32, #tpu.memory_space<vmem>>, vector<1x16xf32>,
        %get3A_506 = vector.shape_cast %get3A_505 : vector<1x16xf32> to vector<16xf32>
        %add3A_507 = arith.addf %get3A_502, %get3A_506 : vector<16xf32>
        %max3A_508 = arith.constant 0.000000e+00 : f32
        %max3A_509 = vector.broadcast %max3A_508 : f32 to vector<16xf32>
        %max3A_510 = arith.maximumf %add3A_507, %max3A_509 : vector<16xf32>
        %swap3A_511 = arith.index_cast %add3A_433 : i32 to index
        %swap3A_512 = arith.constant 64 : index
        %swap3A_513 = tpu.vector_load %arg12[%swap3A_511, %swap3A_512] {strides = array<i32>} : memref<40x128xf32, #tpu.memory_space<vmem>>, vector<1x16xf32>,
        %swap3A_514 = vector.shape_cast %swap3A_513 : vector<1x16xf32> to vector<16xf32>
        %swap3A_515 = vector.shape_cast %max3A_510 : vector<16xf32> to vector<1x16xf32>
        tpu.vector_store %arg12[%swap3A_511, %swap3A_512], %swap3A_515 {strides = array<i32>} : memref<40x128xf32, #tpu.memory_space<vmem>>, vector<1x16xf32>,
        %get3A_516 = arith.index_cast %add3A_433 : i32 to index
        %get3A_517 = arith.constant 80 : index
        %get3A_518 = tpu.vector_load %arg10[%get3A_516, %get3A_517] {strides = array<i32>} : memref<40x128xf32, #tpu.memory_space<vmem>>, vector<1x16xf32>,
        %get3A_519 = vector.shape_cast %get3A_518 : vector<1x16xf32> to vector<16xf32>
        %get3A_520 = arith.index_cast %add3A_433 : i32 to index
        %get3A_521 = arith.constant 80 : index
        %get3A_522 = tpu.vector_load %arg8[%get3A_520, %get3A_521] {strides = array<i32>} : memref<40x128xf32, #tpu.memory_space<vmem>>, vector<1x16xf32>,
        %get3A_523 = vector.shape_cast %get3A_522 : vector<1x16xf32> to vector<16xf32>
        %add3A_524 = arith.addf %get3A_519, %get3A_523 : vector<16xf32>
        %max3A_525 = arith.constant 0.000000e+00 : f32
        %max3A_526 = vector.broadcast %max3A_525 : f32 to vector<16xf32>
        %max3A_527 = arith.maximumf %add3A_524, %max3A_526 : vector<16xf32>
        %swap3A_528 = arith.index_cast %add3A_433 : i32 to index
        %swap3A_529 = arith.constant 80 : index
        %swap3A_530 = tpu.vector_load %arg12[%swap3A_528, %swap3A_529] {strides = array<i32>} : memref<40x128xf32, #tpu.memory_space<vmem>>, vector<1x16xf32>,
        %swap3A_531 = vector.shape_cast %swap3A_530 : vector<1x16xf32> to vector<16xf32>
        %swap3A_532 = vector.shape_cast %max3A_527 : vector<16xf32> to vector<1x16xf32>
        tpu.vector_store %arg12[%swap3A_528, %swap3A_529], %swap3A_532 {strides = array<i32>} : memref<40x128xf32, #tpu.memory_space<vmem>>, vector<1x16xf32>,
        %get3A_533 = arith.index_cast %add3A_433 : i32 to index
        %get3A_534 = arith.constant 96 : index
        %get3A_535 = tpu.vector_load %arg10[%get3A_533, %get3A_534] {strides = array<i32>} : memref<40x128xf32, #tpu.memory_space<vmem>>, vector<1x16xf32>,
        %get3A_536 = vector.shape_cast %get3A_535 : vector<1x16xf32> to vector<16xf32>
        %get3A_537 = arith.index_cast %add3A_433 : i32 to index
        %get3A_538 = arith.constant 96 : index
        %get3A_539 = tpu.vector_load %arg8[%get3A_537, %get3A_538] {strides = array<i32>} : memref<40x128xf32, #tpu.memory_space<vmem>>, vector<1x16xf32>,
        %get3A_540 = vector.shape_cast %get3A_539 : vector<1x16xf32> to vector<16xf32>
        %add3A_541 = arith.addf %get3A_536, %get3A_540 : vector<16xf32>
        %max3A_542 = arith.constant 0.000000e+00 : f32
        %max3A_543 = vector.broadcast %max3A_542 : f32 to vector<16xf32>
        %max3A_544 = arith.maximumf %add3A_541, %max3A_543 : vector<16xf32>
        %swap3A_545 = arith.index_cast %add3A_433 : i32 to index
        %swap3A_546 = arith.constant 96 : index
        %swap3A_547 = tpu.vector_load %arg12[%swap3A_545, %swap3A_546] {strides = array<i32>} : memref<40x128xf32, #tpu.memory_space<vmem>>, vector<1x16xf32>,
        %swap3A_548 = vector.shape_cast %swap3A_547 : vector<1x16xf32> to vector<16xf32>
        %swap3A_549 = vector.shape_cast %max3A_544 : vector<16xf32> to vector<1x16xf32>
        tpu.vector_store %arg12[%swap3A_545, %swap3A_546], %swap3A_549 {strides = array<i32>} : memref<40x128xf32, #tpu.memory_space<vmem>>, vector<1x16xf32>,
        %get3A_550 = arith.index_cast %add3A_433 : i32 to index
        %get3A_551 = arith.constant 112 : index
        %get3A_552 = tpu.vector_load %arg10[%get3A_550, %get3A_551] {strides = array<i32>} : memref<40x128xf32, #tpu.memory_space<vmem>>, vector<1x16xf32>,
        %get3A_553 = vector.shape_cast %get3A_552 : vector<1x16xf32> to vector<16xf32>
        %get3A_554 = arith.index_cast %add3A_433 : i32 to index
        %get3A_555 = arith.constant 112 : index
        %get3A_556 = tpu.vector_load %arg8[%get3A_554, %get3A_555] {strides = array<i32>} : memref<40x128xf32, #tpu.memory_space<vmem>>, vector<1x16xf32>,
        %get3A_557 = vector.shape_cast %get3A_556 : vector<1x16xf32> to vector<16xf32>
        %add3A_558 = arith.addf %get3A_553, %get3A_557 : vector<16xf32>
        %max3A_559 = arith.constant 0.000000e+00 : f32
        %max3A_560 = vector.broadcast %max3A_559 : f32 to vector<16xf32>
        %max3A_561 = arith.maximumf %add3A_558, %max3A_560 : vector<16xf32>
        %swap3A_562 = arith.index_cast %add3A_433 : i32 to index
        %swap3A_563 = arith.constant 112 : index
        %swap3A_564 = tpu.vector_load %arg12[%swap3A_562, %swap3A_563] {strides = array<i32>} : memref<40x128xf32, #tpu.memory_space<vmem>>, vector<1x16xf32>,
        %swap3A_565 = vector.shape_cast %swap3A_564 : vector<1x16xf32> to vector<16xf32>
        %swap3A_566 = vector.shape_cast %max3A_561 : vector<16xf32> to vector<1x16xf32>
        tpu.vector_store %arg12[%swap3A_562, %swap3A_563], %swap3A_566 {strides = array<i32>} : memref<40x128xf32, #tpu.memory_space<vmem>>, vector<1x16xf32>,
        %mul3A_567 = arith.constant 4 : i32
        %mul3A_568 = arith.muli %mul3A_567, %scan3A_429 : i32
        %add3A_569 = arith.constant 1 : i32
        %add3A_570 = arith.addi %mul3A_568, %add3A_569 : i32
        %get3A_571 = arith.index_cast %add3A_570 : i32 to index
        %get3A_572 = arith.constant 0 : index
        %get3A_573 = tpu.vector_load %arg10[%get3A_571, %get3A_572] {strides = array<i32>} : memref<40x128xf32, #tpu.memory_space<vmem>>, vector<1x16xf32>,
        %get3A_574 = vector.shape_cast %get3A_573 : vector<1x16xf32> to vector<16xf32>
        %get3A_575 = arith.index_cast %add3A_570 : i32 to index
        %get3A_576 = arith.constant 0 : index
        %get3A_577 = tpu.vector_load %arg8[%get3A_575, %get3A_576] {strides = array<i32>} : memref<40x128xf32, #tpu.memory_space<vmem>>, vector<1x16xf32>,
        %get3A_578 = vector.shape_cast %get3A_577 : vector<1x16xf32> to vector<16xf32>
        %add3A_579 = arith.addf %get3A_574, %get3A_578 : vector<16xf32>
        %max3A_580 = arith.constant 0.000000e+00 : f32
        %max3A_581 = vector.broadcast %max3A_580 : f32 to vector<16xf32>
        %max3A_582 = arith.maximumf %add3A_579, %max3A_581 : vector<16xf32>
        %swap3A_583 = arith.index_cast %add3A_570 : i32 to index
        %swap3A_584 = arith.constant 0 : index
        %swap3A_585 = tpu.vector_load %arg12[%swap3A_583, %swap3A_584] {strides = array<i32>} : memref<40x128xf32, #tpu.memory_space<vmem>>, vector<1x16xf32>,
        %swap3A_586 = vector.shape_cast %swap3A_585 : vector<1x16xf32> to vector<16xf32>
        %swap3A_587 = vector.shape_cast %max3A_582 : vector<16xf32> to vector<1x16xf32>
        tpu.vector_store %arg12[%swap3A_583, %swap3A_584], %swap3A_587 {strides = array<i32>} : memref<40x128xf32, #tpu.memory_space<vmem>>, vector<1x16xf32>,
        %get3A_588 = arith.index_cast %add3A_570 : i32 to index
        %get3A_589 = arith.constant 16 : index
        %get3A_590 = tpu.vector_load %arg10[%get3A_588, %get3A_589] {strides = array<i32>} : memref<40x128xf32, #tpu.memory_space<vmem>>, vector<1x16xf32>,
        %get3A_591 = vector.shape_cast %get3A_590 : vector<1x16xf32> to vector<16xf32>
        %get3A_592 = arith.index_cast %add3A_570 : i32 to index
        %get3A_593 = arith.constant 16 : index
        %get3A_594 = tpu.vector_load %arg8[%get3A_592, %get3A_593] {strides = array<i32>} : memref<40x128xf32, #tpu.memory_space<vmem>>, vector<1x16xf32>,
        %get3A_595 = vector.shape_cast %get3A_594 : vector<1x16xf32> to vector<16xf32>
        %add3A_596 = arith.addf %get3A_591, %get3A_595 : vector<16xf32>
        %max3A_597 = arith.constant 0.000000e+00 : f32
        %max3A_598 = vector.broadcast %max3A_597 : f32 to vector<16xf32>
        %max3A_599 = arith.maximumf %add3A_596, %max3A_598 : vector<16xf32>
        %swap3A_600 = arith.index_cast %add3A_570 : i32 to index
        %swap3A_601 = arith.constant 16 : index
        %swap3A_602 = tpu.vector_load %arg12[%swap3A_600, %swap3A_601] {strides = array<i32>} : memref<40x128xf32, #tpu.memory_space<vmem>>, vector<1x16xf32>,
        %swap3A_603 = vector.shape_cast %swap3A_602 : vector<1x16xf32> to vector<16xf32>
        %swap3A_604 = vector.shape_cast %max3A_599 : vector<16xf32> to vector<1x16xf32>
        tpu.vector_store %arg12[%swap3A_600, %swap3A_601], %swap3A_604 {strides = array<i32>} : memref<40x128xf32, #tpu.memory_space<vmem>>, vector<1x16xf32>,
        %get3A_605 = arith.index_cast %add3A_570 : i32 to index
        %get3A_606 = arith.constant 32 : index
        %get3A_607 = tpu.vector_load %arg10[%get3A_605, %get3A_606] {strides = array<i32>} : memref<40x128xf32, #tpu.memory_space<vmem>>, vector<1x16xf32>,
        %get3A_608 = vector.shape_cast %get3A_607 : vector<1x16xf32> to vector<16xf32>
        %get3A_609 = arith.index_cast %add3A_570 : i32 to index
        %get3A_610 = arith.constant 32 : index
        %get3A_611 = tpu.vector_load %arg8[%get3A_609, %get3A_610] {strides = array<i32>} : memref<40x128xf32, #tpu.memory_space<vmem>>, vector<1x16xf32>,
        %get3A_612 = vector.shape_cast %get3A_611 : vector<1x16xf32> to vector<16xf32>
        %add3A_613 = arith.addf %get3A_608, %get3A_612 : vector<16xf32>
        %max3A_614 = arith.constant 0.000000e+00 : f32
        %max3A_615 = vector.broadcast %max3A_614 : f32 to vector<16xf32>
        %max3A_616 = arith.maximumf %add3A_613, %max3A_615 : vector<16xf32>
        %swap3A_617 = arith.index_cast %add3A_570 : i32 to index
        %swap3A_618 = arith.constant 32 : index
        %swap3A_619 = tpu.vector_load %arg12[%swap3A_617, %swap3A_618] {strides = array<i32>} : memref<40x128xf32, #tpu.memory_space<vmem>>, vector<1x16xf32>,
        %swap3A_620 = vector.shape_cast %swap3A_619 : vector<1x16xf32> to vector<16xf32>
        %swap3A_621 = vector.shape_cast %max3A_616 : vector<16xf32> to vector<1x16xf32>
        tpu.vector_store %arg12[%swap3A_617, %swap3A_618], %swap3A_621 {strides = array<i32>} : memref<40x128xf32, #tpu.memory_space<vmem>>, vector<1x16xf32>,
        %get3A_622 = arith.index_cast %add3A_570 : i32 to index
        %get3A_623 = arith.constant 48 : index
        %get3A_624 = tpu.vector_load %arg10[%get3A_622, %get3A_623] {strides = array<i32>} : memref<40x128xf32, #tpu.memory_space<vmem>>, vector<1x16xf32>,
        %get3A_625 = vector.shape_cast %get3A_624 : vector<1x16xf32> to vector<16xf32>
        %get3A_626 = arith.index_cast %add3A_570 : i32 to index
        %get3A_627 = arith.constant 48 : index
        %get3A_628 = tpu.vector_load %arg8[%get3A_626, %get3A_627] {strides = array<i32>} : memref<40x128xf32, #tpu.memory_space<vmem>>, vector<1x16xf32>,
        %get3A_629 = vector.shape_cast %get3A_628 : vector<1x16xf32> to vector<16xf32>
        %add3A_630 = arith.addf %get3A_625, %get3A_629 : vector<16xf32>
        %max3A_631 = arith.constant 0.000000e+00 : f32
        %max3A_632 = vector.broadcast %max3A_631 : f32 to vector<16xf32>
        %max3A_633 = arith.maximumf %add3A_630, %max3A_632 : vector<16xf32>
        %swap3A_634 = arith.index_cast %add3A_570 : i32 to index
        %swap3A_635 = arith.constant 48 : index
        %swap3A_636 = tpu.vector_load %arg12[%swap3A_634, %swap3A_635] {strides = array<i32>} : memref<40x128xf32, #tpu.memory_space<vmem>>, vector<1x16xf32>,
        %swap3A_637 = vector.shape_cast %swap3A_636 : vector<1x16xf32> to vector<16xf32>
        %swap3A_638 = vector.shape_cast %max3A_633 : vector<16xf32> to vector<1x16xf32>
        tpu.vector_store %arg12[%swap3A_634, %swap3A_635], %swap3A_638 {strides = array<i32>} : memref<40x128xf32, #tpu.memory_space<vmem>>, vector<1x16xf32>,
        %get3A_639 = arith.index_cast %add3A_570 : i32 to index
        %get3A_640 = arith.constant 64 : index
        %get3A_641 = tpu.vector_load %arg10[%get3A_639, %get3A_640] {strides = array<i32>} : memref<40x128xf32, #tpu.memory_space<vmem>>, vector<1x16xf32>,
        %get3A_642 = vector.shape_cast %get3A_641 : vector<1x16xf32> to vector<16xf32>
        %get3A_643 = arith.index_cast %add3A_570 : i32 to index
        %get3A_644 = arith.constant 64 : index
        %get3A_645 = tpu.vector_load %arg8[%get3A_643, %get3A_644] {strides = array<i32>} : memref<40x128xf32, #tpu.memory_space<vmem>>, vector<1x16xf32>,
        %get3A_646 = vector.shape_cast %get3A_645 : vector<1x16xf32> to vector<16xf32>
        %add3A_647 = arith.addf %get3A_642, %get3A_646 : vector<16xf32>
        %max3A_648 = arith.constant 0.000000e+00 : f32
        %max3A_649 = vector.broadcast %max3A_648 : f32 to vector<16xf32>
        %max3A_650 = arith.maximumf %add3A_647, %max3A_649 : vector<16xf32>
        %swap3A_651 = arith.index_cast %add3A_570 : i32 to index
        %swap3A_652 = arith.constant 64 : index
        %swap3A_653 = tpu.vector_load %arg12[%swap3A_651, %swap3A_652] {strides = array<i32>} : memref<40x128xf32, #tpu.memory_space<vmem>>, vector<1x16xf32>,
        %swap3A_654 = vector.shape_cast %swap3A_653 : vector<1x16xf32> to vector<16xf32>
        %swap3A_655 = vector.shape_cast %max3A_650 : vector<16xf32> to vector<1x16xf32>
        tpu.vector_store %arg12[%swap3A_651, %swap3A_652], %swap3A_655 {strides = array<i32>} : memref<40x128xf32, #tpu.memory_space<vmem>>, vector<1x16xf32>,
        %get3A_656 = arith.index_cast %add3A_570 : i32 to index
        %get3A_657 = arith.constant 80 : index
        %get3A_658 = tpu.vector_load %arg10[%get3A_656, %get3A_657] {strides = array<i32>} : memref<40x128xf32, #tpu.memory_space<vmem>>, vector<1x16xf32>,
        %get3A_659 = vector.shape_cast %get3A_658 : vector<1x16xf32> to vector<16xf32>
        %get3A_660 = arith.index_cast %add3A_570 : i32 to index
        %get3A_661 = arith.constant 80 : index
        %get3A_662 = tpu.vector_load %arg8[%get3A_660, %get3A_661] {strides = array<i32>} : memref<40x128xf32, #tpu.memory_space<vmem>>, vector<1x16xf32>,
        %get3A_663 = vector.shape_cast %get3A_662 : vector<1x16xf32> to vector<16xf32>
        %add3A_664 = arith.addf %get3A_659, %get3A_663 : vector<16xf32>
        %max3A_665 = arith.constant 0.000000e+00 : f32
        %max3A_666 = vector.broadcast %max3A_665 : f32 to vector<16xf32>
        %max3A_667 = arith.maximumf %add3A_664, %max3A_666 : vector<16xf32>
        %swap3A_668 = arith.index_cast %add3A_570 : i32 to index
        %swap3A_669 = arith.constant 80 : index
        %swap3A_670 = tpu.vector_load %arg12[%swap3A_668, %swap3A_669] {strides = array<i32>} : memref<40x128xf32, #tpu.memory_space<vmem>>, vector<1x16xf32>,
        %swap3A_671 = vector.shape_cast %swap3A_670 : vector<1x16xf32> to vector<16xf32>
        %swap3A_672 = vector.shape_cast %max3A_667 : vector<16xf32> to vector<1x16xf32>
        tpu.vector_store %arg12[%swap3A_668, %swap3A_669], %swap3A_672 {strides = array<i32>} : memref<40x128xf32, #tpu.memory_space<vmem>>, vector<1x16xf32>,
        %get3A_673 = arith.index_cast %add3A_570 : i32 to index
        %get3A_674 = arith.constant 96 : index
        %get3A_675 = tpu.vector_load %arg10[%get3A_673, %get3A_674] {strides = array<i32>} : memref<40x128xf32, #tpu.memory_space<vmem>>, vector<1x16xf32>,
        %get3A_676 = vector.shape_cast %get3A_675 : vector<1x16xf32> to vector<16xf32>
        %get3A_677 = arith.index_cast %add3A_570 : i32 to index
        %get3A_678 = arith.constant 96 : index
        %get3A_679 = tpu.vector_load %arg8[%get3A_677, %get3A_678] {strides = array<i32>} : memref<40x128xf32, #tpu.memory_space<vmem>>, vector<1x16xf32>,
        %get3A_680 = vector.shape_cast %get3A_679 : vector<1x16xf32> to vector<16xf32>
        %add3A_681 = arith.addf %get3A_676, %get3A_680 : vector<16xf32>
        %max3A_682 = arith.constant 0.000000e+00 : f32
        %max3A_683 = vector.broadcast %max3A_682 : f32 to vector<16xf32>
        %max3A_684 = arith.maximumf %add3A_681, %max3A_683 : vector<16xf32>
        %swap3A_685 = arith.index_cast %add3A_570 : i32 to index
        %swap3A_686 = arith.constant 96 : index
        %swap3A_687 = tpu.vector_load %arg12[%swap3A_685, %swap3A_686] {strides = array<i32>} : memref<40x128xf32, #tpu.memory_space<vmem>>, vector<1x16xf32>,
        %swap3A_688 = vector.shape_cast %swap3A_687 : vector<1x16xf32> to vector<16xf32>
        %swap3A_689 = vector.shape_cast %max3A_684 : vector<16xf32> to vector<1x16xf32>
        tpu.vector_store %arg12[%swap3A_685, %swap3A_686], %swap3A_689 {strides = array<i32>} : memref<40x128xf32, #tpu.memory_space<vmem>>, vector<1x16xf32>,
        %get3A_690 = arith.index_cast %add3A_570 : i32 to index
        %get3A_691 = arith.constant 112 : index
        %get3A_692 = tpu.vector_load %arg10[%get3A_690, %get3A_691] {strides = array<i32>} : memref<40x128xf32, #tpu.memory_space<vmem>>, vector<1x16xf32>,
        %get3A_693 = vector.shape_cast %get3A_692 : vector<1x16xf32> to vector<16xf32>
        %get3A_694 = arith.index_cast %add3A_570 : i32 to index
        %get3A_695 = arith.constant 112 : index
        %get3A_696 = tpu.vector_load %arg8[%get3A_694, %get3A_695] {strides = array<i32>} : memref<40x128xf32, #tpu.memory_space<vmem>>, vector<1x16xf32>,
        %get3A_697 = vector.shape_cast %get3A_696 : vector<1x16xf32> to vector<16xf32>
        %add3A_698 = arith.addf %get3A_693, %get3A_697 : vector<16xf32>
        %max3A_699 = arith.constant 0.000000e+00 : f32
        %max3A_700 = vector.broadcast %max3A_699 : f32 to vector<16xf32>
        %max3A_701 = arith.maximumf %add3A_698, %max3A_700 : vector<16xf32>
        %swap3A_702 = arith.index_cast %add3A_570 : i32 to index
        %swap3A_703 = arith.constant 112 : index
        %swap3A_704 = tpu.vector_load %arg12[%swap3A_702, %swap3A_703] {strides = array<i32>} : memref<40x128xf32, #tpu.memory_space<vmem>>, vector<1x16xf32>,
        %swap3A_705 = vector.shape_cast %swap3A_704 : vector<1x16xf32> to vector<16xf32>
        %swap3A_706 = vector.shape_cast %max3A_701 : vector<16xf32> to vector<1x16xf32>
        tpu.vector_store %arg12[%swap3A_702, %swap3A_703], %swap3A_706 {strides = array<i32>} : memref<40x128xf32, #tpu.memory_space<vmem>>, vector<1x16xf32>,
        %mul3A_707 = arith.constant 4 : i32
        %mul3A_708 = arith.muli %mul3A_707, %scan3A_429 : i32
        %add3A_709 = arith.constant 2 : i32
        %add3A_710 = arith.addi %mul3A_708, %add3A_709 : i32
        %get3A_711 = arith.index_cast %add3A_710 : i32 to index
        %get3A_712 = arith.constant 0 : index
        %get3A_713 = tpu.vector_load %arg10[%get3A_711, %get3A_712] {strides = array<i32>} : memref<40x128xf32, #tpu.memory_space<vmem>>, vector<1x16xf32>,
        %get3A_714 = vector.shape_cast %get3A_713 : vector<1x16xf32> to vector<16xf32>
        %get3A_715 = arith.index_cast %add3A_710 : i32 to index
        %get3A_716 = arith.constant 0 : index
        %get3A_717 = tpu.vector_load %arg8[%get3A_715, %get3A_716] {strides = array<i32>} : memref<40x128xf32, #tpu.memory_space<vmem>>, vector<1x16xf32>,
        %get3A_718 = vector.shape_cast %get3A_717 : vector<1x16xf32> to vector<16xf32>
        %add3A_719 = arith.addf %get3A_714, %get3A_718 : vector<16xf32>
        %max3A_720 = arith.constant 0.000000e+00 : f32
        %max3A_721 = vector.broadcast %max3A_720 : f32 to vector<16xf32>
        %max3A_722 = arith.maximumf %add3A_719, %max3A_721 : vector<16xf32>
        %swap3A_723 = arith.index_cast %add3A_710 : i32 to index
        %swap3A_724 = arith.constant 0 : index
        %swap3A_725 = tpu.vector_load %arg12[%swap3A_723, %swap3A_724] {strides = array<i32>} : memref<40x128xf32, #tpu.memory_space<vmem>>, vector<1x16xf32>,
        %swap3A_726 = vector.shape_cast %swap3A_725 : vector<1x16xf32> to vector<16xf32>
        %swap3A_727 = vector.shape_cast %max3A_722 : vector<16xf32> to vector<1x16xf32>
        tpu.vector_store %arg12[%swap3A_723, %swap3A_724], %swap3A_727 {strides = array<i32>} : memref<40x128xf32, #tpu.memory_space<vmem>>, vector<1x16xf32>,
        %get3A_728 = arith.index_cast %add3A_710 : i32 to index
        %get3A_729 = arith.constant 16 : index
        %get3A_730 = tpu.vector_load %arg10[%get3A_728, %get3A_729] {strides = array<i32>} : memref<40x128xf32, #tpu.memory_space<vmem>>, vector<1x16xf32>,
        %get3A_731 = vector.shape_cast %get3A_730 : vector<1x16xf32> to vector<16xf32>
        %get3A_732 = arith.index_cast %add3A_710 : i32 to index
        %get3A_733 = arith.constant 16 : index
        %get3A_734 = tpu.vector_load %arg8[%get3A_732, %get3A_733] {strides = array<i32>} : memref<40x128xf32, #tpu.memory_space<vmem>>, vector<1x16xf32>,
        %get3A_735 = vector.shape_cast %get3A_734 : vector<1x16xf32> to vector<16xf32>
        %add3A_736 = arith.addf %get3A_731, %get3A_735 : vector<16xf32>
        %max3A_737 = arith.constant 0.000000e+00 : f32
        %max3A_738 = vector.broadcast %max3A_737 : f32 to vector<16xf32>
        %max3A_739 = arith.maximumf %add3A_736, %max3A_738 : vector<16xf32>
        %swap3A_740 = arith.index_cast %add3A_710 : i32 to index
        %swap3A_741 = arith.constant 16 : index
        %swap3A_742 = tpu.vector_load %arg12[%swap3A_740, %swap3A_741] {strides = array<i32>} : memref<40x128xf32, #tpu.memory_space<vmem>>, vector<1x16xf32>,
        %swap3A_743 = vector.shape_cast %swap3A_742 : vector<1x16xf32> to vector<16xf32>
        %swap3A_744 = vector.shape_cast %max3A_739 : vector<16xf32> to vector<1x16xf32>
        tpu.vector_store %arg12[%swap3A_740, %swap3A_741], %swap3A_744 {strides = array<i32>} : memref<40x128xf32, #tpu.memory_space<vmem>>, vector<1x16xf32>,
        %get3A_745 = arith.index_cast %add3A_710 : i32 to index
        %get3A_746 = arith.constant 32 : index
        %get3A_747 = tpu.vector_load %arg10[%get3A_745, %get3A_746] {strides = array<i32>} : memref<40x128xf32, #tpu.memory_space<vmem>>, vector<1x16xf32>,
        %get3A_748 = vector.shape_cast %get3A_747 : vector<1x16xf32> to vector<16xf32>
        %get3A_749 = arith.index_cast %add3A_710 : i32 to index
        %get3A_750 = arith.constant 32 : index
        %get3A_751 = tpu.vector_load %arg8[%get3A_749, %get3A_750] {strides = array<i32>} : memref<40x128xf32, #tpu.memory_space<vmem>>, vector<1x16xf32>,
        %get3A_752 = vector.shape_cast %get3A_751 : vector<1x16xf32> to vector<16xf32>
        %add3A_753 = arith.addf %get3A_748, %get3A_752 : vector<16xf32>
        %max3A_754 = arith.constant 0.000000e+00 : f32
        %max3A_755 = vector.broadcast %max3A_754 : f32 to vector<16xf32>
        %max3A_756 = arith.maximumf %add3A_753, %max3A_755 : vector<16xf32>
        %swap3A_757 = arith.index_cast %add3A_710 : i32 to index
        %swap3A_758 = arith.constant 32 : index
        %swap3A_759 = tpu.vector_load %arg12[%swap3A_757, %swap3A_758] {strides = array<i32>} : memref<40x128xf32, #tpu.memory_space<vmem>>, vector<1x16xf32>,
        %swap3A_760 = vector.shape_cast %swap3A_759 : vector<1x16xf32> to vector<16xf32>
        %swap3A_761 = vector.shape_cast %max3A_756 : vector<16xf32> to vector<1x16xf32>
        tpu.vector_store %arg12[%swap3A_757, %swap3A_758], %swap3A_761 {strides = array<i32>} : memref<40x128xf32, #tpu.memory_space<vmem>>, vector<1x16xf32>,
        %get3A_762 = arith.index_cast %add3A_710 : i32 to index
        %get3A_763 = arith.constant 48 : index
        %get3A_764 = tpu.vector_load %arg10[%get3A_762, %get3A_763] {strides = array<i32>} : memref<40x128xf32, #tpu.memory_space<vmem>>, vector<1x16xf32>,
        %get3A_765 = vector.shape_cast %get3A_764 : vector<1x16xf32> to vector<16xf32>
        %get3A_766 = arith.index_cast %add3A_710 : i32 to index
        %get3A_767 = arith.constant 48 : index
        %get3A_768 = tpu.vector_load %arg8[%get3A_766, %get3A_767] {strides = array<i32>} : memref<40x128xf32, #tpu.memory_space<vmem>>, vector<1x16xf32>,
        %get3A_769 = vector.shape_cast %get3A_768 : vector<1x16xf32> to vector<16xf32>
        %add3A_770 = arith.addf %get3A_765, %get3A_769 : vector<16xf32>
        %max3A_771 = arith.constant 0.000000e+00 : f32
        %max3A_772 = vector.broadcast %max3A_771 : f32 to vector<16xf32>
        %max3A_773 = arith.maximumf %add3A_770, %max3A_772 : vector<16xf32>
        %swap3A_774 = arith.index_cast %add3A_710 : i32 to index
        %swap3A_775 = arith.constant 48 : index
        %swap3A_776 = tpu.vector_load %arg12[%swap3A_774, %swap3A_775] {strides = array<i32>} : memref<40x128xf32, #tpu.memory_space<vmem>>, vector<1x16xf32>,
        %swap3A_777 = vector.shape_cast %swap3A_776 : vector<1x16xf32> to vector<16xf32>
        %swap3A_778 = vector.shape_cast %max3A_773 : vector<16xf32> to vector<1x16xf32>
        tpu.vector_store %arg12[%swap3A_774, %swap3A_775], %swap3A_778 {strides = array<i32>} : memref<40x128xf32, #tpu.memory_space<vmem>>, vector<1x16xf32>,
        %get3A_779 = arith.index_cast %add3A_710 : i32 to index
        %get3A_780 = arith.constant 64 : index
        %get3A_781 = tpu.vector_load %arg10[%get3A_779, %get3A_780] {strides = array<i32>} : memref<40x128xf32, #tpu.memory_space<vmem>>, vector<1x16xf32>,
        %get3A_782 = vector.shape_cast %get3A_781 : vector<1x16xf32> to vector<16xf32>
        %get3A_783 = arith.index_cast %add3A_710 : i32 to index
        %get3A_784 = arith.constant 64 : index
        %get3A_785 = tpu.vector_load %arg8[%get3A_783, %get3A_784] {strides = array<i32>} : memref<40x128xf32, #tpu.memory_space<vmem>>, vector<1x16xf32>,
        %get3A_786 = vector.shape_cast %get3A_785 : vector<1x16xf32> to vector<16xf32>
        %add3A_787 = arith.addf %get3A_782, %get3A_786 : vector<16xf32>
        %max3A_788 = arith.constant 0.000000e+00 : f32
        %max3A_789 = vector.broadcast %max3A_788 : f32 to vector<16xf32>
        %max3A_790 = arith.maximumf %add3A_787, %max3A_789 : vector<16xf32>
        %swap3A_791 = arith.index_cast %add3A_710 : i32 to index
        %swap3A_792 = arith.constant 64 : index
        %swap3A_793 = tpu.vector_load %arg12[%swap3A_791, %swap3A_792] {strides = array<i32>} : memref<40x128xf32, #tpu.memory_space<vmem>>, vector<1x16xf32>,
        %swap3A_794 = vector.shape_cast %swap3A_793 : vector<1x16xf32> to vector<16xf32>
        %swap3A_795 = vector.shape_cast %max3A_790 : vector<16xf32> to vector<1x16xf32>
        tpu.vector_store %arg12[%swap3A_791, %swap3A_792], %swap3A_795 {strides = array<i32>} : memref<40x128xf32, #tpu.memory_space<vmem>>, vector<1x16xf32>,
        %get3A_796 = arith.index_cast %add3A_710 : i32 to index
        %get3A_797 = arith.constant 80 : index
        %get3A_798 = tpu.vector_load %arg10[%get3A_796, %get3A_797] {strides = array<i32>} : memref<40x128xf32, #tpu.memory_space<vmem>>, vector<1x16xf32>,
        %get3A_799 = vector.shape_cast %get3A_798 : vector<1x16xf32> to vector<16xf32>
        %get3A_800 = arith.index_cast %add3A_710 : i32 to index
        %get3A_801 = arith.constant 80 : index
        %get3A_802 = tpu.vector_load %arg8[%get3A_800, %get3A_801] {strides = array<i32>} : memref<40x128xf32, #tpu.memory_space<vmem>>, vector<1x16xf32>,
        %get3A_803 = vector.shape_cast %get3A_802 : vector<1x16xf32> to vector<16xf32>
        %add3A_804 = arith.addf %get3A_799, %get3A_803 : vector<16xf32>
        %max3A_805 = arith.constant 0.000000e+00 : f32
        %max3A_806 = vector.broadcast %max3A_805 : f32 to vector<16xf32>
        %max3A_807 = arith.maximumf %add3A_804, %max3A_806 : vector<16xf32>
        %swap3A_808 = arith.index_cast %add3A_710 : i32 to index
        %swap3A_809 = arith.constant 80 : index
        %swap3A_810 = tpu.vector_load %arg12[%swap3A_808, %swap3A_809] {strides = array<i32>} : memref<40x128xf32, #tpu.memory_space<vmem>>, vector<1x16xf32>,
        %swap3A_811 = vector.shape_cast %swap3A_810 : vector<1x16xf32> to vector<16xf32>
        %swap3A_812 = vector.shape_cast %max3A_807 : vector<16xf32> to vector<1x16xf32>
        tpu.vector_store %arg12[%swap3A_808, %swap3A_809], %swap3A_812 {strides = array<i32>} : memref<40x128xf32, #tpu.memory_space<vmem>>, vector<1x16xf32>,
        %get3A_813 = arith.index_cast %add3A_710 : i32 to index
        %get3A_814 = arith.constant 96 : index
        %get3A_815 = tpu.vector_load %arg10[%get3A_813, %get3A_814] {strides = array<i32>} : memref<40x128xf32, #tpu.memory_space<vmem>>, vector<1x16xf32>,
        %get3A_816 = vector.shape_cast %get3A_815 : vector<1x16xf32> to vector<16xf32>
        %get3A_817 = arith.index_cast %add3A_710 : i32 to index
        %get3A_818 = arith.constant 96 : index
        %get3A_819 = tpu.vector_load %arg8[%get3A_817, %get3A_818] {strides = array<i32>} : memref<40x128xf32, #tpu.memory_space<vmem>>, vector<1x16xf32>,
        %get3A_820 = vector.shape_cast %get3A_819 : vector<1x16xf32> to vector<16xf32>
        %add3A_821 = arith.addf %get3A_816, %get3A_820 : vector<16xf32>
        %max3A_822 = arith.constant 0.000000e+00 : f32
        %max3A_823 = vector.broadcast %max3A_822 : f32 to vector<16xf32>
        %max3A_824 = arith.maximumf %add3A_821, %max3A_823 : vector<16xf32>
        %swap3A_825 = arith.index_cast %add3A_710 : i32 to index
        %swap3A_826 = arith.constant 96 : index
        %swap3A_827 = tpu.vector_load %arg12[%swap3A_825, %swap3A_826] {strides = array<i32>} : memref<40x128xf32, #tpu.memory_space<vmem>>, vector<1x16xf32>,
        %swap3A_828 = vector.shape_cast %swap3A_827 : vector<1x16xf32> to vector<16xf32>
        %swap3A_829 = vector.shape_cast %max3A_824 : vector<16xf32> to vector<1x16xf32>
        tpu.vector_store %arg12[%swap3A_825, %swap3A_826], %swap3A_829 {strides = array<i32>} : memref<40x128xf32, #tpu.memory_space<vmem>>, vector<1x16xf32>,
        %get3A_830 = arith.index_cast %add3A_710 : i32 to index
        %get3A_831 = arith.constant 112 : index
        %get3A_832 = tpu.vector_load %arg10[%get3A_830, %get3A_831] {strides = array<i32>} : memref<40x128xf32, #tpu.memory_space<vmem>>, vector<1x16xf32>,
        %get3A_833 = vector.shape_cast %get3A_832 : vector<1x16xf32> to vector<16xf32>
        %get3A_834 = arith.index_cast %add3A_710 : i32 to index
        %get3A_835 = arith.constant 112 : index
        %get3A_836 = tpu.vector_load %arg8[%get3A_834, %get3A_835] {strides = array<i32>} : memref<40x128xf32, #tpu.memory_space<vmem>>, vector<1x16xf32>,
        %get3A_837 = vector.shape_cast %get3A_836 : vector<1x16xf32> to vector<16xf32>
        %add3A_838 = arith.addf %get3A_833, %get3A_837 : vector<16xf32>
        %max3A_839 = arith.constant 0.000000e+00 : f32
        %max3A_840 = vector.broadcast %max3A_839 : f32 to vector<16xf32>
        %max3A_841 = arith.maximumf %add3A_838, %max3A_840 : vector<16xf32>
        %swap3A_842 = arith.index_cast %add3A_710 : i32 to index
        %swap3A_843 = arith.constant 112 : index
        %swap3A_844 = tpu.vector_load %arg12[%swap3A_842, %swap3A_843] {strides = array<i32>} : memref<40x128xf32, #tpu.memory_space<vmem>>, vector<1x16xf32>,
        %swap3A_845 = vector.shape_cast %swap3A_844 : vector<1x16xf32> to vector<16xf32>
        %swap3A_846 = vector.shape_cast %max3A_841 : vector<16xf32> to vector<1x16xf32>
        tpu.vector_store %arg12[%swap3A_842, %swap3A_843], %swap3A_846 {strides = array<i32>} : memref<40x128xf32, #tpu.memory_space<vmem>>, vector<1x16xf32>,
        %mul3A_847 = arith.constant 4 : i32
        %mul3A_848 = arith.muli %mul3A_847, %scan3A_429 : i32
        %add3A_849 = arith.constant 3 : i32
        %add3A_850 = arith.addi %mul3A_848, %add3A_849 : i32
        %get3A_851 = arith.index_cast %add3A_850 : i32 to index
        %get3A_852 = arith.constant 0 : index
        %get3A_853 = tpu.vector_load %arg10[%get3A_851, %get3A_852] {strides = array<i32>} : memref<40x128xf32, #tpu.memory_space<vmem>>, vector<1x16xf32>,
        %get3A_854 = vector.shape_cast %get3A_853 : vector<1x16xf32> to vector<16xf32>
        %get3A_855 = arith.index_cast %add3A_850 : i32 to index
        %get3A_856 = arith.constant 0 : index
        %get3A_857 = tpu.vector_load %arg8[%get3A_855, %get3A_856] {strides = array<i32>} : memref<40x128xf32, #tpu.memory_space<vmem>>, vector<1x16xf32>,
        %get3A_858 = vector.shape_cast %get3A_857 : vector<1x16xf32> to vector<16xf32>
        %add3A_859 = arith.addf %get3A_854, %get3A_858 : vector<16xf32>
        %max3A_860 = arith.constant 0.000000e+00 : f32
        %max3A_861 = vector.broadcast %max3A_860 : f32 to vector<16xf32>
        %max3A_862 = arith.maximumf %add3A_859, %max3A_861 : vector<16xf32>
        %swap3A_863 = arith.index_cast %add3A_850 : i32 to index
        %swap3A_864 = arith.constant 0 : index
        %swap3A_865 = tpu.vector_load %arg12[%swap3A_863, %swap3A_864] {strides = array<i32>} : memref<40x128xf32, #tpu.memory_space<vmem>>, vector<1x16xf32>,
        %swap3A_866 = vector.shape_cast %swap3A_865 : vector<1x16xf32> to vector<16xf32>
        %swap3A_867 = vector.shape_cast %max3A_862 : vector<16xf32> to vector<1x16xf32>
        tpu.vector_store %arg12[%swap3A_863, %swap3A_864], %swap3A_867 {strides = array<i32>} : memref<40x128xf32, #tpu.memory_space<vmem>>, vector<1x16xf32>,
        %get3A_868 = arith.index_cast %add3A_850 : i32 to index
        %get3A_869 = arith.constant 16 : index
        %get3A_870 = tpu.vector_load %arg10[%get3A_868, %get3A_869] {strides = array<i32>} : memref<40x128xf32, #tpu.memory_space<vmem>>, vector<1x16xf32>,
        %get3A_871 = vector.shape_cast %get3A_870 : vector<1x16xf32> to vector<16xf32>
        %get3A_872 = arith.index_cast %add3A_850 : i32 to index
        %get3A_873 = arith.constant 16 : index
        %get3A_874 = tpu.vector_load %arg8[%get3A_872, %get3A_873] {strides = array<i32>} : memref<40x128xf32, #tpu.memory_space<vmem>>, vector<1x16xf32>,
        %get3A_875 = vector.shape_cast %get3A_874 : vector<1x16xf32> to vector<16xf32>
        %add3A_876 = arith.addf %get3A_871, %get3A_875 : vector<16xf32>
        %max3A_877 = arith.constant 0.000000e+00 : f32
        %max3A_878 = vector.broadcast %max3A_877 : f32 to vector<16xf32>
        %max3A_879 = arith.maximumf %add3A_876, %max3A_878 : vector<16xf32>
        %swap3A_880 = arith.index_cast %add3A_850 : i32 to index
        %swap3A_881 = arith.constant 16 : index
        %swap3A_882 = tpu.vector_load %arg12[%swap3A_880, %swap3A_881] {strides = array<i32>} : memref<40x128xf32, #tpu.memory_space<vmem>>, vector<1x16xf32>,
        %swap3A_883 = vector.shape_cast %swap3A_882 : vector<1x16xf32> to vector<16xf32>
        %swap3A_884 = vector.shape_cast %max3A_879 : vector<16xf32> to vector<1x16xf32>
        tpu.vector_store %arg12[%swap3A_880, %swap3A_881], %swap3A_884 {strides = array<i32>} : memref<40x128xf32, #tpu.memory_space<vmem>>, vector<1x16xf32>,
        %get3A_885 = arith.index_cast %add3A_850 : i32 to index
        %get3A_886 = arith.constant 32 : index
        %get3A_887 = tpu.vector_load %arg10[%get3A_885, %get3A_886] {strides = array<i32>} : memref<40x128xf32, #tpu.memory_space<vmem>>, vector<1x16xf32>,
        %get3A_888 = vector.shape_cast %get3A_887 : vector<1x16xf32> to vector<16xf32>
        %get3A_889 = arith.index_cast %add3A_850 : i32 to index
        %get3A_890 = arith.constant 32 : index
        %get3A_891 = tpu.vector_load %arg8[%get3A_889, %get3A_890] {strides = array<i32>} : memref<40x128xf32, #tpu.memory_space<vmem>>, vector<1x16xf32>,
        %get3A_892 = vector.shape_cast %get3A_891 : vector<1x16xf32> to vector<16xf32>
        %add3A_893 = arith.addf %get3A_888, %get3A_892 : vector<16xf32>
        %max3A_894 = arith.constant 0.000000e+00 : f32
        %max3A_895 = vector.broadcast %max3A_894 : f32 to vector<16xf32>
        %max3A_896 = arith.maximumf %add3A_893, %max3A_895 : vector<16xf32>
        %swap3A_897 = arith.index_cast %add3A_850 : i32 to index
        %swap3A_898 = arith.constant 32 : index
        %swap3A_899 = tpu.vector_load %arg12[%swap3A_897, %swap3A_898] {strides = array<i32>} : memref<40x128xf32, #tpu.memory_space<vmem>>, vector<1x16xf32>,
        %swap3A_900 = vector.shape_cast %swap3A_899 : vector<1x16xf32> to vector<16xf32>
        %swap3A_901 = vector.shape_cast %max3A_896 : vector<16xf32> to vector<1x16xf32>
        tpu.vector_store %arg12[%swap3A_897, %swap3A_898], %swap3A_901 {strides = array<i32>} : memref<40x128xf32, #tpu.memory_space<vmem>>, vector<1x16xf32>,
        %get3A_902 = arith.index_cast %add3A_850 : i32 to index
        %get3A_903 = arith.constant 48 : index
        %get3A_904 = tpu.vector_load %arg10[%get3A_902, %get3A_903] {strides = array<i32>} : memref<40x128xf32, #tpu.memory_space<vmem>>, vector<1x16xf32>,
        %get3A_905 = vector.shape_cast %get3A_904 : vector<1x16xf32> to vector<16xf32>
        %get3A_906 = arith.index_cast %add3A_850 : i32 to index
        %get3A_907 = arith.constant 48 : index
        %get3A_908 = tpu.vector_load %arg8[%get3A_906, %get3A_907] {strides = array<i32>} : memref<40x128xf32, #tpu.memory_space<vmem>>, vector<1x16xf32>,
        %get3A_909 = vector.shape_cast %get3A_908 : vector<1x16xf32> to vector<16xf32>
        %add3A_910 = arith.addf %get3A_905, %get3A_909 : vector<16xf32>
        %max3A_911 = arith.constant 0.000000e+00 : f32
        %max3A_912 = vector.broadcast %max3A_911 : f32 to vector<16xf32>
        %max3A_913 = arith.maximumf %add3A_910, %max3A_912 : vector<16xf32>
        %swap3A_914 = arith.index_cast %add3A_850 : i32 to index
        %swap3A_915 = arith.constant 48 : index
        %swap3A_916 = tpu.vector_load %arg12[%swap3A_914, %swap3A_915] {strides = array<i32>} : memref<40x128xf32, #tpu.memory_space<vmem>>, vector<1x16xf32>,
        %swap3A_917 = vector.shape_cast %swap3A_916 : vector<1x16xf32> to vector<16xf32>
        %swap3A_918 = vector.shape_cast %max3A_913 : vector<16xf32> to vector<1x16xf32>
        tpu.vector_store %arg12[%swap3A_914, %swap3A_915], %swap3A_918 {strides = array<i32>} : memref<40x128xf32, #tpu.memory_space<vmem>>, vector<1x16xf32>,
        %get3A_919 = arith.index_cast %add3A_850 : i32 to index
        %get3A_920 = arith.constant 64 : index
        %get3A_921 = tpu.vector_load %arg10[%get3A_919, %get3A_920] {strides = array<i32>} : memref<40x128xf32, #tpu.memory_space<vmem>>, vector<1x16xf32>,
        %get3A_922 = vector.shape_cast %get3A_921 : vector<1x16xf32> to vector<16xf32>
        %get3A_923 = arith.index_cast %add3A_850 : i32 to index
        %get3A_924 = arith.constant 64 : index
        %get3A_925 = tpu.vector_load %arg8[%get3A_923, %get3A_924] {strides = array<i32>} : memref<40x128xf32, #tpu.memory_space<vmem>>, vector<1x16xf32>,
        %get3A_926 = vector.shape_cast %get3A_925 : vector<1x16xf32> to vector<16xf32>
        %add3A_927 = arith.addf %get3A_922, %get3A_926 : vector<16xf32>
        %max3A_928 = arith.constant 0.000000e+00 : f32
        %max3A_929 = vector.broadcast %max3A_928 : f32 to vector<16xf32>
        %max3A_930 = arith.maximumf %add3A_927, %max3A_929 : vector<16xf32>
        %swap3A_931 = arith.index_cast %add3A_850 : i32 to index
        %swap3A_932 = arith.constant 64 : index
        %swap3A_933 = tpu.vector_load %arg12[%swap3A_931, %swap3A_932] {strides = array<i32>} : memref<40x128xf32, #tpu.memory_space<vmem>>, vector<1x16xf32>,
        %swap3A_934 = vector.shape_cast %swap3A_933 : vector<1x16xf32> to vector<16xf32>
        %swap3A_935 = vector.shape_cast %max3A_930 : vector<16xf32> to vector<1x16xf32>
        tpu.vector_store %arg12[%swap3A_931, %swap3A_932], %swap3A_935 {strides = array<i32>} : memref<40x128xf32, #tpu.memory_space<vmem>>, vector<1x16xf32>,
        %get3A_936 = arith.index_cast %add3A_850 : i32 to index
        %get3A_937 = arith.constant 80 : index
        %get3A_938 = tpu.vector_load %arg10[%get3A_936, %get3A_937] {strides = array<i32>} : memref<40x128xf32, #tpu.memory_space<vmem>>, vector<1x16xf32>,
        %get3A_939 = vector.shape_cast %get3A_938 : vector<1x16xf32> to vector<16xf32>
        %get3A_940 = arith.index_cast %add3A_850 : i32 to index
        %get3A_941 = arith.constant 80 : index
        %get3A_942 = tpu.vector_load %arg8[%get3A_940, %get3A_941] {strides = array<i32>} : memref<40x128xf32, #tpu.memory_space<vmem>>, vector<1x16xf32>,
        %get3A_943 = vector.shape_cast %get3A_942 : vector<1x16xf32> to vector<16xf32>
        %add3A_944 = arith.addf %get3A_939, %get3A_943 : vector<16xf32>
        %max3A_945 = arith.constant 0.000000e+00 : f32
        %max3A_946 = vector.broadcast %max3A_945 : f32 to vector<16xf32>
        %max3A_947 = arith.maximumf %add3A_944, %max3A_946 : vector<16xf32>
        %swap3A_948 = arith.index_cast %add3A_850 : i32 to index
        %swap3A_949 = arith.constant 80 : index
        %swap3A_950 = tpu.vector_load %arg12[%swap3A_948, %swap3A_949] {strides = array<i32>} : memref<40x128xf32, #tpu.memory_space<vmem>>, vector<1x16xf32>,
        %swap3A_951 = vector.shape_cast %swap3A_950 : vector<1x16xf32> to vector<16xf32>
        %swap3A_952 = vector.shape_cast %max3A_947 : vector<16xf32> to vector<1x16xf32>
        tpu.vector_store %arg12[%swap3A_948, %swap3A_949], %swap3A_952 {strides = array<i32>} : memref<40x128xf32, #tpu.memory_space<vmem>>, vector<1x16xf32>,
        %get3A_953 = arith.index_cast %add3A_850 : i32 to index
        %get3A_954 = arith.constant 96 : index
        %get3A_955 = tpu.vector_load %arg10[%get3A_953, %get3A_954] {strides = array<i32>} : memref<40x128xf32, #tpu.memory_space<vmem>>, vector<1x16xf32>,
        %get3A_956 = vector.shape_cast %get3A_955 : vector<1x16xf32> to vector<16xf32>
        %get3A_957 = arith.index_cast %add3A_850 : i32 to index
        %get3A_958 = arith.constant 96 : index
        %get3A_959 = tpu.vector_load %arg8[%get3A_957, %get3A_958] {strides = array<i32>} : memref<40x128xf32, #tpu.memory_space<vmem>>, vector<1x16xf32>,
        %get3A_960 = vector.shape_cast %get3A_959 : vector<1x16xf32> to vector<16xf32>
        %add3A_961 = arith.addf %get3A_956, %get3A_960 : vector<16xf32>
        %max3A_962 = arith.constant 0.000000e+00 : f32
        %max3A_963 = vector.broadcast %max3A_962 : f32 to vector<16xf32>
        %max3A_964 = arith.maximumf %add3A_961, %max3A_963 : vector<16xf32>
        %swap3A_965 = arith.index_cast %add3A_850 : i32 to index
        %swap3A_966 = arith.constant 96 : index
        %swap3A_967 = tpu.vector_load %arg12[%swap3A_965, %swap3A_966] {strides = array<i32>} : memref<40x128xf32, #tpu.memory_space<vmem>>, vector<1x16xf32>,
        %swap3A_968 = vector.shape_cast %swap3A_967 : vector<1x16xf32> to vector<16xf32>
        %swap3A_969 = vector.shape_cast %max3A_964 : vector<16xf32> to vector<1x16xf32>
        tpu.vector_store %arg12[%swap3A_965, %swap3A_966], %swap3A_969 {strides = array<i32>} : memref<40x128xf32, #tpu.memory_space<vmem>>, vector<1x16xf32>,
        %get3A_970 = arith.index_cast %add3A_850 : i32 to index
        %get3A_971 = arith.constant 112 : index
        %get3A_972 = tpu.vector_load %arg10[%get3A_970, %get3A_971] {strides = array<i32>} : memref<40x128xf32, #tpu.memory_space<vmem>>, vector<1x16xf32>,
        %get3A_973 = vector.shape_cast %get3A_972 : vector<1x16xf32> to vector<16xf32>
        %get3A_974 = arith.index_cast %add3A_850 : i32 to index
        %get3A_975 = arith.constant 112 : index
        %get3A_976 = tpu.vector_load %arg8[%get3A_974, %get3A_975] {strides = array<i32>} : memref<40x128xf32, #tpu.memory_space<vmem>>, vector<1x16xf32>,
        %get3A_977 = vector.shape_cast %get3A_976 : vector<1x16xf32> to vector<16xf32>
        %add3A_978 = arith.addf %get3A_973, %get3A_977 : vector<16xf32>
        %max3A_979 = arith.constant 0.000000e+00 : f32
        %max3A_980 = vector.broadcast %max3A_979 : f32 to vector<16xf32>
        %max3A_981 = arith.maximumf %add3A_978, %max3A_980 : vector<16xf32>
        %swap3A_982 = arith.index_cast %add3A_850 : i32 to index
        %swap3A_983 = arith.constant 112 : index
        %swap3A_984 = tpu.vector_load %arg12[%swap3A_982, %swap3A_983] {strides = array<i32>} : memref<40x128xf32, #tpu.memory_space<vmem>>, vector<1x16xf32>,
        %swap3A_985 = vector.shape_cast %swap3A_984 : vector<1x16xf32> to vector<16xf32>
        %swap3A_986 = vector.shape_cast %max3A_981 : vector<16xf32> to vector<1x16xf32>
        tpu.vector_store %arg12[%swap3A_982, %swap3A_983], %swap3A_986 {strides = array<i32>} : memref<40x128xf32, #tpu.memory_space<vmem>>, vector<1x16xf32>,
      }
      %scan3A_359 = arith.constant 10 : i32
      %jit3A_360 = arith.constant 10 : i32
      %div3A_361 = arith.divsi %add3A_277, %jit3A_360 : i32
      %sign3A_362 = arith.constant 0 : i32
      %sign3A_363 = arith.cmpi sgt, %add3A_277, %sign3A_362 : i32
      %sign3A_364 = arith.extui %sign3A_363 : i1 to i32
      %sign3A_365 = arith.constant 0 : i32
      %sign3A_366 = arith.cmpi slt, %add3A_277, %sign3A_365 : i32
      %sign3A_367 = arith.extui %sign3A_366 : i1 to i32
      %sign3A_368 = arith.subi %sign3A_364, %sign3A_367 : i32
      %sign3A_369 = arith.constant 0 : i32
      %sign3A_370 = arith.cmpi sgt, %jit3A_360, %sign3A_369 : i32
      %sign3A_371 = arith.extui %sign3A_370 : i1 to i32
      %sign3A_372 = arith.constant 0 : i32
      %sign3A_373 = arith.cmpi slt, %jit3A_360, %sign3A_372 : i32
      %sign3A_374 = arith.extui %sign3A_373 : i1 to i32
      %sign3A_375 = arith.subi %sign3A_371, %sign3A_374 : i32
      %ne3A_376 = arith.cmpi ne, %sign3A_368, %sign3A_375 : i32
      %rem3A_377 = arith.remsi %add3A_277, %jit3A_360 : i32
      %ne3A_378 = arith.constant 0 : i32
      %ne3A_379 = arith.cmpi ne, %rem3A_377, %ne3A_378 : i32
      %and3A_380 = arith.andi %ne3A_376, %ne3A_379 : i1
      %sub3A_381 = arith.constant 1 : i32
      %sub3A_382 = arith.subi %div3A_361, %sub3A_381 : i32
      %select_n3A_383 = arith.select %and3A_380, %sub3A_382, %div3A_361 : i32
      %jit3A_384 = arith.constant 2 : i32
      %eq3A_385 = arith.constant 0 : i32
      %eq3A_386 = arith.cmpi eq, %jit3A_384, %eq3A_385 : i32
      %jit3A_387 = arith.constant 1 : i32
      %select_n3A_388 = arith.select %eq3A_386, %jit3A_387, %jit3A_384 : i32
      %rem3A_389 = arith.remsi %select_n3A_383, %select_n3A_388 : i32
      %ne3A_390 = arith.constant 0 : i32
      %ne3A_391 = arith.cmpi ne, %rem3A_389, %ne3A_390 : i32
      %lt3A_392 = arith.constant 0 : i32
      %lt3A_393 = arith.cmpi slt, %rem3A_389, %lt3A_392 : i32
      %lt3A_394 = arith.constant 0 : i32
      %lt3A_395 = arith.cmpi slt, %select_n3A_388, %lt3A_394 : i32
      %ne3A_396 = arith.xori %lt3A_393, %lt3A_395 : i1
      %and3A_397 = arith.andi %ne3A_396, %ne3A_391 : i1
      %add3A_398 = arith.addi %rem3A_389, %select_n3A_388 : i32
      %select_n3A_399 = arith.select %and3A_397, %add3A_398, %rem3A_389 : i32
      %jit3A_400 = arith.constant 10 : i32
      %eq3A_401 = arith.constant 0 : i32
      %eq3A_402 = arith.cmpi eq, %jit3A_400, %eq3A_401 : i32
      %jit3A_403 = arith.constant 1 : i32
      %select_n3A_404 = arith.select %eq3A_402, %jit3A_403, %jit3A_400 : i32
      %rem3A_405 = arith.remsi %add3A_277, %select_n3A_404 : i32
      %ne3A_406 = arith.constant 0 : i32
      %ne3A_407 = arith.cmpi ne, %rem3A_405, %ne3A_406 : i32
      %lt3A_408 = arith.constant 0 : i32
      %lt3A_409 = arith.cmpi slt, %rem3A_405, %lt3A_408 : i32
      %lt3A_410 = arith.constant 0 : i32
      %lt3A_411 = arith.cmpi slt, %select_n3A_404, %lt3A_410 : i32
      %ne3A_412 = arith.xori %lt3A_409, %lt3A_411 : i1
      %and3A_413 = arith.andi %ne3A_412, %ne3A_407 : i1
      %add3A_414 = arith.addi %rem3A_405, %select_n3A_404 : i32
      %select_n3A_415 = arith.select %and3A_413, %add3A_414, %rem3A_405 : i32
      %add3A_416 = arith.constant 10 : i32
      %add3A_417 = arith.addi %add3A_416, %select_n3A_415 : i32
      %dma_start3A_418 = arith.constant 0 : i32
      %dma_start3A_419 = tpu.memref_slice %arg6[%select_n3A_399, %add3A_417, %dma_start3A_418] : memref<2x20x40xi32, #tpu.memory_space<vmem>> -> memref<1x1x40xi32, #tpu.memory_space<vmem>>
      %dma_start3A_420 = tpu.memref_squeeze %dma_start3A_419 : memref<1x1x40xi32, #tpu.memory_space<vmem>> -> memref<40xi32, #tpu.memory_space<vmem>>
      %dma_start3A_421 = arith.constant 0 : i32
      %dma_start3A_422 = arith.constant 0 : i32
      %dma_start3A_423 = tpu.memref_slice %arg13[%dma_start3A_421, %dma_start3A_422] : memref<10000x128xf32, #tpu.memory_space<vmem_shared>> -> memref<10000x128xf32, #tpu.memory_space<vmem_shared>>
      tpu.enqueue_indirect_dma source(%arg12 : memref<40x128xf32, #tpu.memory_space<vmem>>) target(%dma_start3A_423 : memref<10000x128xf32, #tpu.memory_space<vmem_shared>>) offsets(%dma_start3A_420 : memref<40xi32, #tpu.memory_space<vmem>>) semaphore(%arg20 : memref<!tpu.dma_semaphore, #tpu.memory_space<semaphore_mem>>) {add = true}
      %lt3A_424 = arith.constant 124 : i32
      %lt3A_425 = arith.cmpi slt, %scan3A_84, %lt3A_424 : i32
      %convert_element_type3A_426 = arith.extui %lt3A_425 : i1 to i32
      %cond3A_427 = arith.constant 0 : i32
      %cond3A_428 = arith.cmpi ne, %convert_element_type3A_426, %cond3A_427 : i32
      scf.if %cond3A_428 {
        %add3A_429 = arith.constant 2 : i32
        %add3A_430 = arith.addi %add3A_277, %add3A_429 : i32
        %jit3A_431 = arith.constant 10 : i32
        %div3A_432 = arith.divsi %add3A_430, %jit3A_431 : i32
        %sign3A_433 = arith.constant 0 : i32
        %sign3A_434 = arith.cmpi sgt, %add3A_430, %sign3A_433 : i32
        %sign3A_435 = arith.extui %sign3A_434 : i1 to i32
        %sign3A_436 = arith.constant 0 : i32
        %sign3A_437 = arith.cmpi slt, %add3A_430, %sign3A_436 : i32
        %sign3A_438 = arith.extui %sign3A_437 : i1 to i32
        %sign3A_439 = arith.subi %sign3A_435, %sign3A_438 : i32
        %sign3A_440 = arith.constant 0 : i32
        %sign3A_441 = arith.cmpi sgt, %jit3A_431, %sign3A_440 : i32
        %sign3A_442 = arith.extui %sign3A_441 : i1 to i32
        %sign3A_443 = arith.constant 0 : i32
        %sign3A_444 = arith.cmpi slt, %jit3A_431, %sign3A_443 : i32
        %sign3A_445 = arith.extui %sign3A_444 : i1 to i32
        %sign3A_446 = arith.subi %sign3A_442, %sign3A_445 : i32
        %ne3A_447 = arith.cmpi ne, %sign3A_439, %sign3A_446 : i32
        %rem3A_448 = arith.remsi %add3A_430, %jit3A_431 : i32
        %ne3A_449 = arith.constant 0 : i32
        %ne3A_450 = arith.cmpi ne, %rem3A_448, %ne3A_449 : i32
        %and3A_451 = arith.andi %ne3A_447, %ne3A_450 : i1
        %sub3A_452 = arith.constant 1 : i32
        %sub3A_453 = arith.subi %div3A_432, %sub3A_452 : i32
        %select_n3A_454 = arith.select %and3A_451, %sub3A_453, %div3A_432 : i32
        %jit3A_455 = arith.constant 2 : i32
        %eq3A_456 = arith.constant 0 : i32
        %eq3A_457 = arith.cmpi eq, %jit3A_455, %eq3A_456 : i32
        %jit3A_458 = arith.constant 1 : i32
        %select_n3A_459 = arith.select %eq3A_457, %jit3A_458, %jit3A_455 : i32
        %rem3A_460 = arith.remsi %select_n3A_454, %select_n3A_459 : i32
        %ne3A_461 = arith.constant 0 : i32
        %ne3A_462 = arith.cmpi ne, %rem3A_460, %ne3A_461 : i32
        %lt3A_463 = arith.constant 0 : i32
        %lt3A_464 = arith.cmpi slt, %rem3A_460, %lt3A_463 : i32
        %lt3A_465 = arith.constant 0 : i32
        %lt3A_466 = arith.cmpi slt, %select_n3A_459, %lt3A_465 : i32
        %ne3A_467 = arith.xori %lt3A_464, %lt3A_466 : i1
        %and3A_468 = arith.andi %ne3A_467, %ne3A_462 : i1
        %add3A_469 = arith.addi %rem3A_460, %select_n3A_459 : i32
        %select_n3A_470 = arith.select %and3A_468, %add3A_469, %rem3A_460 : i32
        %jit3A_471 = arith.constant 10 : i32
        %eq3A_472 = arith.constant 0 : i32
        %eq3A_473 = arith.cmpi eq, %jit3A_471, %eq3A_472 : i32
        %jit3A_474 = arith.constant 1 : i32
        %select_n3A_475 = arith.select %eq3A_473, %jit3A_474, %jit3A_471 : i32
        %rem3A_476 = arith.remsi %add3A_430, %select_n3A_475 : i32
        %ne3A_477 = arith.constant 0 : i32
        %ne3A_478 = arith.cmpi ne, %rem3A_476, %ne3A_477 : i32
        %lt3A_479 = arith.constant 0 : i32
        %lt3A_480 = arith.cmpi slt, %rem3A_476, %lt3A_479 : i32
        %lt3A_481 = arith.constant 0 : i32
        %lt3A_482 = arith.cmpi slt, %select_n3A_475, %lt3A_481 : i32
        %ne3A_483 = arith.xori %lt3A_480, %lt3A_482 : i1
        %and3A_484 = arith.andi %ne3A_483, %ne3A_478 : i1
        %add3A_485 = arith.addi %rem3A_476, %select_n3A_475 : i32
        %select_n3A_486 = arith.select %and3A_484, %add3A_485, %rem3A_476 : i32
        %dma_start3A_487 = arith.constant 0 : i32
        %dma_start3A_488 = tpu.memref_slice %arg6[%select_n3A_470, %select_n3A_486, %dma_start3A_487] : memref<2x20x40xi32, #tpu.memory_space<vmem>> -> memref<1x1x40xi32, #tpu.memory_space<vmem>>
        %dma_start3A_489 = tpu.memref_squeeze %dma_start3A_488 : memref<1x1x40xi32, #tpu.memory_space<vmem>> -> memref<40xi32, #tpu.memory_space<vmem>>
        %dma_start3A_490 = arith.constant 0 : i32
        %dma_start3A_491 = arith.constant 0 : i32
        %dma_start3A_492 = tpu.memref_slice %arg2[%dma_start3A_490, %dma_start3A_491] : memref<10000x128xf32, #tpu.memory_space<hbm>> -> memref<10000x128xf32, #tpu.memory_space<hbm>>
        tpu.enqueue_indirect_dma source(%dma_start3A_492 : memref<10000x128xf32, #tpu.memory_space<hbm>>) target(%arg10 : memref<40x128xf32, #tpu.memory_space<vmem>>) offsets(%dma_start3A_489 : memref<40xi32, #tpu.memory_space<vmem>>) semaphore(%arg16 : memref<!tpu.dma_semaphore, #tpu.memory_space<semaphore_mem>>)
        %mul3A_493 = arith.constant 250 : i32
        %mul3A_494 = arith.muli %add3A, %mul3A_493 : i32
        %add3A_495 = arith.addi %mul3A_494, %add3A_430 : i32
        %mul3A_496 = arith.constant 40 : i32
        %mul3A_497 = arith.muli %add3A_495, %mul3A_496 : i32
        %dma_start3A_498 = arith.constant 0 : i32
        %dma_start3A_499 = tpu.memref_slice %arg4[%mul3A_497, %dma_start3A_498] : memref<320000x128xf32, #tpu.memory_space<hbm>> -> memref<40x128xf32, #tpu.memory_space<hbm>>
        %dma_start3A_500 = arith.constant 0 : i32
        %dma_start3A_501 = tpu.memref_slice %arg4[%mul3A_497, %dma_start3A_500] : memref<320000x128xf32, #tpu.memory_space<hbm>> -> memref<40x128xf32, #tpu.memory_space<hbm>>
        tpu.enqueue_dma source(%dma_start3A_501 : memref<40x128xf32, #tpu.memory_space<hbm>>) target(%arg8 : memref<40x128xf32, #tpu.memory_space<vmem>>) target_semaphore(%arg18 : memref<!tpu.dma_semaphore, #tpu.memory_space<semaphore_mem>>)
      } else {
      }
    }
    %scan3A_61 = arith.constant 125 : i32
    %dma_wait3A = arith.constant 0 : i32
    %dma_wait3A_62 = arith.constant 18 : i32
    %dma_wait3A_63 = arith.constant 0 : i32
    %dma_wait3A_64 = tpu.memref_slice %arg6[%dma_wait3A, %dma_wait3A_62, %dma_wait3A_63] : memref<2x20x40xi32, #tpu.memory_space<vmem>> -> memref<1x1x40xi32, #tpu.memory_space<vmem>>
    %dma_wait3A_65 = tpu.memref_squeeze %dma_wait3A_64 : memref<1x1x40xi32, #tpu.memory_space<vmem>> -> memref<40xi32, #tpu.memory_space<vmem>>
    %dma_wait3A_66 = arith.constant 0 : i32
    %dma_wait3A_67 = arith.constant 0 : i32
    %dma_wait3A_68 = tpu.memref_slice %arg13[%dma_wait3A_66, %dma_wait3A_67] : memref<10000x128xf32, #tpu.memory_space<vmem_shared>> -> memref<10000x128xf32, #tpu.memory_space<vmem_shared>>
    tpu.wait_indirect_dma semaphore(%arg19 : memref<!tpu.dma_semaphore, #tpu.memory_space<semaphore_mem>>) src(%arg11 : memref<40x128xf32, #tpu.memory_space<vmem>>) dst(%dma_wait3A_68 : memref<10000x128xf32, #tpu.memory_space<vmem_shared>>)
    %dma_wait3A_69 = arith.constant 0 : i32
    %dma_wait3A_70 = arith.constant 19 : i32
    %dma_wait3A_71 = arith.constant 0 : i32
    %dma_wait3A_72 = tpu.memref_slice %arg6[%dma_wait3A_69, %dma_wait3A_70, %dma_wait3A_71] : memref<2x20x40xi32, #tpu.memory_space<vmem>> -> memref<1x1x40xi32, #tpu.memory_space<vmem>>
    %dma_wait3A_73 = tpu.memref_squeeze %dma_wait3A_72 : memref<1x1x40xi32, #tpu.memory_space<vmem>> -> memref<40xi32, #tpu.memory_space<vmem>>
    %dma_wait3A_74 = arith.constant 0 : i32
    %dma_wait3A_75 = arith.constant 0 : i32
    %dma_wait3A_76 = tpu.memref_slice %arg13[%dma_wait3A_74, %dma_wait3A_75] : memref<10000x128xf32, #tpu.memory_space<vmem_shared>> -> memref<10000x128xf32, #tpu.memory_space<vmem_shared>>
    tpu.wait_indirect_dma semaphore(%arg20 : memref<!tpu.dma_semaphore, #tpu.memory_space<semaphore_mem>>) src(%arg12 : memref<40x128xf32, #tpu.memory_space<vmem>>) dst(%dma_wait3A_76 : memref<10000x128xf32, #tpu.memory_space<vmem_shared>>)
    %barrier3A_77 = arith.constant 0 : index
    tpu.barrier barrier_id(%barrier3A_77)
    %mul3A_78 = arith.constant 624 : i32
    %mul3A_79 = arith.muli %arg1, %mul3A_78 : i32
    %mul3A_80 = arith.constant 624 : i32
    %mul3A_81 = arith.muli %arg1, %mul3A_80 : i32
    "tpu.region"() ({
      %run_scoped3A_84 = tpu.sem_alloc : memref<!tpu.dma_semaphore, #tpu.memory_space<semaphore_mem>>
      %dma_start3A_85 = arith.constant 0 : i32
      %dma_start3A_86 = tpu.memref_slice %arg5[%arg0, %mul3A_81, %dma_start3A_85] : memref<2x10000x128xf32, #tpu.memory_space<hbm>> -> memref<1x624x128xf32, #tpu.memory_space<hbm>>
      %dma_start3A_87 = tpu.memref_squeeze %dma_start3A_86 : memref<1x624x128xf32, #tpu.memory_space<hbm>> -> memref<624x128xf32, #tpu.memory_space<hbm>>
      %dma_start3A_88 = arith.constant 0 : i32
      %dma_start3A_89 = tpu.memref_slice %arg13[%mul3A_79, %dma_start3A_88] : memref<10000x128xf32, #tpu.memory_space<vmem_shared>> -> memref<624x128xf32, #tpu.memory_space<vmem_shared>>
      tpu.enqueue_dma source(%dma_start3A_89 : memref<624x128xf32, #tpu.memory_space<vmem_shared>>) target(%dma_start3A_87 : memref<624x128xf32, #tpu.memory_space<hbm>>) target_semaphore(%run_scoped3A_84 : memref<!tpu.dma_semaphore, #tpu.memory_space<semaphore_mem>>)
      %dma_wait3A_90 = arith.constant 0 : i32
      %dma_wait3A_91 = tpu.memref_slice %arg5[%arg0, %mul3A_81, %dma_wait3A_90] : memref<2x10000x128xf32, #tpu.memory_space<hbm>> -> memref<1x624x128xf32, #tpu.memory_space<hbm>>
      %dma_wait3A_92 = tpu.memref_squeeze %dma_wait3A_91 : memref<1x624x128xf32, #tpu.memory_space<hbm>> -> memref<624x128xf32, #tpu.memory_space<hbm>>
      %dma_wait3A_93 = arith.constant 0 : i32
      %dma_wait3A_94 = tpu.memref_slice %arg13[%mul3A_79, %dma_wait3A_93] : memref<10000x128xf32, #tpu.memory_space<vmem_shared>> -> memref<624x128xf32, #tpu.memory_space<vmem_shared>>
      tpu.wait_dma2 semaphore(%run_scoped3A_84 : memref<!tpu.dma_semaphore, #tpu.memory_space<semaphore_mem>>) src(%dma_wait3A_94 : memref<624x128xf32, #tpu.memory_space<vmem_shared>>) dst(%dma_wait3A_92 : memref<624x128xf32, #tpu.memory_space<hbm>>)
      tpu.yield
    }) : () -> ()
    %eq3A = arith.constant 0 : i32
    %eq3A_82 = arith.cmpi eq, %arg1, %eq3A : i32
    %convert_element_type3A = arith.extui %eq3A_82 : i1 to i32
    %cond3A = arith.constant 0 : i32
    %cond3A_83 = arith.cmpi ne, %convert_element_type3A, %cond3A : i32
    scf.if %cond3A_83 {
      "tpu.region"() ({
        %run_scoped3A_84 = tpu.sem_alloc : memref<!tpu.dma_semaphore, #tpu.memory_space<semaphore_mem>>
        %dma_start3A_85 = arith.constant 9984 : i32
        %dma_start3A_86 = arith.constant 0 : i32
        %dma_start3A_87 = tpu.memref_slice %arg5[%arg0, %dma_start3A_85, %dma_start3A_86] : memref<2x10000x128xf32, #tpu.memory_space<hbm>> -> memref<1x16x128xf32, #tpu.memory_space<hbm>>
        %dma_start3A_88 = tpu.memref_squeeze %dma_start3A_87 : memref<1x16x128xf32, #tpu.memory_space<hbm>> -> memref<16x128xf32, #tpu.memory_space<hbm>>
        %dma_start3A_89 = arith.constant 9984 : i32
        %dma_start3A_90 = arith.constant 0 : i32
        %dma_start3A_91 = tpu.memref_slice %arg13[%dma_start3A_89, %dma_start3A_90] : memref<10000x128xf32, #tpu.memory_space<vmem_shared>> -> memref<16x128xf32, #tpu.memory_space<vmem_shared>>
        tpu.enqueue_dma source(%dma_start3A_91 : memref<16x128xf32, #tpu.memory_space<vmem_shared>>) target(%dma_start3A_88 : memref<16x128xf32, #tpu.memory_space<hbm>>) target_semaphore(%run_scoped3A_84 : memref<!tpu.dma_semaphore, #tpu.memory_space<semaphore_mem>>)
        %dma_wait3A_92 = arith.constant 9984 : i32
        %dma_wait3A_93 = arith.constant 0 : i32
        %dma_wait3A_94 = tpu.memref_slice %arg5[%arg0, %dma_wait3A_92, %dma_wait3A_93] : memref<2x10000x128xf32, #tpu.memory_space<hbm>> -> memref<1x16x128xf32, #tpu.memory_space<hbm>>
        %dma_wait3A_95 = tpu.memref_squeeze %dma_wait3A_94 : memref<1x16x128xf32, #tpu.memory_space<hbm>> -> memref<16x128xf32, #tpu.memory_space<hbm>>
        %dma_wait3A_96 = arith.constant 9984 : i32
        %dma_wait3A_97 = arith.constant 0 : i32
        %dma_wait3A_98 = tpu.memref_slice %arg13[%dma_wait3A_96, %dma_wait3A_97] : memref<10000x128xf32, #tpu.memory_space<vmem_shared>> -> memref<16x128xf32, #tpu.memory_space<vmem_shared>>
        tpu.wait_dma2 semaphore(%run_scoped3A_84 : memref<!tpu.dma_semaphore, #tpu.memory_space<semaphore_mem>>) src(%dma_wait3A_98 : memref<16x128xf32, #tpu.memory_space<vmem_shared>>) dst(%dma_wait3A_95 : memref<16x128xf32, #tpu.memory_space<hbm>>)
        tpu.yield
      }) : () -> ()
    } else {
    }
    return
  }
}

module attributes {stable_mosaic.version = 14 : i64} {
  func.func @body(%arg0: memref<10000x128xf32, #tpu.memory_space<vmem>>, %arg1: memref<2x10000x128xf32, #tpu.memory_space<vmem>>, %arg2: memref<128x128xf32, #tpu.memory_space<vmem>>, %arg3: memref<1x128xf32, #tpu.memory_space<vmem>>, %arg4: memref<1x128xf32, #tpu.memory_space<vmem>>, %arg5: memref<1x128xf32, #tpu.memory_space<vmem>>, %arg6: memref<128x128xf32, #tpu.memory_space<vmem>>, %arg7: memref<1x128xf32, #tpu.memory_space<vmem>>, %arg8: memref<10000x128xf32, #tpu.memory_space<vmem>>) attributes {dimension_semantics = [], scalar_prefetch = 0 : i64, scratch_operands = 0 : i64, tpu.core_type = #tpu.core_type<tc>} {
    %get3A = arith.constant 0 : index
    %get3A_0 = arith.constant 0 : index
    %get3A_1 = vector.load %arg0[%get3A, %get3A_0] : memref<10000x128xf32, #tpu.memory_space<vmem>>, vector<10000x128xf32>
    %get3A_2 = arith.constant 0 : index
    %get3A_3 = arith.constant 0 : index
    %get3A_4 = arith.constant 0 : index
    %get3A_5 = vector.load %arg1[%get3A_2, %get3A_3, %get3A_4] : memref<2x10000x128xf32, #tpu.memory_space<vmem>>, vector<1x10000x128xf32>
    %get3A_6 = vector.shape_cast %get3A_5 : vector<1x10000x128xf32> to vector<10000x128xf32>
    %add3A = arith.addf %get3A_1, %get3A_6 : vector<10000x128xf32>
    %get3A_7 = arith.constant 1 : index
    %get3A_8 = arith.constant 0 : index
    %get3A_9 = arith.constant 0 : index
    %get3A_10 = vector.load %arg1[%get3A_7, %get3A_8, %get3A_9] : memref<2x10000x128xf32, #tpu.memory_space<vmem>>, vector<1x10000x128xf32>
    %get3A_11 = vector.shape_cast %get3A_10 : vector<1x10000x128xf32> to vector<10000x128xf32>
    %add3A_12 = arith.addf %add3A, %get3A_11 : vector<10000x128xf32>
    %get3A_13 = arith.constant 0 : index
    %get3A_14 = arith.constant 0 : index
    %get3A_15 = vector.load %arg2[%get3A_13, %get3A_14] : memref<128x128xf32, #tpu.memory_space<vmem>>, vector<128x128xf32>
    %dot_general3A = arith.constant dense<0.000000e+00> : vector<10000x128xf32>
    %dot_general3A_16 = tpu.matmul %add3A_12, %get3A_15, %dot_general3A {dimension_numbers = #tpu.dot_dimension_numbers<[1], [1], [0], [0], [0, 0, 1, 0], [], []>, transpose_lhs_hint = false} : vector<10000x128xf32>, vector<128x128xf32>, vector<10000x128xf32> -> vector<10000x128xf32>
    %get3A_17 = arith.constant 0 : index
    %get3A_18 = arith.constant 0 : index
    %get3A_19 = vector.load %arg3[%get3A_17, %get3A_18] : memref<1x128xf32, #tpu.memory_space<vmem>>, vector<1x128xf32>
    %add3A_20 = vector.broadcast %get3A_19 : vector<1x128xf32> to vector<10000x128xf32>
    %add3A_21 = arith.addf %dot_general3A_16, %add3A_20 : vector<10000x128xf32>
    %reduce_sum3A = arith.constant dense<0.000000e+00> : vector<128xf32>
    %reduce_sum3A_22 = vector.multi_reduction <add>, %add3A_21, %reduce_sum3A [0] : vector<10000x128xf32> to vector<128xf32>
    %broadcast_in_dim3A = vector.shape_cast %reduce_sum3A_22 : vector<128xf32> to vector<1x128xf32>
    %div3A = arith.constant 1.000000e+04 : f32
    %div3A_23 = vector.broadcast %div3A : f32 to vector<1x128xf32>
    %div3A_24 = arith.divf %broadcast_in_dim3A, %div3A_23 : vector<1x128xf32>
    %sub3A = vector.broadcast %div3A_24 : vector<1x128xf32> to vector<10000x128xf32>
    %sub3A_25 = arith.subf %add3A_21, %sub3A : vector<10000x128xf32>
    %mul3A = arith.mulf %sub3A_25, %sub3A_25 : vector<10000x128xf32>
    %reduce_sum3A_26 = arith.constant dense<0.000000e+00> : vector<128xf32>
    %reduce_sum3A_27 = vector.multi_reduction <add>, %mul3A, %reduce_sum3A_26 [0] : vector<10000x128xf32> to vector<128xf32>
    %broadcast_in_dim3A_28 = vector.shape_cast %reduce_sum3A_27 : vector<128xf32> to vector<1x128xf32>
    %div3A_29 = arith.constant 1.000000e+04 : f32
    %div3A_30 = vector.broadcast %div3A_29 : f32 to vector<1x128xf32>
    %div3A_31 = arith.divf %broadcast_in_dim3A_28, %div3A_30 : vector<1x128xf32>
    %add3A_32 = arith.constant 9.99999974E-6 : f32
    %add3A_33 = vector.broadcast %add3A_32 : f32 to vector<1x128xf32>
    %add3A_34 = arith.addf %div3A_31, %add3A_33 : vector<1x128xf32>
    %rsqrt3A = math.rsqrt %add3A_34 : vector<1x128xf32>
    %mul3A_35 = vector.broadcast %rsqrt3A : vector<1x128xf32> to vector<10000x128xf32>
    %mul3A_36 = arith.mulf %sub3A_25, %mul3A_35 : vector<10000x128xf32>
    %get3A_37 = arith.constant 0 : index
    %get3A_38 = arith.constant 0 : index
    %get3A_39 = vector.load %arg4[%get3A_37, %get3A_38] : memref<1x128xf32, #tpu.memory_space<vmem>>, vector<1x128xf32>
    %mul3A_40 = vector.broadcast %get3A_39 : vector<1x128xf32> to vector<10000x128xf32>
    %mul3A_41 = arith.mulf %mul3A_36, %mul3A_40 : vector<10000x128xf32>
    %get3A_42 = arith.constant 0 : index
    %get3A_43 = arith.constant 0 : index
    %get3A_44 = vector.load %arg5[%get3A_42, %get3A_43] : memref<1x128xf32, #tpu.memory_space<vmem>>, vector<1x128xf32>
    %add3A_45 = vector.broadcast %get3A_44 : vector<1x128xf32> to vector<10000x128xf32>
    %add3A_46 = arith.addf %mul3A_41, %add3A_45 : vector<10000x128xf32>
    %max3A = arith.constant 0.000000e+00 : f32
    %max3A_47 = vector.broadcast %max3A : f32 to vector<10000x128xf32>
    %max3A_48 = arith.maximumf %add3A_46, %max3A_47 : vector<10000x128xf32>
    %get3A_49 = arith.constant 0 : index
    %get3A_50 = arith.constant 0 : index
    %get3A_51 = vector.load %arg6[%get3A_49, %get3A_50] : memref<128x128xf32, #tpu.memory_space<vmem>>, vector<128x128xf32>
    %dot_general3A_52 = arith.constant dense<0.000000e+00> : vector<10000x128xf32>
    %dot_general3A_53 = tpu.matmul %max3A_48, %get3A_51, %dot_general3A_52 {dimension_numbers = #tpu.dot_dimension_numbers<[1], [1], [0], [0], [0, 0, 1, 0], [], []>, transpose_lhs_hint = false} : vector<10000x128xf32>, vector<128x128xf32>, vector<10000x128xf32> -> vector<10000x128xf32>
    %get3A_54 = arith.constant 0 : index
    %get3A_55 = arith.constant 0 : index
    %get3A_56 = vector.load %arg7[%get3A_54, %get3A_55] : memref<1x128xf32, #tpu.memory_space<vmem>>, vector<1x128xf32>
    %add3A_57 = vector.broadcast %get3A_56 : vector<1x128xf32> to vector<10000x128xf32>
    %add3A_58 = arith.addf %dot_general3A_53, %add3A_57 : vector<10000x128xf32>
    %max3A_59 = arith.constant 0.000000e+00 : f32
    %max3A_60 = vector.broadcast %max3A_59 : f32 to vector<10000x128xf32>
    %max3A_61 = arith.maximumf %add3A_58, %max3A_60 : vector<10000x128xf32>
    %add3A_62 = arith.addf %get3A_1, %max3A_61 : vector<10000x128xf32>
    %swap3A = arith.constant 0 : index
    %swap3A_63 = arith.constant 0 : index
    %swap3A_64 = vector.load %arg8[%swap3A, %swap3A_63] : memref<10000x128xf32, #tpu.memory_space<vmem>>, vector<10000x128xf32>
    tpu.vector_store %arg8[%swap3A, %swap3A_63], %add3A_62 {strides = array<i32>} : memref<10000x128xf32, #tpu.memory_space<vmem>>, vector<10000x128xf32>,
    return
  }
}

</mosaic_0001>

<sc_bundles>
// kernel: kernel.4.cloned.1.call-start
scs
__scs_entry_jumppad:
0x0: {  	(pc) =	sbr.rel $0x88, $3  }
0x1: {  	(tag) =	ssettag $0x0;
	lr =	simm.s32 $0x1  }
0x2: {  	[smem:$0x3F98] =	sst lr;
	_ =	strace $0xD0000000  }
0x3: {  	_ = 	snop  }
0x4: {  	_ = 	snop  }
0x5: {  	_ = 	snop  }
0x6: {  	_ = 	snop  }
0x7: {  	_ = 	snop  }
__scs_overlays_trampoline_lowered:
0x8: {  	[smem:$0x3FA7] =	sst s0  }
0x9: {  	[smem:$0x3FA8] =	sst s1  }
0xa: {  	[smem:$0x3FA9] =	sst s2  }
0xb: {  	[smem:$0x3FAA] =	sst s3  }
0xc: {  	[smem:$0x3FAB] =	sst s4  }
0xd: {  	[smem:$0x3FAC] =	sst s5  }
0xe: {  	[smem:$0x3FAD] =	sst s6  }
0xf: {  	[smem:$0x3FAE] =	sst s7  }
0x10: {  	[smem:$0x3FAF] =	sst s8  }
0x11: {  	[smem:$0x3FB0] =	sst s9;
	s0 =	simm.s32 @!p0 $0x0  }
0x12: {  	s1 =	sld [smem:$0x3F96];
	s0 =	simm.s32 @p0 $0x1  }
0x13: {  	[smem:$0x3FB1] =	sst s0;
	s0 =	simm.s32 @!p1 $0x0  }
0x14: {  	s2 =	sld [smem:$0x3F95];
	s0 =	simm.s32 @p1 $0x1  }
0x15: {  	[smem:$0x3FB2] =	sst s0;
	s0 =	simm.s32 @!p2 $0x0  }
0x16: {  	s3 =	sld [smem:$0x3FDB];
	s0 =	simm.s32 @p2 $0x1  }
0x17: {  	s4 =	simm.s32 $0x1BF5;
	[smem:$0x3FB4] =	sst s0  }
0x18: {  	s0 =	sld [smem:$0x3F97];
	_ =	swait.ge [sflag:s4], $0x0  }
0x19: {  	s7 =	sld [smem:$0x3F98]  }
0x1a: {  	s8 =	sadd.s32 $0xFFFFE003, lr  }
0x1b: {  	s9 =	sadd.s32 $0xFFFFFEF7, lr;
	s5 =	simm.s32 $0xFFFFFFFF;
	p2 =	slt.u32 s8, $0xFFFFF086  }
0x1c: {  	p1 =	slt.u32 s9, $0xF7A;
	s5 =	simm.s32 @!p2 $0x0  }
0x1d: {  	s5 =	simm.s32 @p1 $0x1;
	p0 =	seq.s32 s7, s2  }
0x1e: {  	s7 =	smul.u32 @!p0 $0xF7A, s2;
	p2 =	seq.s32 @!p0 s5, $0x0  }
0x1f: {  	s9 =	smul.u32 $0xF7A, s1;
	s8 =	simm.s32 @!p0 $0x1BF5;
	p2 =	por !p2, p0  }
0x20: {  	[sflag:s8] =	ssyncset.s32 @!p0 $0xFFFFF086;
	s6 =	sadd.s32 @!p0 s3, s7;
	s7 =	simm.s32 @!p0 $0x108  }
0x21: {  	s3 =	sadd.s32 s3, s9;
	s6 =	sadd.s32 @!p0 $0x88, s6;
	s7 =	simm.s32 @p2 $0x1082  }
0x22: {  	[simem:s7], [sflag:s8] =	dma.local @!p0 [hbm:s6], $0xF7A  }
0x23: {  	s9 =	sor.u32 $0xD0000000, s2;
	s6 =	simm.s32 $0x108;
	_ =	swait.ge @!p0 [sflag:s8], $0x0  }
0x24: {  	s3 =	sadd.s32 $0x88, s3;
	s6 =	simm.s32 @!p1 $0x1082;
	[sflag:s4] =	ssyncset.s32 $0xFFFFF086  }
0x25: {  	[simem:s6], [sflag:s4] =	dma.local [hbm:s3], $0xF7A  }
0x26: {  	[smem:$0x3F98] =	sst s1;
	(tag) =	ssettag s2;
	_ =	strace s9  }
0x27: {  	s1 =	sld [smem:$0x3FA8]  }
0x28: {  	s2 =	sld [smem:$0x3FA9]  }
0x29: {  	s4 =	sld [smem:$0x3FAB]  }
0x2a: {  	p0 =	seq.s32 s5, $0x0;
	s5 =	sld [smem:$0x3FAC]  }
0x2b: {  	s6 =	sld [smem:$0x3FAD]  }
0x2c: {  	s7 =	sld [smem:$0x3FAE]  }
0x2d: {  	s3 =	simm.s32 $0x108;
	s8 =	sld [smem:$0x3FAF]  }
0x2e: {  	s3 =	simm.s32 @!p0 $0x1082;
	s9 =	sld [smem:$0x3FB0]  }
0x2f: {  	lr =	sadd.s32 s0, s3;
	s0 =	sld [smem:$0x3FA7]  }
0x30: {  	s3 =	sld [smem:$0x3FAA]  }
0x31: {  	[smem:$0x3FB3] =	sst s10  }
0x32: {  	s10 =	sld [smem:$0x3FB1];
	_ =	sdelay $0x3  }
0x33: {  	p0 =	seq.s32 s10, $0x1;
	s10 =	sld [smem:$0x3FB3];
	_ =	sdelay $0x3  }
0x34: {  	[smem:$0x3FB3] =	sst s10  }
0x35: {  	s10 =	sld [smem:$0x3FB2];
	_ =	sdelay $0x3  }
0x36: {  	p1 =	seq.s32 s10, $0x1;
	s10 =	sld [smem:$0x3FB3];
	_ =	sdelay $0x3  }
0x37: {  	[smem:$0x3FB3] =	sst s10  }
0x38: {  	s10 =	sld [smem:$0x3FB4]  }
0x39: {  	_ = 	snop;
	(pc) =	sbr.ind lr, $3  }
0x3a: {  	_ = 	snop  }
0x3b: {  	_ = 	snop  }
0x3c: {  	p2 =	seq.s32 s10, $0x1;
	s10 =	sld [smem:$0x3FB3]  }
0x3d: {  	_ =	shalt  }
0x3e: {  	_ =	shalt  }
0x3f: {  	_ =	shalt  }
0x40: {  	_ =	shalt  }
0x41: {  	_ =	shalt  }
0x42: {  	_ =	shalt  }
0x43: {  	_ =	shalt  }
0x44: {  	_ =	shalt  }
0x45: {  	_ =	shalt  }
0x46: {  	_ =	shalt  }
0x47: {  	_ =	shalt  }
0x48: {  	_ =	shalt  }
0x49: {  	_ =	shalt  }
0x4a: {  	_ =	shalt  }
0x4b: {  	_ =	shalt  }
0x4c: {  	_ =	shalt  }
0x4d: {  	_ =	shalt  }
0x4e: {  	_ =	shalt  }
0x4f: {  	_ =	shalt  }
0x50: {  	_ =	shalt  }
0x51: {  	_ =	shalt  }
0x52: {  	_ =	shalt  }
0x53: {  	_ =	shalt  }
0x54: {  	_ =	shalt  }
0x55: {  	_ =	shalt  }
0x56: {  	_ =	shalt  }
0x57: {  	_ =	shalt  }
0x58: {  	_ =	shalt  }
0x59: {  	_ =	shalt  }
0x5a: {  	_ =	shalt  }
0x5b: {  	_ =	shalt  }
0x5c: {  	_ =	shalt  }
0x5d: {  	_ =	shalt  }
0x5e: {  	_ =	shalt  }
0x5f: {  	_ =	shalt  }
0x60: {  	_ =	shalt  }
0x61: {  	_ =	shalt  }
0x62: {  	_ =	shalt  }
0x63: {  	_ =	shalt  }
0x64: {  	_ =	shalt  }
0x65: {  	_ =	shalt  }
0x66: {  	_ =	shalt  }
0x67: {  	_ =	shalt  }
0x68: {  	_ =	shalt  }
0x69: {  	_ =	shalt  }
0x6a: {  	_ =	shalt  }
0x6b: {  	_ =	shalt  }
0x6c: {  	_ =	shalt  }
0x6d: {  	_ =	shalt  }
0x6e: {  	_ =	shalt  }
0x6f: {  	_ =	shalt  }
0x70: {  	_ =	shalt  }
0x71: {  	_ =	shalt  }
0x72: {  	_ =	shalt  }
0x73: {  	_ =	shalt  }
0x74: {  	_ =	shalt  }
0x75: {  	_ =	shalt  }
0x76: {  	_ =	shalt  }
0x77: {  	_ =	shalt  }
0x78: {  	_ =	shalt  }
0x79: {  	_ =	shalt  }
0x7a: {  	_ =	shalt  }
0x7b: {  	_ =	shalt  }
0x7c: {  	_ =	shalt  }
0x7d: {  	_ =	shalt  }
0x7e: {  	_ =	shalt  }
0x7f: {  	_ =	shalt  }
0x80: {  	_ =	shalt  }
0x81: {  	_ =	shalt  }
0x82: {  	_ =	shalt  }
0x83: {  	_ =	shalt  }
0x84: {  	_ =	shalt  }
0x85: {  	_ =	shalt  }
0x86: {  	_ =	shalt  }
0x87: {  	_ =	shalt  }
.Lfunc_end0:
.L_simem_size_0:
called_computation_lowered:
.L_overlay_start_0:
0x88: {  	s2 =	sld [smem:$0x3FD9]  }
0x89: {  	s3 =	sld [smem:$0x3FFE];
	_ =	sdelay $0x1  }
0x8a: {  	s1 =	srdreg.scid  }
0x8b: {  	s0 =	sand.u32 $0x1, s1  }
0x8c: {  	s17 =	sshll.u32 s0, $0xA;
	s2 =	sadd.s32 s3, s2  }
0x8d: {  	s2 =	sadd.s32 s2, s17  }
0x8e: {  	[smem:$0x3FBF] =	sst s2  }
0x8f: {  	_ = 	snop  }
0x90: {  	s2 =	sld [smem:$0x3FC9]  }
0x91: {  	s18 =	sld [smem:$0x3FC7];
	(tm) =	ssettm $0x1  }
0x92: {  	s4 =	sld [smem:$0x3FFB];
	_ =	sdelay $0x3  }
0x93: {  	_ =	strace s4  }
0x94: {  	s4 =	sld [smem:$0x3FFC];
	_ =	sdelay $0x3  }
0x95: {  	_ =	strace s4  }
0x96: {  	s4 =	sld [smem:$0x3FFD];
	_ =	sdelay $0x3  }
0x97: {  	_ =	strace s4  }
0x98: {  	_ =	strace $0x8FFFFFFF  }
0x99: {  	s19 =	sld [smem:$0x3FDB];
	_ =	sdelay $0x1  }
0x9a: {  	s5 =	simm.s32 $_scs_section_size  }
0x9b: {  	s6 =	simm.s32 $_size__tile_overlayer_lowered;
	s7 =	simm.s32 $_tile_overlayer_lowered  }
0x9c: {  	s22 =	simm.s32 $0x1BFF;
	s21 =	sshll.u32 s7, $0x1;
	s4 =	sadd.s32 s5, s19  }
0x9d: {  	s8 =	simm.s32 $0x0;
	s20 =	sshll.u32 s6, $0x1;
	s6 =	sadd.s32 s21, s4  }
0x9e: {  	[timem:s8], [sflag:s22] =	dma.local [hbm:s6], s20  }
0x9f: {  	_ =	swait.ge [sflag:s22], s20  }
0xa0: {  	s5 =	ssub.s32 $0x0, s20;
	[sflag:s22] =	ssyncset.done $0x0  }
0xa1: {  	[sflag:s22] =	ssyncadd.s32 s5;
	_ =	sdelay $0x1  }
0xa2: {  	s23 =	simm.s32 $0x1B8B  }
0xa3: {  	_ =	swait.ge [sflag:s23], $0x1  }
0xa4: {  	[sflag:s23] =	ssyncset.done $0x0  }
0xa5: {  	s25 =	simm.s32 $0x1B8E;
	s24 =	sld [smem:$0x3FFE];
	[sflag:s23] =	ssyncadd.s32 $0xFFFFFFFF  }
0xa6: {  	s26 =	simm.s32 $execute0_lowered;
	[smem:$0x3FD2] =	sst s25  }
0xa7: {  	s6 =	sshll.u32 s26, $0x1;
	_ =	strace $0x80000046;
	[dreg:$0x1] =	wrdreg $0xFFFFFFFF  }
0xa8: {  	s28 =	simm.s32 $_size_execute0_lowered;
	s4 =	sadd.s32 s4, s6;
	[dreg:$0x0] =	wrdreg $0x0  }
0xa9: {  	s6 =	sshll.u32 s28, $0x1;
	[dreg:$0x2] =	wrdreg s4  }
0xaa: {  	[dreg:$0x3] =	wrdreg s6  }
0xab: {  	[dreg:$0x4] =	wrdreg $0xC0  }
0xac: {  	_ =	task [dreg:s8], $0x5FFFF  }
0xad: {  	[dreg:$0x1] =	wrdreg $0xFFFFFFFF  }
0xae: {  	[dreg:$0x0] =	wrdreg $0x60  }
0xaf: {  	[dreg:$0x2] =	wrdreg s2  }
0xb0: {  	[dreg:$0x3] =	wrdreg s24  }
0xb1: {  	[dreg:$0x4] =	wrdreg s18  }
0xb2: {  	[dreg:$0x5] =	wrdreg $0x90000  }
0xb3: {  	[dreg:$0x6] =	wrdreg $0x9  }
0xb4: {  	_ =	task.clear_ibuf [dreg:s8], $0x7FFFF;
	_ =	strace $0x90000046  }
0xb5: {  	s29 =	simm.s32 $0x9;
	_ =	strace $0x80000048  }
0xb6: {  	_ =	swait.ge [sflag:s29], $0x1  }
0xb7: {  	[sflag:s29] =	ssyncadd.s32 $0xFFFFFFFF  }
0xb8: {  	_ =	strace $0x90000048  }
0xb9: {  	_ =	sfence  }
0xba: {  	s30 =	sld [smem:$0x0];
	_ =	sdelay $0x2  }
0xbb: {  	s31 =	sshll.u32 s1, $0xD;
	s1 =	sshrl.u32 s1, $0x2  }
0xbc: {  	s3 =	sand.u32 $0x4000, s31;
	s1 =	sadd.s32 s1, s30  }
0xbd: {  	s0 =	sor.u32 s3, s0;
	s1 =	sshll.u32 s1, $0x11  }
0xbe: {  	s0 =	sor.u32 s1, s0  }
0xbf: {  	s0 =	sadd.s32 $0x8F2B, s0  }
0xc0: {  	[sflag:s0] =	ssyncadd.remote.s32 $0x1  }
0xc1: {  	_ =	sfence.sel $0xFFFF  }
0xc2: {  	[dreg:$0x0] =	wrdreg $0xFFFFFFFF;
	(pc) =	sbr.abs _section_cstart, $3  }
0xc3: {  	[dreg:$0x1] =	wrdreg $0xFFFFFFFF  }
0xc4: {  	_ =	task.clear_ibuf [dreg:s8], $0x2FFFF;
	_ =	strace $0x9FFFFFFF  }
0xc5: {  	(tm) =	ssettm $0x7FFFFFFF  }
tec
execute0_lowered:
.L_overlay_start_1:
0x0: {  	(tag) =	ssettag $0x1  }
0x1: {  	s0 =	rddreg [dreg:$0x0];
	s1 =	srdreg.scid  }
0x2: {  	s14 =	stileid.u32;
	s2 =	rddreg [dreg:$0x1]  }
0x3: {  	s3 =	rddreg [dreg:$0x2];
	s6 =	simm.s32 $0x0;
	s29 =	smul.u32 $0x13800, s14  }
0x4: {  	s1 =	sand.u32 $0x1, s1;
	s4 =	sshll.u32 s14, $0x1;
	s30 =	smul.u32 $0x4E000, s14  }
0x5: {  	s9 =	sor.u32 s1, s4;
	s12 =	ssub.s32 $0x2, s1;
	s1 =	smul.u32 $0x138800, s1  }
0x6: {  	[smem:$0x7FF] =	sst s6;
	s5 =	smul.u32 $0x19, s9  }
0x7: {  	s8 =	sadd.s32 $0xC00, s2;
	s2 =	sadd.s32 $0x4BC00, s2;
	s10 =	smul.u32 $0x2580, s9  }
0x8: {  	p0 =	sne.s32 s14, $0x0;
	s4 =	rddreg [dreg:$0x3];
	s11 =	smul.u32 $0x27100, s9  }
0x9: {  	_ =	strace $0x80000047;
	s7 =	smul.u32 $0xFA, s9;
	s13 =	sshrl.u32 s12, $0x1  }
0xa: {  	s9 =	smul.u32 $0x138800, s9;
	s15 =	sshrl.u32 s30, $0x2;
	s12 =	ssub.s32 s12, s13  }
0xb: {  	s13 =	sadd.s32 s29, s1;
	s1 =	sshrl.u32 s1, $0x3;
	s10 =	sadd.s32 s8, s10  }
0xc: {  	s9 =	sshrl.u32 s9, $0x3;
	s11 =	sadd.s32 s3, s11;
	[dreg:$0x5] =	wrdreg s10  }
0xd: {  	s1 =	sadd.s32 s2, s1;
	s16 =	smax.u32 s12, $0x1;
	[dreg:$0x6] =	wrdreg s11  }
0xe: {  	s9 =	sadd.s32 s3, s9;
	s1 =	sadd.s32 $0x27000, s1;
	[dreg:$0xa] =	wrdreg s16  }
0xf: {  	s9 =	sadd.s32 $0x280, s9;
	[dreg:$0x9] =	wrdreg s1;
	s1 =	sadd.s32 $0x138000, s4  }
0x10: {  	[dreg:$0x7] =	wrdreg s9;
	s9 =	sshrl.u32 s13, $0x3;
	s1 =	sshrl.u32 @!p0 s1, $0x3  }
0x11: {  	s13 =	sadd.s32 s15, s4;
	s2 =	sadd.s32 s2, s9;
	[dreg:$0x14] =	wrdreg s1  }
0x12: {  	s17 =	sadd.s32 $0x1400, s13;
	[dreg:$0x8] =	wrdreg s2  }
0x13: {  	s18 =	sadd.s32 $0x2800, s13;
	[dreg:$0xb] =	wrdreg s17  }
0x14: {  	s19 =	sadd.s32 $0x3C00, s13;
	[dreg:$0xc] =	wrdreg s18  }
0x15: {  	s20 =	sadd.s32 $0x5000, s13;
	[dreg:$0xd] =	wrdreg s19  }
0x16: {  	s14 =	simm.s32 $0x1;
	s21 =	sadd.s32 $0x6400, s13;
	[dreg:$0xe] =	wrdreg s20  }
0x17: {  	s12 =	simm.s32 $0x6800;
	s22 =	sadd.s32 $0x7800, s13;
	[dreg:$0xf] =	wrdreg s21  }
0x18: {  	s10 =	simm.s32 $0x5400;
	s23 =	sadd.s32 $0x8C00, s13;
	[dreg:$0x10] =	wrdreg s22  }
0x19: {  	s11 =	simm.s32 $0x2C00;
	s24 =	sadd.s32 $0xA000, s13;
	[dreg:$0x11] =	wrdreg s23  }
0x1a: {  	s16 =	simm.s32 $0x4;
	s25 =	sadd.s32 $0xB400, s13;
	[dreg:$0x12] =	wrdreg s24  }
0x1b: {  	s15 =	simm.s32 $0x2;
	s26 =	sadd.s32 $0xC800, s13;
	[dreg:$0x13] =	wrdreg s25  }
0x1c: {  	s28 =	sadd.s32 $0xDC00, s13;
	s29 =	sadd.s32 $0xF000, s13;
	[dreg:$0x15] =	wrdreg s26  }
.Ltmp0:
0x1d: {  	s30 =	sadd.s32 $0x10400, s13;
	[dreg:$0x16] =	wrdreg s28;
	(pc) =	sbr.rel .LBB2_1-.Ltmp0, $4  }
0x1e: {  	s31 =	sadd.s32 $0x11800, s13;
	s1 =	simm.s32 $0x8;
	[dreg:$0x17] =	wrdreg s29  }
0x1f: {  	s9 =	simm.s32 $0x28;
	[dreg:$0x18] =	wrdreg s30;
	s2 =	sadd.s32 $0x12C00, s13  }
0x20: {  	s17 =	simm.s32 $0x3;
	s18 =	simm.s32 $0x5;
	s19 =	simm.s32 $0x7C00  }
0x21: {  	v0 =	vimm.f32 $0.0e+00;
	s20 =	simm.s32 $0x6;
	s21 =	simm.s32 $0x7;
	s22 =	simm.s32 $0x0  }
.LBB2_13:
0x22: {  	_ =	swait.ge [sflag:s20], $0x1400  }
0x23: {  	[sflag:s20] =	ssyncset.done $0x0  }
0x24: {  	[sflag:s20] =	ssyncadd.s32 $0xFFFFEC00  }
0x25: {  	_ =	swait.ge [sflag:s21], $0x1400  }
0x26: {  	[sflag:s21] =	ssyncset.done $0x0  }
0x27: {  	s23 =	stileid.u32;
	[sflag:s21] =	ssyncadd.s32 $0xFFFFEC00  }
0x28: {  	s23 =	sshll.u32 s23, $0x6;
	[bflag:$0x0] =	sbarrier.arrive $0xFFFF  }
0x29: {  	s24 =	sshrl.u32 s13, $0x3;
	s23 =	sor.u32 $0x1C08, s23;
	s25 =	rddreg [dreg:$0x8]  }
0x2a: {  	[hbm:s25], [sflag:s23] =	dma.local [spmem:s24], $0x2700  }
0x2b: {  	_ =	swait.ge [sflag:s1], $0x2700  }
0x2c: {  	[sflag:s1] =	ssyncset.done $0x0;
	s24 =	rddreg [dreg:$0x9]  }
0x2d: {  	s25 =	rddreg [dreg:$0x14];
	[sflag:s1] =	ssyncadd.s32 $0xFFFFD900  }
0x2e: {  	[hbm:s24], [sflag:s23] =	dma.local @!p0 [spmem:s25], $0x100  }
0x2f: {  	s23 =	simm.s32 @!p0 $0x8  }
0x30: {  	_ =	swait.ge @!p0 [sflag:s23], $0x100  }
0x31: {  	s22 =	sadd.s32 $0x1, s22;
	s30 =	rddreg [dreg:$0xa]  }
0x32: {  	p1 =	sne.s32 s22, s30  }
.Ltmp1:
0x33: {  	_ = 	snop;
	(pc) =	sbr.rel @!p1 .LBB2_14-.Ltmp1, $3  }
0x34: {  	_ =	sdelay $0x1  }
0x35: {  	[sflag:s23] =	ssyncset.done @!p0 $0x0  }
0x36: {  	[sflag:s23] =	ssyncadd.s32 @!p0 $0xFFFFFF00  }
.LBB2_1:
0x37: {  	s23 =	rddreg [dreg:$0x5]  }
0x38: {  	[tilespmem:s6], [sflag:$0x8] =	stream.linear.gather [hbm4b:s23+s6], $0xA00, $0x38;
	[tilespmem:$0x1C880] =	vst v63  }
0x39: {  	_ =	swait.ge [sflag:s1], $0xA00  }
0x3a: {  	[sflag:s1] =	ssyncset.done $0x0  }
0x3b: {  	s26 =	simm.s32 $0x4000;
	[sflag:s1] =	ssyncadd.s32 $0xFFFFF600  }
0x3c: {  	[tilespmem:s26], [sflag:$0x2] =	stream.indirect.gather [hbm4b:s0+s9], $0x80, s6, s9, $0xb8;
	[tilespmem:$0x1C880] =	vst v63  }
0x3d: {  	s24 =	simm.s32 $0x1800;
	s28 =	rddreg [dreg:$0x6]  }
0x3e: {  	[tilespmem:s24], [sflag:$0x4] =	stream.linear.gather [hbm4b:s28+s6], $0x1400, $0x38;
	[tilespmem:$0x1C880] =	vst v63  }
0x3f: {  	s29 =	simm.s32 $0x80  }
0x40: {  	[tilespmem:s10], [sflag:$0x3] =	stream.indirect.gather [hbm4b:s0+s9], $0x80, s29, s9, $0xb8;
	[tilespmem:$0x1C880] =	vst v63  }
0x41: {  	s23 =	simm.s32 $0x0;
	s30 =	rddreg [dreg:$0x7];
	s24 =	simm.s32 $0x200  }
0x42: {  	[tilespmem:s11], [sflag:$0x5] =	stream.linear.gather [hbm4b:s30+s6], $0x1400, $0x38;
	[tilespmem:$0x1C880] =	vst v63  }
.LBB2_2:
0x43: {  	p1 =	sne.s32 s24, $0x4E00;
	[tilespmem:s23+$0x6870] =	vst v0  }
0x44: {  	[tilespmem:s23+$0x6800] =	vst v0  }
0x45: {  	[tilespmem:s23+$0x6810] =	vst v0  }
.Ltmp2:
0x46: {  	[tilespmem:s23+$0x6820] =	vst v0;
	(pc) =	sbr.rel @p1 .LBB2_2-.Ltmp2, $4  }
0x47: {  	[tilespmem:s23+$0x6830] =	vst v0  }
0x48: {  	[tilespmem:s23+$0x6840] =	vst v0  }
0x49: {  	[tilespmem:s23+$0x6850] =	vst v0  }
0x4a: {  	[tilespmem:s23+$0x6860] =	vst v0;
	s23 =	sshra.s32 s24, $0x2;
	s24 =	sadd.s32 $0x200, s24  }
0x4b: {  	[tilespmem:s23+$0x6870] =	vst v0  }
0x4c: {  	[tilespmem:s23+$0x6800] =	vst v0  }
0x4d: {  	[tilespmem:s23+$0x6810] =	vst v0  }
0x4e: {  	[tilespmem:s23+$0x6820] =	vst v0  }
0x4f: {  	[tilespmem:s23+$0x6830] =	vst v0  }
0x50: {  	[tilespmem:s23+$0x6840] =	vst v0  }
0x51: {  	[tilespmem:s23+$0x6850] =	vst v0  }
0x52: {  	[tilespmem:s23+$0x6860] =	vst v0  }
0x53: {  	[spmem:s13] =	stream.linear.scatter [tilespmem:s12], [sflag:$0x1], $0x1400, $0x38;
	[tilespmem:$0x1C880] =	vst v63  }
0x54: {  	s30 =	rddreg [dreg:$0xb]  }
0x55: {  	[spmem:s30] =	stream.linear.scatter [tilespmem:s12], [sflag:$0x1], $0x1400, $0x38;
	[tilespmem:$0x1C880] =	vst v63  }
0x56: {  	s24 =	rddreg [dreg:$0xc]  }
0x57: {  	[spmem:s24] =	stream.linear.scatter [tilespmem:s12], [sflag:$0x1], $0x1400, $0x38;
	[tilespmem:$0x1C880] =	vst v63  }
0x58: {  	s25 =	rddreg [dreg:$0xd]  }
0x59: {  	[spmem:s25] =	stream.linear.scatter [tilespmem:s12], [sflag:$0x1], $0x1400, $0x38;
	[tilespmem:$0x1C880] =	vst v63  }
0x5a: {  	s26 =	rddreg [dreg:$0xe]  }
0x5b: {  	[spmem:s26] =	stream.linear.scatter [tilespmem:s12], [sflag:$0x1], $0x1400, $0x38;
	[tilespmem:$0x1C880] =	vst v63  }
0x5c: {  	s28 =	rddreg [dreg:$0xf]  }
0x5d: {  	[spmem:s28] =	stream.linear.scatter [tilespmem:s12], [sflag:$0x1], $0x1400, $0x38;
	[tilespmem:$0x1C880] =	vst v63  }
0x5e: {  	s29 =	rddreg [dreg:$0x10]  }
0x5f: {  	[spmem:s29] =	stream.linear.scatter [tilespmem:s12], [sflag:$0x1], $0x1400, $0x38;
	[tilespmem:$0x1C880] =	vst v63  }
0x60: {  	s30 =	rddreg [dreg:$0x11]  }
0x61: {  	[spmem:s30] =	stream.linear.scatter [tilespmem:s12], [sflag:$0x1], $0x1400, $0x38;
	[tilespmem:$0x1C880] =	vst v63  }
0x62: {  	s24 =	rddreg [dreg:$0x12]  }
0x63: {  	[spmem:s24] =	stream.linear.scatter [tilespmem:s12], [sflag:$0x1], $0x1400, $0x38;
	[tilespmem:$0x1C880] =	vst v63  }
0x64: {  	s25 =	rddreg [dreg:$0x13]  }
0x65: {  	[spmem:s25] =	stream.linear.scatter [tilespmem:s12], [sflag:$0x1], $0x1400, $0x38;
	[tilespmem:$0x1C880] =	vst v63  }
0x66: {  	s26 =	rddreg [dreg:$0x15]  }
0x67: {  	[spmem:s26] =	stream.linear.scatter [tilespmem:s12], [sflag:$0x1], $0x1400, $0x38;
	[tilespmem:$0x1C880] =	vst v63  }
0x68: {  	s28 =	rddreg [dreg:$0x16]  }
0x69: {  	[spmem:s28] =	stream.linear.scatter [tilespmem:s12], [sflag:$0x1], $0x1400, $0x38;
	[tilespmem:$0x1C880] =	vst v63  }
0x6a: {  	s29 =	rddreg [dreg:$0x17]  }
0x6b: {  	[spmem:s29] =	stream.linear.scatter [tilespmem:s12], [sflag:$0x1], $0x1400, $0x38;
	[tilespmem:$0x1C880] =	vst v63  }
0x6c: {  	s30 =	rddreg [dreg:$0x18]  }
0x6d: {  	[spmem:s30] =	stream.linear.scatter [tilespmem:s12], [sflag:$0x1], $0x1400, $0x38;
	[tilespmem:$0x1C880] =	vst v63  }
0x6e: {  	_ = 	snop  }
0x6f: {  	[spmem:s31] =	stream.linear.scatter [tilespmem:s12], [sflag:$0x1], $0x1400, $0x38;
	[tilespmem:$0x1C880] =	vst v63  }
0x70: {  	_ = 	snop  }
0x71: {  	[spmem:s2] =	stream.linear.scatter [tilespmem:s12], [sflag:$0x1], $0x1400, $0x38;
	[tilespmem:$0x1C880] =	vst v63  }
0x72: {  	_ =	swait.ge [sflag:s14], $0x1400  }
0x73: {  	[sflag:s14] =	ssyncset.done $0x0  }
0x74: {  	[sflag:s14] =	ssyncadd.s32 $0xFFFFEC00  }
0x75: {  	_ =	swait.ge [sflag:s14], $0x1400  }
0x76: {  	[sflag:s14] =	ssyncset.done $0x0  }
0x77: {  	[sflag:s14] =	ssyncadd.s32 $0xFFFFEC00  }
0x78: {  	_ =	swait.ge [sflag:s14], $0x1400  }
0x79: {  	[sflag:s14] =	ssyncset.done $0x0  }
0x7a: {  	[sflag:s14] =	ssyncadd.s32 $0xFFFFEC00  }
0x7b: {  	_ =	swait.ge [sflag:s14], $0x1400  }
0x7c: {  	[sflag:s14] =	ssyncset.done $0x0  }
0x7d: {  	[sflag:s14] =	ssyncadd.s32 $0xFFFFEC00  }
0x7e: {  	_ =	swait.ge [sflag:s14], $0x1400  }
0x7f: {  	[sflag:s14] =	ssyncset.done $0x0  }
0x80: {  	[sflag:s14] =	ssyncadd.s32 $0xFFFFEC00  }
0x81: {  	_ =	swait.ge [sflag:s14], $0x1400  }
0x82: {  	[sflag:s14] =	ssyncset.done $0x0  }
0x83: {  	[sflag:s14] =	ssyncadd.s32 $0xFFFFEC00  }
0x84: {  	_ =	swait.ge [sflag:s14], $0x1400  }
0x85: {  	[sflag:s14] =	ssyncset.done $0x0  }
0x86: {  	[sflag:s14] =	ssyncadd.s32 $0xFFFFEC00  }
0x87: {  	_ =	swait.ge [sflag:s14], $0x1400  }
0x88: {  	[sflag:s14] =	ssyncset.done $0x0  }
0x89: {  	[sflag:s14] =	ssyncadd.s32 $0xFFFFEC00  }
0x8a: {  	_ =	swait.ge [sflag:s14], $0x1400  }
0x8b: {  	[sflag:s14] =	ssyncset.done $0x0  }
0x8c: {  	[sflag:s14] =	ssyncadd.s32 $0xFFFFEC00  }
0x8d: {  	_ =	swait.ge [sflag:s14], $0x1400  }
0x8e: {  	[sflag:s14] =	ssyncset.done $0x0  }
0x8f: {  	[sflag:s14] =	ssyncadd.s32 $0xFFFFEC00  }
0x90: {  	_ =	swait.ge [sflag:s14], $0x1400  }
0x91: {  	[sflag:s14] =	ssyncset.done $0x0  }
0x92: {  	[sflag:s14] =	ssyncadd.s32 $0xFFFFEC00  }
0x93: {  	_ =	swait.ge [sflag:s14], $0x1400  }
0x94: {  	[sflag:s14] =	ssyncset.done $0x0  }
0x95: {  	[sflag:s14] =	ssyncadd.s32 $0xFFFFEC00  }
0x96: {  	_ =	swait.ge [sflag:s14], $0x1400  }
0x97: {  	[sflag:s14] =	ssyncset.done $0x0  }
0x98: {  	[sflag:s14] =	ssyncadd.s32 $0xFFFFEC00  }
0x99: {  	_ =	swait.ge [sflag:s14], $0x1400  }
0x9a: {  	[sflag:s14] =	ssyncset.done $0x0  }
0x9b: {  	[sflag:s14] =	ssyncadd.s32 $0xFFFFEC00  }
0x9c: {  	_ =	swait.ge [sflag:s14], $0x1400  }
0x9d: {  	[sflag:s14] =	ssyncset.done $0x0  }
0x9e: {  	[sflag:s14] =	ssyncadd.s32 $0xFFFFEC00  }
0x9f: {  	_ =	swait.ge [sflag:s14], $0x1400  }
0xa0: {  	[sflag:s14] =	ssyncset.done $0x0  }
0xa1: {  	[sflag:s14] =	ssyncadd.s32 $0xFFFFEC00  }
0xa2: {  	s23 =	simm.s32 $0x0;
	[bflag:$0x0] =	sbarrier.arrive $0xFFFF  }
.LBB2_4:
0xa3: {  	s24 =	smul.u32 $0xCD, s23;
	_ =	sdelay $0x1  }
0xa4: {  	s24 =	sshrl.u32 s24, $0xA  }
0xa5: {  	s24 =	sand.u32 $0x3F, s24  }
0xa6: {  	s25 =	smul.u32 $0x5, s24;
	_ =	sdelay $0x1  }
0xa7: {  	p1 =	seq.s32 s23, $0x7C;
	s25 =	ssub.s32 s23, s25  }
0xa8: {  	s26 =	sand.u32 @!p1 $0xFF, s25  }
0xa9: {  	p2 =	sne.s32 @!p1 s26, $0x4  }
0xaa: {  	p2 =	por p1, p2  }
.Ltmp3:
0xab: {  	_ = 	snop;
	(pc) =	sbr.rel @p2 .LBB2_6-.Ltmp3, $1  }
0xac: {  	_ =	sdelay $0x3  }
.Ltmp4:
0xad: {  	(pc) =	sbr.rel .LBB2_7-.Ltmp4, $4  }
0xae: {  	_ = 	snop  }
0xaf: {  	_ =	swait.ge [sflag:s14], $0xA00  }
0xb0: {  	[sflag:s14] =	ssyncset.done $0x0  }
0xb1: {  	[sflag:s14] =	ssyncadd.s32 $0xFFFFF600  }
.LBB2_6:
0xb2: {  	p2 =	sgt.u32 s23, $0x77  }
0xb3: {  	s25 =	sand.u32 @!p2 $0xFF, s25  }
0xb4: {  	p3 =	sne.s32 @!p2 s25, $0x1  }
0xb5: {  	p4 =	por p3, p2  }
0xb6: {  	s24 =	sadd.s32 @!p4 $0x1, s24  }
0xb7: {  	s25 =	sand.u32 @!p4 $0x1, s24  }
0xb8: {  	s24 =	sadd.s32 @!p4 s24, s5;
	p5 =	seq.s32 @!p4 s25, $0x1  }
0xb9: {  	s24 =	smul.u32 @!p4 $0x180, s24;
	p3 =	por @!p2 !p5, p3  }
0xba: {  	s25 =	simm.s32 @!p4 $0xC00;
	p2 =	por !p3, p2  }
0xbb: {  	s26 =	simm.s32 @!p4 $0x0;
	s24 =	sadd.s32 @!p4 s8, s24;
	s25 =	simm.s32 @!p2 $0x0  }
0xbc: {  	[tilespmem:s25], [sflag:$0x1] =	stream.linear.gather @!p4 [hbm4b:s24+s26], $0xA00, $0x38;
	[tilespmem:$0x1C880] =	vst v63  }
.LBB2_7:
0xbd: {  	_ =	swait.ge [sflag:s15], $0x1400  }
0xbe: {  	[sflag:s15] =	ssyncset.done $0x0  }
0xbf: {  	[sflag:s15] =	ssyncadd.s32 $0xFFFFEC00  }
0xc0: {  	_ =	swait.ge [sflag:s16], $0x1400  }
0xc1: {  	p2 =	seq.s32 s23, $0x0;
	[sflag:s16] =	ssyncset.done $0x0  }
0xc2: {  	s24 =	simm.s32 @!p2 $0x6;
	[sflag:s16] =	ssyncadd.s32 $0xFFFFEC00  }
0xc3: {  	_ =	swait.ge @!p2 [sflag:s24], $0x1400  }
0xc4: {  	[sflag:s24] =	ssyncset.done @!p2 $0x0  }
0xc5: {  	s25 =	simm.s32 $0x0;
	[sflag:s24] =	ssyncadd.s32 @!p2 $0xFFFFEC00  }
0xc6: {  	v1 =	vld [tilespmem:s25+$0x41F0]  }
0xc7: {  	v2 =	vld [tilespmem:s25+$0x19F0]  }
0xc8: {  	v3 =	vld [tilespmem:s25+$0x4000]  }
0xc9: {  	v4 =	vld [tilespmem:s25+$0x1800]  }
0xca: {  	v5 =	vld [tilespmem:s25+$0x4010]  }
0xcb: {  	v6 =	vld [tilespmem:s25+$0x1810]  }
0xcc: {  	v7 =	vld [tilespmem:s25+$0x4020]  }
0xcd: {  	v1 =	vadd.f32 v2, v1;
	v2 =	vld [tilespmem:s25+$0x1820]  }
0xce: {  	v8 =	vld [tilespmem:s25+$0x4030]  }
0xcf: {  	v3 =	vadd.f32 v4, v3;
	v4 =	vld [tilespmem:s25+$0x1830]  }
0xd0: {  	v5 =	vadd.f32 v6, v5;
	v6 =	vld [tilespmem:s25+$0x4050];
	v1 =	vmax.f32 v1, $0.0e+00  }
0xd1: {  	[tilespmem:s25+$0x69F0] =	vst v1;
	v1 =	vmax.f32 v3, $0.0e+00;
	v3 =	vld [tilespmem:s25+$0x4040]  }
0xd2: {  	v5 =	vmax.f32 v5, $0.0e+00;
	[tilespmem:s25+$0x6800] =	vst v1;
	v1 =	vld [tilespmem:s25+$0x1840];
	v2 =	vadd.f32 v2, v7  }
0xd3: {  	[tilespmem:s25+$0x6810] =	vst v5;
	v5 =	vld [tilespmem:s25+$0x1850]  }
0xd4: {  	v7 =	vld [tilespmem:s25+$0x4060];
	v2 =	vmax.f32 v2, $0.0e+00  }
0xd5: {  	v4 =	vadd.f32 v4, v8;
	[tilespmem:s25+$0x6820] =	vst v2;
	v2 =	vld [tilespmem:s25+$0x1860]  }
0xd6: {  	v8 =	vld [tilespmem:s25+$0x4070]  }
0xd7: {  	v4 =	vmax.f32 v4, $0.0e+00;
	v1 =	vadd.f32 v1, v3;
	v3 =	vld [tilespmem:s25+$0x1870]  }
0xd8: {  	[tilespmem:s25+$0x6830] =	vst v4;
	v4 =	vld [tilespmem:s25+$0x4080];
	v5 =	vadd.f32 v5, v6  }
0xd9: {  	v6 =	vld [tilespmem:s25+$0x4090];
	v1 =	vmax.f32 v1, $0.0e+00  }
0xda: {  	v5 =	vmax.f32 v5, $0.0e+00;
	[tilespmem:s25+$0x6840] =	vst v1;
	v1 =	vld [tilespmem:s25+$0x1880];
	v2 =	vadd.f32 v2, v7  }
0xdb: {  	[tilespmem:s25+$0x6850] =	vst v5;
	v5 =	vld [tilespmem:s25+$0x1890]  }
0xdc: {  	v7 =	vld [tilespmem:s25+$0x40A0];
	v3 =	vadd.f32 v3, v8;
	v2 =	vmax.f32 v2, $0.0e+00  }
0xdd: {  	[tilespmem:s25+$0x6860] =	vst v2;
	v2 =	vld [tilespmem:s25+$0x18A0]  }
0xde: {  	v8 =	vld [tilespmem:s25+$0x40B0];
	v3 =	vmax.f32 v3, $0.0e+00  }
0xdf: {  	v1 =	vadd.f32 v1, v4;
	[tilespmem:s25+$0x6870] =	vst v3;
	v3 =	vld [tilespmem:s25+$0x18B0]  }
0xe0: {  	v5 =	vadd.f32 v5, v6;
	v6 =	vld [tilespmem:s25+$0x40D0]  }
0xe1: {  	v4 =	vld [tilespmem:s25+$0x40C0];
	v1 =	vmax.f32 v1, $0.0e+00  }
0xe2: {  	v5 =	vmax.f32 v5, $0.0e+00;
	[tilespmem:s25+$0x6880] =	vst v1;
	v1 =	vld [tilespmem:s25+$0x18C0];
	v2 =	vadd.f32 v2, v7  }
0xe3: {  	[tilespmem:s25+$0x6890] =	vst v5;
	v5 =	vld [tilespmem:s25+$0x18D0]  }
0xe4: {  	v7 =	vld [tilespmem:s25+$0x40E0];
	v3 =	vadd.f32 v3, v8;
	v2 =	vmax.f32 v2, $0.0e+00  }
0xe5: {  	[tilespmem:s25+$0x68A0] =	vst v2;
	v2 =	vld [tilespmem:s25+$0x18E0]  }
0xe6: {  	v8 =	vld [tilespmem:s25+$0x40F0];
	v3 =	vmax.f32 v3, $0.0e+00  }
0xe7: {  	v1 =	vadd.f32 v1, v4;
	[tilespmem:s25+$0x68B0] =	vst v3;
	v3 =	vld [tilespmem:s25+$0x18F0]  }
0xe8: {  	v5 =	vadd.f32 v5, v6;
	v6 =	vld [tilespmem:s25+$0x4110]  }
0xe9: {  	v4 =	vld [tilespmem:s25+$0x4100];
	v1 =	vmax.f32 v1, $0.0e+00  }
0xea: {  	v5 =	vmax.f32 v5, $0.0e+00;
	[tilespmem:s25+$0x68C0] =	vst v1;
	v1 =	vld [tilespmem:s25+$0x1900];
	v2 =	vadd.f32 v2, v7  }
0xeb: {  	[tilespmem:s25+$0x68D0] =	vst v5;
	v5 =	vld [tilespmem:s25+$0x1910]  }
0xec: {  	v7 =	vld [tilespmem:s25+$0x4120];
	v3 =	vadd.f32 v3, v8;
	v2 =	vmax.f32 v2, $0.0e+00  }
0xed: {  	[tilespmem:s25+$0x68E0] =	vst v2;
	v2 =	vld [tilespmem:s25+$0x1920]  }
0xee: {  	v8 =	vld [tilespmem:s25+$0x4130];
	v3 =	vmax.f32 v3, $0.0e+00  }
0xef: {  	v1 =	vadd.f32 v1, v4;
	[tilespmem:s25+$0x68F0] =	vst v3;
	v3 =	vld [tilespmem:s25+$0x1930]  }
0xf0: {  	v5 =	vadd.f32 v5, v6;
	v6 =	vld [tilespmem:s25+$0x4150]  }
0xf1: {  	v4 =	vld [tilespmem:s25+$0x4140];
	v1 =	vmax.f32 v1, $0.0e+00  }
0xf2: {  	v5 =	vmax.f32 v5, $0.0e+00;
	[tilespmem:s25+$0x6900] =	vst v1;
	v1 =	vld [tilespmem:s25+$0x1940];
	v2 =	vadd.f32 v2, v7  }
0xf3: {  	[tilespmem:s25+$0x6910] =	vst v5;
	v5 =	vld [tilespmem:s25+$0x1950]  }
0xf4: {  	v7 =	vld [tilespmem:s25+$0x4160];
	v3 =	vadd.f32 v3, v8;
	v2 =	vmax.f32 v2, $0.0e+00  }
0xf5: {  	[tilespmem:s25+$0x6920] =	vst v2;
	v2 =	vld [tilespmem:s25+$0x1960]  }
0xf6: {  	v8 =	vld [tilespmem:s25+$0x4170];
	v3 =	vmax.f32 v3, $0.0e+00  }
0xf7: {  	v1 =	vadd.f32 v1, v4;
	[tilespmem:s25+$0x6930] =	vst v3;
	v3 =	vld [tilespmem:s25+$0x1970]  }
0xf8: {  	v5 =	vadd.f32 v5, v6;
	v6 =	vld [tilespmem:s25+$0x4190]  }
0xf9: {  	v4 =	vld [tilespmem:s25+$0x4180];
	v1 =	vmax.f32 v1, $0.0e+00  }
0xfa: {  	v5 =	vmax.f32 v5, $0.0e+00;
	[tilespmem:s25+$0x6940] =	vst v1;
	v1 =	vld [tilespmem:s25+$0x1980];
	v2 =	vadd.f32 v2, v7  }
0xfb: {  	[tilespmem:s25+$0x6950] =	vst v5;
	v5 =	vld [tilespmem:s25+$0x1990]  }
0xfc: {  	v7 =	vld [tilespmem:s25+$0x41A0];
	v3 =	vadd.f32 v3, v8;
	v2 =	vmax.f32 v2, $0.0e+00  }
0xfd: {  	[tilespmem:s25+$0x6960] =	vst v2;
	v2 =	vld [tilespmem:s25+$0x19A0]  }
0xfe: {  	v8 =	vld [tilespmem:s25+$0x41B0];
	v3 =	vmax.f32 v3, $0.0e+00  }
0xff: {  	v1 =	vadd.f32 v1, v4;
	[tilespmem:s25+$0x6970] =	vst v3;
	v3 =	vld [tilespmem:s25+$0x19B0]  }
0x100: {  	v9 =	vld [tilespmem:s25+$0x41C0];
	v4 =	vadd.f32 v5, v6  }
0x101: {  	v6 =	vld [tilespmem:s25+$0x19C0];
	v1 =	vmax.f32 v1, $0.0e+00  }
0x102: {  	v4 =	vmax.f32 v4, $0.0e+00;
	[tilespmem:s25+$0x6980] =	vst v1;
	v1 =	vld [tilespmem:s25+$0x41D0];
	v2 =	vadd.f32 v2, v7  }
0x103: {  	[tilespmem:s25+$0x6990] =	vst v4;
	v4 =	vld [tilespmem:s25+$0x19D0]  }
0x104: {  	v7 =	vadd.f32 v3, v8;
	v5 =	vmax.f32 v2, $0.0e+00;
	v2 =	vld [tilespmem:s25+$0x41E0]  }
0x105: {  	s28 =	simm.s32 $0x200;
	[tilespmem:s25+$0x69A0] =	vst v5;
	v5 =	vld [tilespmem:s25+$0x19E0]  }
0x106: {  	s26 =	simm.s32 $0x1000;
	s24 =	sshll.u32 s23, $0x1;
	v6 =	vadd.f32 v6, v9;
	v7 =	vmax.f32 v7, $0.0e+00;
	v3 =	vld [tilespmem:s28+$0x41F0]  }
.LBB2_8:
0x107: {  	p3 =	sne.s32 s26, $0x4800;
	v8 =	vld [tilespmem:s28+$0x19F0];
	[tilespmem:s25+$0x69B0] =	vst v7  }
0x108: {  	v7 =	vld [tilespmem:s28+$0x4000];
	v6 =	vmax.f32 v6, $0.0e+00;
	v1 =	vadd.f32 v4, v1  }
0x109: {  	v4 =	vld [tilespmem:s28+$0x1800];
	[tilespmem:s25+$0x69C0] =	vst v6  }
0x10a: {  	v6 =	vld [tilespmem:s28+$0x4010];
	v1 =	vmax.f32 v1, $0.0e+00;
	v2 =	vadd.f32 v5, v2  }
0x10b: {  	v5 =	vld [tilespmem:s28+$0x1810];
	[tilespmem:s25+$0x69D0] =	vst v1  }
0x10c: {  	v1 =	vld [tilespmem:s28+$0x4020];
	v3 =	vadd.f32 v8, v3;
	v2 =	vmax.f32 v2, $0.0e+00  }
0x10d: {  	v8 =	vld [tilespmem:s28+$0x1820];
	[tilespmem:s25+$0x69E0] =	vst v2;
	s25 =	smov.u32 s28  }
0x10e: {  	v2 =	vadd.f32 v4, v7;
	v4 =	vld [tilespmem:s25+$0x4030];
	v3 =	vmax.f32 v3, $0.0e+00  }
0x10f: {  	v7 =	vld [tilespmem:s25+$0x1830];
	[tilespmem:s25+$0x69F0] =	vst v3  }
0x110: {  	v2 =	vmax.f32 v2, $0.0e+00;
	v3 =	vadd.f32 v5, v6;
	v5 =	vld [tilespmem:s25+$0x4040]  }
0x111: {  	[tilespmem:s25+$0x6800] =	vst v2;
	v2 =	vld [tilespmem:s25+$0x1840]  }
0x112: {  	v3 =	vmax.f32 v3, $0.0e+00;
	v1 =	vadd.f32 v8, v1;
	v6 =	vld [tilespmem:s25+$0x4050]  }
0x113: {  	[tilespmem:s25+$0x6810] =	vst v3;
	v3 =	vld [tilespmem:s25+$0x1850]  }
0x114: {  	v1 =	vmax.f32 v1, $0.0e+00;
	v4 =	vadd.f32 v7, v4;
	v7 =	vld [tilespmem:s25+$0x4060]  }
0x115: {  	[tilespmem:s25+$0x6820] =	vst v1;
	v1 =	vld [tilespmem:s25+$0x1860]  }
0x116: {  	v4 =	vmax.f32 v4, $0.0e+00;
	v2 =	vadd.f32 v2, v5;
	v5 =	vld [tilespmem:s25+$0x4070]  }
0x117: {  	[tilespmem:s25+$0x6830] =	vst v4;
	v4 =	vld [tilespmem:s25+$0x1870]  }
0x118: {  	v2 =	vmax.f32 v2, $0.0e+00;
	v3 =	vadd.f32 v3, v6;
	v6 =	vld [tilespmem:s25+$0x4080]  }
0x119: {  	[tilespmem:s25+$0x6840] =	vst v2;
	v2 =	vld [tilespmem:s25+$0x1880]  }
0x11a: {  	v3 =	vmax.f32 v3, $0.0e+00;
	v1 =	vadd.f32 v1, v7;
	v7 =	vld [tilespmem:s25+$0x4090]  }
0x11b: {  	[tilespmem:s25+$0x6850] =	vst v3;
	v3 =	vld [tilespmem:s25+$0x1890]  }
0x11c: {  	v1 =	vmax.f32 v1, $0.0e+00;
	v4 =	vadd.f32 v4, v5;
	v5 =	vld [tilespmem:s25+$0x40A0]  }
0x11d: {  	[tilespmem:s25+$0x6860] =	vst v1;
	v1 =	vld [tilespmem:s25+$0x18A0]  }
0x11e: {  	v4 =	vmax.f32 v4, $0.0e+00;
	v2 =	vadd.f32 v2, v6;
	v6 =	vld [tilespmem:s25+$0x40B0]  }
0x11f: {  	[tilespmem:s25+$0x6870] =	vst v4;
	v4 =	vld [tilespmem:s25+$0x18B0]  }
0x120: {  	v2 =	vmax.f32 v2, $0.0e+00;
	v3 =	vadd.f32 v3, v7;
	v7 =	vld [tilespmem:s25+$0x40C0]  }
0x121: {  	[tilespmem:s25+$0x6880] =	vst v2;
	v2 =	vld [tilespmem:s25+$0x18C0]  }
0x122: {  	v3 =	vmax.f32 v3, $0.0e+00;
	v1 =	vadd.f32 v1, v5;
	v5 =	vld [tilespmem:s25+$0x40D0]  }
0x123: {  	[tilespmem:s25+$0x6890] =	vst v3;
	v3 =	vld [tilespmem:s25+$0x18D0]  }
0x124: {  	v1 =	vmax.f32 v1, $0.0e+00;
	v4 =	vadd.f32 v4, v6;
	v6 =	vld [tilespmem:s25+$0x40E0]  }
0x125: {  	[tilespmem:s25+$0x68A0] =	vst v1;
	v1 =	vld [tilespmem:s25+$0x18E0]  }
0x126: {  	v4 =	vmax.f32 v4, $0.0e+00;
	v2 =	vadd.f32 v2, v7;
	v7 =	vld [tilespmem:s25+$0x40F0]  }
0x127: {  	[tilespmem:s25+$0x68B0] =	vst v4;
	v4 =	vld [tilespmem:s25+$0x18F0]  }
0x128: {  	v2 =	vmax.f32 v2, $0.0e+00;
	v3 =	vadd.f32 v3, v5;
	v5 =	vld [tilespmem:s25+$0x4100]  }
0x129: {  	[tilespmem:s25+$0x68C0] =	vst v2;
	v2 =	vld [tilespmem:s25+$0x1900]  }
0x12a: {  	v3 =	vmax.f32 v3, $0.0e+00;
	v1 =	vadd.f32 v1, v6;
	v6 =	vld [tilespmem:s25+$0x4110]  }
0x12b: {  	[tilespmem:s25+$0x68D0] =	vst v3;
	v3 =	vld [tilespmem:s25+$0x1910]  }
0x12c: {  	v1 =	vmax.f32 v1, $0.0e+00;
	v4 =	vadd.f32 v4, v7;
	v7 =	vld [tilespmem:s25+$0x4120]  }
0x12d: {  	[tilespmem:s25+$0x68E0] =	vst v1;
	v1 =	vld [tilespmem:s25+$0x1920]  }
0x12e: {  	v4 =	vmax.f32 v4, $0.0e+00;
	v2 =	vadd.f32 v2, v5;
	v5 =	vld [tilespmem:s25+$0x4130]  }
0x12f: {  	[tilespmem:s25+$0x68F0] =	vst v4;
	v4 =	vld [tilespmem:s25+$0x1930]  }
0x130: {  	v2 =	vmax.f32 v2, $0.0e+00;
	v3 =	vadd.f32 v3, v6;
	v6 =	vld [tilespmem:s25+$0x4140]  }
0x131: {  	[tilespmem:s25+$0x6900] =	vst v2;
	v2 =	vld [tilespmem:s25+$0x1940]  }
0x132: {  	v3 =	vmax.f32 v3, $0.0e+00;
	v1 =	vadd.f32 v1, v7;
	v7 =	vld [tilespmem:s25+$0x4150]  }
0x133: {  	[tilespmem:s25+$0x6910] =	vst v3;
	v3 =	vld [tilespmem:s25+$0x1950]  }
0x134: {  	v1 =	vmax.f32 v1, $0.0e+00;
	v4 =	vadd.f32 v4, v5;
	v5 =	vld [tilespmem:s25+$0x4160]  }
0x135: {  	[tilespmem:s25+$0x6920] =	vst v1;
	v1 =	vld [tilespmem:s25+$0x1960]  }
0x136: {  	v4 =	vmax.f32 v4, $0.0e+00;
	v2 =	vadd.f32 v2, v6;
	v6 =	vld [tilespmem:s25+$0x4170]  }
0x137: {  	[tilespmem:s25+$0x6930] =	vst v4;
	v4 =	vld [tilespmem:s25+$0x1970]  }
0x138: {  	v2 =	vmax.f32 v2, $0.0e+00;
	v3 =	vadd.f32 v3, v7;
	v7 =	vld [tilespmem:s25+$0x4180]  }
0x139: {  	[tilespmem:s25+$0x6940] =	vst v2;
	v2 =	vld [tilespmem:s25+$0x1980]  }
0x13a: {  	v3 =	vmax.f32 v3, $0.0e+00;
	v1 =	vadd.f32 v1, v5;
	v5 =	vld [tilespmem:s25+$0x4190]  }
0x13b: {  	[tilespmem:s25+$0x6950] =	vst v3;
	v3 =	vld [tilespmem:s25+$0x1990]  }
0x13c: {  	v1 =	vmax.f32 v1, $0.0e+00;
	v4 =	vadd.f32 v4, v6;
	v6 =	vld [tilespmem:s25+$0x41A0]  }
0x13d: {  	[tilespmem:s25+$0x6960] =	vst v1;
	v1 =	vld [tilespmem:s25+$0x19A0]  }
0x13e: {  	v4 =	vmax.f32 v4, $0.0e+00;
	v2 =	vadd.f32 v2, v7;
	v7 =	vld [tilespmem:s25+$0x41B0]  }
0x13f: {  	[tilespmem:s25+$0x6970] =	vst v4;
	v8 =	vld [tilespmem:s25+$0x19B0]  }
0x140: {  	v2 =	vmax.f32 v2, $0.0e+00;
	v3 =	vadd.f32 v3, v5;
	v9 =	vld [tilespmem:s25+$0x41C0]  }
0x141: {  	[tilespmem:s25+$0x6980] =	vst v2;
	v10 =	vld [tilespmem:s25+$0x19C0]  }
.Ltmp5:
0x142: {  	v2 =	vmax.f32 v3, $0.0e+00;
	v3 =	vadd.f32 v1, v6;
	v1 =	vld [tilespmem:s25+$0x41D0];
	(pc) =	sbr.rel @p3 .LBB2_8-.Ltmp5, $4  }
0x143: {  	[tilespmem:s25+$0x6990] =	vst v2;
	v4 =	vld [tilespmem:s25+$0x19D0]  }
0x144: {  	v3 =	vmax.f32 v3, $0.0e+00;
	v6 =	vadd.f32 v8, v7;
	v2 =	vld [tilespmem:s25+$0x41E0]  }
0x145: {  	s28 =	sshra.s32 s26, $0x2;
	[tilespmem:s25+$0x69A0] =	vst v3;
	v5 =	vld [tilespmem:s25+$0x19E0]  }
0x146: {  	s26 =	sadd.s32 $0x800, s26;
	v3 =	vld [tilespmem:s28+$0x41F0];
	v7 =	vmax.f32 v6, $0.0e+00;
	v6 =	vadd.f32 v10, v9  }
0x147: {  	v8 =	vld [tilespmem:s28+$0x19F0];
	[tilespmem:s25+$0x69B0] =	vst v7  }
0x148: {  	v7 =	vld [tilespmem:s28+$0x4000];
	v6 =	vmax.f32 v6, $0.0e+00;
	v1 =	vadd.f32 v4, v1  }
0x149: {  	v9 =	vld [tilespmem:s28+$0x1800];
	[tilespmem:s25+$0x69C0] =	vst v6  }
0x14a: {  	v4 =	vld [tilespmem:s28+$0x4010];
	v1 =	vmax.f32 v1, $0.0e+00;
	v2 =	vadd.f32 v5, v2  }
0x14b: {  	v6 =	vld [tilespmem:s28+$0x1810];
	[tilespmem:s25+$0x69D0] =	vst v1  }
0x14c: {  	v1 =	vld [tilespmem:s28+$0x4020];
	v2 =	vmax.f32 v2, $0.0e+00  }
0x14d: {  	v5 =	vld [tilespmem:s28+$0x1820];
	v3 =	vadd.f32 v8, v3;
	[tilespmem:s25+$0x69E0] =	vst v2  }
0x14e: {  	v7 =	vadd.f32 v9, v7;
	v2 =	vld [tilespmem:s28+$0x4030]  }
0x14f: {  	v3 =	vmax.f32 v3, $0.0e+00;
	v8 =	vld [tilespmem:s28+$0x1830]  }
0x150: {  	[tilespmem:s28+$0x69F0] =	vst v3;
	v3 =	vmax.f32 v7, $0.0e+00;
	v7 =	vld [tilespmem:s28+$0x4040]  }
0x151: {  	v4 =	vadd.f32 v6, v4;
	v6 =	vld [tilespmem:s28+$0x4050]  }
0x152: {  	[tilespmem:s28+$0x6800] =	vst v3;
	v3 =	vld [tilespmem:s28+$0x1840];
	v1 =	vadd.f32 v5, v1  }
0x153: {  	v4 =	vmax.f32 v4, $0.0e+00;
	v5 =	vld [tilespmem:s28+$0x4060]  }
0x154: {  	[tilespmem:s28+$0x6810] =	vst v4;
	v4 =	vld [tilespmem:s28+$0x1850];
	v1 =	vmax.f32 v1, $0.0e+00  }
0x155: {  	v2 =	vadd.f32 v8, v2;
	[tilespmem:s28+$0x6820] =	vst v1;
	v1 =	vld [tilespmem:s28+$0x1860]  }
0x156: {  	v8 =	vld [tilespmem:s28+$0x4070]  }
0x157: {  	v2 =	vmax.f32 v2, $0.0e+00;
	v3 =	vadd.f32 v3, v7;
	v7 =	vld [tilespmem:s28+$0x4080]  }
0x158: {  	[tilespmem:s28+$0x6830] =	vst v2;
	v2 =	vld [tilespmem:s28+$0x1870]  }
0x159: {  	v3 =	vmax.f32 v3, $0.0e+00;
	v4 =	vadd.f32 v4, v6;
	v6 =	vld [tilespmem:s28+$0x4090]  }
0x15a: {  	[tilespmem:s28+$0x6840] =	vst v3;
	v3 =	vld [tilespmem:s28+$0x1880];
	v1 =	vadd.f32 v1, v5  }
0x15b: {  	v4 =	vmax.f32 v4, $0.0e+00;
	v5 =	vld [tilespmem:s28+$0x40A0]  }
0x15c: {  	[tilespmem:s28+$0x6850] =	vst v4;
	v4 =	vld [tilespmem:s28+$0x1890];
	v1 =	vmax.f32 v1, $0.0e+00  }
0x15d: {  	v2 =	vadd.f32 v2, v8;
	[tilespmem:s28+$0x6860] =	vst v1;
	v1 =	vld [tilespmem:s28+$0x18A0]  }
0x15e: {  	v8 =	vld [tilespmem:s28+$0x40B0]  }
0x15f: {  	v2 =	vmax.f32 v2, $0.0e+00;
	v3 =	vadd.f32 v3, v7;
	v7 =	vld [tilespmem:s28+$0x40C0]  }
0x160: {  	[tilespmem:s28+$0x6870] =	vst v2;
	v2 =	vld [tilespmem:s28+$0x18B0]  }
0x161: {  	v3 =	vmax.f32 v3, $0.0e+00;
	v4 =	vadd.f32 v4, v6;
	v6 =	vld [tilespmem:s28+$0x40D0]  }
0x162: {  	[tilespmem:s28+$0x6880] =	vst v3;
	v3 =	vld [tilespmem:s28+$0x18C0];
	v1 =	vadd.f32 v1, v5  }
0x163: {  	v4 =	vmax.f32 v4, $0.0e+00;
	v5 =	vld [tilespmem:s28+$0x40E0]  }
0x164: {  	[tilespmem:s28+$0x6890] =	vst v4;
	v4 =	vld [tilespmem:s28+$0x18D0];
	v1 =	vmax.f32 v1, $0.0e+00  }
0x165: {  	v2 =	vadd.f32 v2, v8;
	[tilespmem:s28+$0x68A0] =	vst v1;
	v1 =	vld [tilespmem:s28+$0x18E0]  }
0x166: {  	v8 =	vld [tilespmem:s28+$0x40F0]  }
0x167: {  	v2 =	vmax.f32 v2, $0.0e+00;
	v3 =	vadd.f32 v3, v7;
	v7 =	vld [tilespmem:s28+$0x4100]  }
0x168: {  	[tilespmem:s28+$0x68B0] =	vst v2;
	v2 =	vld [tilespmem:s28+$0x18F0]  }
0x169: {  	v3 =	vmax.f32 v3, $0.0e+00;
	v4 =	vadd.f32 v4, v6;
	v6 =	vld [tilespmem:s28+$0x4110]  }
0x16a: {  	[tilespmem:s28+$0x68C0] =	vst v3;
	v3 =	vld [tilespmem:s28+$0x1900];
	v1 =	vadd.f32 v1, v5  }
0x16b: {  	v4 =	vmax.f32 v4, $0.0e+00;
	v5 =	vld [tilespmem:s28+$0x4120]  }
0x16c: {  	[tilespmem:s28+$0x68D0] =	vst v4;
	v4 =	vld [tilespmem:s28+$0x1910];
	v1 =	vmax.f32 v1, $0.0e+00  }
0x16d: {  	v2 =	vadd.f32 v2, v8;
	[tilespmem:s28+$0x68E0] =	vst v1;
	v1 =	vld [tilespmem:s28+$0x1920]  }
0x16e: {  	v8 =	vld [tilespmem:s28+$0x4130]  }
0x16f: {  	v2 =	vmax.f32 v2, $0.0e+00;
	v3 =	vadd.f32 v3, v7;
	v7 =	vld [tilespmem:s28+$0x4140]  }
0x170: {  	[tilespmem:s28+$0x68F0] =	vst v2;
	v2 =	vld [tilespmem:s28+$0x1930]  }
0x171: {  	v3 =	vmax.f32 v3, $0.0e+00;
	v4 =	vadd.f32 v4, v6;
	v6 =	vld [tilespmem:s28+$0x4150]  }
0x172: {  	[tilespmem:s28+$0x6900] =	vst v3;
	v3 =	vld [tilespmem:s28+$0x1940];
	v1 =	vadd.f32 v1, v5  }
0x173: {  	v4 =	vmax.f32 v4, $0.0e+00;
	v5 =	vld [tilespmem:s28+$0x4160]  }
0x174: {  	[tilespmem:s28+$0x6910] =	vst v4;
	v4 =	vld [tilespmem:s28+$0x1950];
	v1 =	vmax.f32 v1, $0.0e+00  }
0x175: {  	v2 =	vadd.f32 v2, v8;
	[tilespmem:s28+$0x6920] =	vst v1;
	v1 =	vld [tilespmem:s28+$0x1960]  }
0x176: {  	v8 =	vld [tilespmem:s28+$0x4170]  }
0x177: {  	v2 =	vmax.f32 v2, $0.0e+00;
	v3 =	vadd.f32 v3, v7;
	v7 =	vld [tilespmem:s28+$0x4180]  }
0x178: {  	[tilespmem:s28+$0x6930] =	vst v2;
	v2 =	vld [tilespmem:s28+$0x1970]  }
0x179: {  	v3 =	vmax.f32 v3, $0.0e+00;
	v4 =	vadd.f32 v4, v6;
	v6 =	vld [tilespmem:s28+$0x4190]  }
0x17a: {  	[tilespmem:s28+$0x6940] =	vst v3;
	v3 =	vld [tilespmem:s28+$0x1980];
	v1 =	vadd.f32 v1, v5  }
0x17b: {  	v4 =	vmax.f32 v4, $0.0e+00;
	v5 =	vld [tilespmem:s28+$0x41A0]  }
0x17c: {  	[tilespmem:s28+$0x6950] =	vst v4;
	v4 =	vld [tilespmem:s28+$0x1990];
	v1 =	vmax.f32 v1, $0.0e+00  }
0x17d: {  	v2 =	vadd.f32 v2, v8;
	[tilespmem:s28+$0x6960] =	vst v1;
	v1 =	vld [tilespmem:s28+$0x19A0]  }
0x17e: {  	v8 =	vld [tilespmem:s28+$0x41B0]  }
0x17f: {  	v2 =	vmax.f32 v2, $0.0e+00;
	v3 =	vadd.f32 v3, v7;
	v7 =	vld [tilespmem:s28+$0x41C0]  }
0x180: {  	[tilespmem:s28+$0x6970] =	vst v2;
	v2 =	vld [tilespmem:s28+$0x19B0]  }
0x181: {  	v3 =	vmax.f32 v3, $0.0e+00;
	v4 =	vadd.f32 v4, v6;
	v6 =	vld [tilespmem:s28+$0x41D0]  }
0x182: {  	[tilespmem:s28+$0x6980] =	vst v3;
	v3 =	vld [tilespmem:s28+$0x19C0];
	v1 =	vadd.f32 v1, v5  }
0x183: {  	v4 =	vmax.f32 v4, $0.0e+00;
	v5 =	vld [tilespmem:s28+$0x41E0]  }
0x184: {  	[tilespmem:s28+$0x6990] =	vst v4;
	v4 =	vld [tilespmem:s28+$0x19D0];
	v1 =	vmax.f32 v1, $0.0e+00  }
0x185: {  	s25 =	smulhi.u32 $0x66666667, s24;
	[tilespmem:s28+$0x69A0] =	vst v1;
	v1 =	vld [tilespmem:s28+$0x19E0]  }
0x186: {  	s26 =	smulhi.u32 $0xCCCCCCCD, s23  }
0x187: {  	s25 =	sshrl.u32 s25, $0x2;
	v2 =	vadd.f32 v2, v8  }
0x188: {  	s26 =	sshrl.u32 s26, $0x2;
	s25 =	smul.u32 $0xA, s25;
	v3 =	vadd.f32 v3, v7  }
0x189: {  	s26 =	sand.u32 $0x1, s26;
	v2 =	vmax.f32 v2, $0.0e+00;
	v4 =	vadd.f32 v4, v6  }
0x18a: {  	p3 =	seq.s32 s26, $0x1;
	s29 =	ssub.s32 s24, s25;
	s25 =	simm.s32 $0xC00;
	[tilespmem:s28+$0x69B0] =	vst v2;
	v2 =	vmax.f32 v3, $0.0e+00;
	v1 =	vadd.f32 v1, v5  }
0x18b: {  	s25 =	simm.s32 @!p3 $0x0;
	s26 =	sshll.u32 s29, $0x7;
	[tilespmem:s28+$0x69C0] =	vst v2;
	v2 =	vmax.f32 v4, $0.0e+00  }
0x18c: {  	s29 =	sadd.s32 @!p1 $0x2, s24;
	s26 =	sadd.s32 s26, s25;
	[tilespmem:s28+$0x69D0] =	vst v2;
	v1 =	vmax.f32 v1, $0.0e+00  }
0x18d: {  	s26 =	sadd.s32 $0x500, s26;
	[tilespmem:s28+$0x69E0] =	vst v1;
	s28 =	smulhi.u32 @!p1 $0x66666667, s29  }
0x18e: {  	[spmem:s4] =	stream.indirect.scatter.add.f32 [tilespmem:s12], [sflag:$0x6], $0x80, s26, s9, $0xb8;
	[tilespmem:$0x1C880] =	vst v63  }
0x18f: {  	s26 =	sshrl.u32 @!p1 s28, $0x2  }
0x190: {  	s28 =	smul.u32 @!p1 $0xA, s26;
	s26 =	sand.u32 @!p1 $0x1, s26  }
0x191: {  	p3 =	seq.s32 @!p1 s26, $0x1  }
0x192: {  	s26 =	ssub.s32 @!p1 s29, s28;
	s28 =	simm.s32 @!p1 $0xC00;
	p3 =	por !p3, p1  }
0x193: {  	s28 =	simm.s32 @p3 $0x0;
	s26 =	sshll.u32 @!p1 s26, $0x7  }
0x194: {  	s26 =	sadd.s32 @!p1 s26, s28;
	s28 =	sadd.s32 @!p1 s7, s29  }
0x195: {  	s30 =	simm.s32 @!p1 $0x4000;
	s29 =	simm.s32 @!p1 $0x28;
	s28 =	smul.u32 @!p1 $0x280, s28  }
0x196: {  	[tilespmem:s30], [sflag:$0x2] =	stream.indirect.gather @!p1 [hbm4b:s0+s29], $0x80, s26, s29, $0xb8;
	[tilespmem:$0x1C880] =	vst v63  }
0x197: {  	s29 =	simm.s32 @!p1 $0x1800;
	s26 =	sadd.s32 @!p1 s3, s28;
	s28 =	simm.s32 @!p1 $0x0  }
0x198: {  	[tilespmem:s29], [sflag:$0x4] =	stream.linear.gather @!p1 [hbm4b:s26+s28], $0x1400, $0x38;
	[tilespmem:$0x1C880] =	vst v63  }
0x199: {  	_ =	swait.ge [sflag:s17], $0x1400  }
0x19a: {  	[sflag:s17] =	ssyncset.done $0x0  }
0x19b: {  	[sflag:s17] =	ssyncadd.s32 $0xFFFFEC00  }
0x19c: {  	_ =	swait.ge [sflag:s18], $0x1400  }
0x19d: {  	[sflag:s18] =	ssyncset.done $0x0  }
0x19e: {  	s26 =	simm.s32 @!p2 $0x7;
	[sflag:s18] =	ssyncadd.s32 $0xFFFFEC00  }
0x19f: {  	_ =	swait.ge @!p2 [sflag:s26], $0x1400  }
0x1a0: {  	[sflag:s26] =	ssyncset.done @!p2 $0x0  }
0x1a1: {  	[sflag:s26] =	ssyncadd.s32 @!p2 $0xFFFFEC00;
	s26 =	simm.s32 $0x0  }
0x1a2: {  	v1 =	vld [tilespmem:s26+$0x55F0]  }
0x1a3: {  	v2 =	vld [tilespmem:s26+$0x2DF0]  }
0x1a4: {  	v3 =	vld [tilespmem:s26+$0x5400]  }
0x1a5: {  	v4 =	vld [tilespmem:s26+$0x2C00]  }
0x1a6: {  	v5 =	vld [tilespmem:s26+$0x5410]  }
0x1a7: {  	v6 =	vld [tilespmem:s26+$0x2C10]  }
0x1a8: {  	v7 =	vld [tilespmem:s26+$0x5420]  }
0x1a9: {  	v1 =	vadd.f32 v2, v1;
	v2 =	vld [tilespmem:s26+$0x2C20]  }
0x1aa: {  	v8 =	vld [tilespmem:s26+$0x5430]  }
0x1ab: {  	v3 =	vadd.f32 v4, v3;
	v4 =	vld [tilespmem:s26+$0x2C30]  }
0x1ac: {  	v5 =	vadd.f32 v6, v5;
	v6 =	vld [tilespmem:s26+$0x5450];
	v1 =	vmax.f32 v1, $0.0e+00  }
0x1ad: {  	[tilespmem:s26+$0x7DF0] =	vst v1;
	v1 =	vmax.f32 v3, $0.0e+00;
	v3 =	vld [tilespmem:s26+$0x5440]  }
0x1ae: {  	v5 =	vmax.f32 v5, $0.0e+00;
	[tilespmem:s26+$0x7C00] =	vst v1;
	v1 =	vld [tilespmem:s26+$0x2C40];
	v2 =	vadd.f32 v2, v7  }
0x1af: {  	[tilespmem:s26+$0x7C10] =	vst v5;
	v5 =	vld [tilespmem:s26+$0x2C50]  }
0x1b0: {  	v7 =	vld [tilespmem:s26+$0x5460];
	v2 =	vmax.f32 v2, $0.0e+00  }
0x1b1: {  	v4 =	vadd.f32 v4, v8;
	[tilespmem:s26+$0x7C20] =	vst v2;
	v2 =	vld [tilespmem:s26+$0x2C60]  }
0x1b2: {  	v8 =	vld [tilespmem:s26+$0x5470]  }
0x1b3: {  	v4 =	vmax.f32 v4, $0.0e+00;
	v1 =	vadd.f32 v1, v3;
	v3 =	vld [tilespmem:s26+$0x2C70]  }
0x1b4: {  	[tilespmem:s26+$0x7C30] =	vst v4;
	v4 =	vld [tilespmem:s26+$0x5480];
	v5 =	vadd.f32 v5, v6  }
0x1b5: {  	v6 =	vld [tilespmem:s26+$0x5490];
	v1 =	vmax.f32 v1, $0.0e+00  }
0x1b6: {  	v5 =	vmax.f32 v5, $0.0e+00;
	[tilespmem:s26+$0x7C40] =	vst v1;
	v1 =	vld [tilespmem:s26+$0x2C80];
	v2 =	vadd.f32 v2, v7  }
0x1b7: {  	[tilespmem:s26+$0x7C50] =	vst v5;
	v5 =	vld [tilespmem:s26+$0x2C90]  }
0x1b8: {  	v7 =	vld [tilespmem:s26+$0x54A0];
	v3 =	vadd.f32 v3, v8;
	v2 =	vmax.f32 v2, $0.0e+00  }
0x1b9: {  	[tilespmem:s26+$0x7C60] =	vst v2;
	v2 =	vld [tilespmem:s26+$0x2CA0]  }
0x1ba: {  	v8 =	vld [tilespmem:s26+$0x54B0];
	v3 =	vmax.f32 v3, $0.0e+00  }
0x1bb: {  	v1 =	vadd.f32 v1, v4;
	[tilespmem:s26+$0x7C70] =	vst v3;
	v3 =	vld [tilespmem:s26+$0x2CB0]  }
0x1bc: {  	v5 =	vadd.f32 v5, v6;
	v6 =	vld [tilespmem:s26+$0x54D0]  }
0x1bd: {  	v4 =	vld [tilespmem:s26+$0x54C0];
	v1 =	vmax.f32 v1, $0.0e+00  }
0x1be: {  	v5 =	vmax.f32 v5, $0.0e+00;
	[tilespmem:s26+$0x7C80] =	vst v1;
	v1 =	vld [tilespmem:s26+$0x2CC0];
	v2 =	vadd.f32 v2, v7  }
0x1bf: {  	[tilespmem:s26+$0x7C90] =	vst v5;
	v5 =	vld [tilespmem:s26+$0x2CD0]  }
0x1c0: {  	v7 =	vld [tilespmem:s26+$0x54E0];
	v3 =	vadd.f32 v3, v8;
	v2 =	vmax.f32 v2, $0.0e+00  }
0x1c1: {  	[tilespmem:s26+$0x7CA0] =	vst v2;
	v2 =	vld [tilespmem:s26+$0x2CE0]  }
0x1c2: {  	v8 =	vld [tilespmem:s26+$0x54F0];
	v3 =	vmax.f32 v3, $0.0e+00  }
0x1c3: {  	v1 =	vadd.f32 v1, v4;
	[tilespmem:s26+$0x7CB0] =	vst v3;
	v3 =	vld [tilespmem:s26+$0x2CF0]  }
0x1c4: {  	v5 =	vadd.f32 v5, v6;
	v6 =	vld [tilespmem:s26+$0x5510]  }
0x1c5: {  	v4 =	vld [tilespmem:s26+$0x5500];
	v1 =	vmax.f32 v1, $0.0e+00  }
0x1c6: {  	v5 =	vmax.f32 v5, $0.0e+00;
	[tilespmem:s26+$0x7CC0] =	vst v1;
	v1 =	vld [tilespmem:s26+$0x2D00];
	v2 =	vadd.f32 v2, v7  }
0x1c7: {  	[tilespmem:s26+$0x7CD0] =	vst v5;
	v5 =	vld [tilespmem:s26+$0x2D10]  }
0x1c8: {  	v7 =	vld [tilespmem:s26+$0x5520];
	v3 =	vadd.f32 v3, v8;
	v2 =	vmax.f32 v2, $0.0e+00  }
0x1c9: {  	[tilespmem:s26+$0x7CE0] =	vst v2;
	v2 =	vld [tilespmem:s26+$0x2D20]  }
0x1ca: {  	v8 =	vld [tilespmem:s26+$0x5530];
	v3 =	vmax.f32 v3, $0.0e+00  }
0x1cb: {  	v1 =	vadd.f32 v1, v4;
	[tilespmem:s26+$0x7CF0] =	vst v3;
	v3 =	vld [tilespmem:s26+$0x2D30]  }
0x1cc: {  	v5 =	vadd.f32 v5, v6;
	v6 =	vld [tilespmem:s26+$0x5550]  }
0x1cd: {  	v4 =	vld [tilespmem:s26+$0x5540];
	v1 =	vmax.f32 v1, $0.0e+00  }
0x1ce: {  	v5 =	vmax.f32 v5, $0.0e+00;
	[tilespmem:s26+$0x7D00] =	vst v1;
	v1 =	vld [tilespmem:s26+$0x2D40];
	v2 =	vadd.f32 v2, v7  }
0x1cf: {  	[tilespmem:s26+$0x7D10] =	vst v5;
	v5 =	vld [tilespmem:s26+$0x2D50]  }
0x1d0: {  	v7 =	vld [tilespmem:s26+$0x5560];
	v3 =	vadd.f32 v3, v8;
	v2 =	vmax.f32 v2, $0.0e+00  }
0x1d1: {  	[tilespmem:s26+$0x7D20] =	vst v2;
	v2 =	vld [tilespmem:s26+$0x2D60]  }
0x1d2: {  	v8 =	vld [tilespmem:s26+$0x5570];
	v3 =	vmax.f32 v3, $0.0e+00  }
0x1d3: {  	v1 =	vadd.f32 v1, v4;
	[tilespmem:s26+$0x7D30] =	vst v3;
	v3 =	vld [tilespmem:s26+$0x2D70]  }
0x1d4: {  	v5 =	vadd.f32 v5, v6;
	v6 =	vld [tilespmem:s26+$0x5590]  }
0x1d5: {  	v4 =	vld [tilespmem:s26+$0x5580];
	v1 =	vmax.f32 v1, $0.0e+00  }
0x1d6: {  	v5 =	vmax.f32 v5, $0.0e+00;
	[tilespmem:s26+$0x7D40] =	vst v1;
	v1 =	vld [tilespmem:s26+$0x2D80];
	v2 =	vadd.f32 v2, v7  }
0x1d7: {  	[tilespmem:s26+$0x7D50] =	vst v5;
	v5 =	vld [tilespmem:s26+$0x2D90]  }
0x1d8: {  	v7 =	vld [tilespmem:s26+$0x55A0];
	v3 =	vadd.f32 v3, v8;
	v2 =	vmax.f32 v2, $0.0e+00  }
0x1d9: {  	[tilespmem:s26+$0x7D60] =	vst v2;
	v2 =	vld [tilespmem:s26+$0x2DA0]  }
0x1da: {  	v8 =	vld [tilespmem:s26+$0x55B0];
	v3 =	vmax.f32 v3, $0.0e+00  }
0x1db: {  	v1 =	vadd.f32 v1, v4;
	[tilespmem:s26+$0x7D70] =	vst v3;
	v3 =	vld [tilespmem:s26+$0x2DB0]  }
0x1dc: {  	v63 =	vld [tilespmem:s26+$0x55C0];
	v4 =	vadd.f32 v5, v6  }
0x1dd: {  	v6 =	vld [tilespmem:s26+$0x2DC0];
	v1 =	vmax.f32 v1, $0.0e+00  }
0x1de: {  	v4 =	vmax.f32 v4, $0.0e+00;
	[tilespmem:s26+$0x7D80] =	vst v1;
	v1 =	vld [tilespmem:s26+$0x55D0];
	v2 =	vadd.f32 v2, v7  }
0x1df: {  	[tilespmem:s26+$0x7D90] =	vst v4;
	v4 =	vld [tilespmem:s26+$0x2DD0]  }
0x1e0: {  	v7 =	vadd.f32 v3, v8;
	v5 =	vmax.f32 v2, $0.0e+00;
	v2 =	vld [tilespmem:s26+$0x55E0]  }
0x1e1: {  	s30 =	simm.s32 $0x200;
	[tilespmem:s26+$0x7DA0] =	vst v5;
	v5 =	vld [tilespmem:s26+$0x2DE0]  }
0x1e2: {  	s28 =	sor.u32 $0x1, s24;
	s29 =	simm.s32 $0x1000;
	v6 =	vadd.f32 v6, v63;
	v7 =	vmax.f32 v7, $0.0e+00;
	v3 =	vld [tilespmem:s30+$0x55F0]  }
.LBB2_10:
0x1e3: {  	p2 =	sne.s32 s29, $0x4800;
	v8 =	vld [tilespmem:s30+$0x2DF0];
	[tilespmem:s26+$0x7DB0] =	vst v7  }
0x1e4: {  	v7 =	vld [tilespmem:s30+$0x5400];
	v6 =	vmax.f32 v6, $0.0e+00;
	v1 =	vadd.f32 v4, v1  }
0x1e5: {  	v4 =	vld [tilespmem:s30+$0x2C00];
	[tilespmem:s26+$0x7DC0] =	vst v6  }
0x1e6: {  	v6 =	vld [tilespmem:s30+$0x5410];
	v1 =	vmax.f32 v1, $0.0e+00;
	v2 =	vadd.f32 v5, v2  }
0x1e7: {  	v5 =	vld [tilespmem:s30+$0x2C10];
	[tilespmem:s26+$0x7DD0] =	vst v1  }
0x1e8: {  	v1 =	vld [tilespmem:s30+$0x5420];
	v3 =	vadd.f32 v8, v3;
	v2 =	vmax.f32 v2, $0.0e+00  }
0x1e9: {  	v8 =	vld [tilespmem:s30+$0x2C20];
	[tilespmem:s26+$0x7DE0] =	vst v2;
	s26 =	smov.u32 s30  }
0x1ea: {  	v2 =	vadd.f32 v4, v7;
	v4 =	vld [tilespmem:s26+$0x5430];
	v3 =	vmax.f32 v3, $0.0e+00  }
0x1eb: {  	v7 =	vld [tilespmem:s26+$0x2C30];
	[tilespmem:s26+$0x7DF0] =	vst v3  }
0x1ec: {  	v2 =	vmax.f32 v2, $0.0e+00;
	v3 =	vadd.f32 v5, v6;
	v5 =	vld [tilespmem:s26+$0x5440]  }
0x1ed: {  	[tilespmem:s26+$0x7C00] =	vst v2;
	v2 =	vld [tilespmem:s26+$0x2C40]  }
0x1ee: {  	v3 =	vmax.f32 v3, $0.0e+00;
	v1 =	vadd.f32 v8, v1;
	v6 =	vld [tilespmem:s26+$0x5450]  }
0x1ef: {  	[tilespmem:s26+$0x7C10] =	vst v3;
	v3 =	vld [tilespmem:s26+$0x2C50]  }
0x1f0: {  	v1 =	vmax.f32 v1, $0.0e+00;
	v4 =	vadd.f32 v7, v4;
	v7 =	vld [tilespmem:s26+$0x5460]  }
0x1f1: {  	[tilespmem:s26+$0x7C20] =	vst v1;
	v1 =	vld [tilespmem:s26+$0x2C60]  }
0x1f2: {  	v4 =	vmax.f32 v4, $0.0e+00;
	v2 =	vadd.f32 v2, v5;
	v5 =	vld [tilespmem:s26+$0x5470]  }
0x1f3: {  	[tilespmem:s26+$0x7C30] =	vst v4;
	v4 =	vld [tilespmem:s26+$0x2C70]  }
0x1f4: {  	v2 =	vmax.f32 v2, $0.0e+00;
	v3 =	vadd.f32 v3, v6;
	v6 =	vld [tilespmem:s26+$0x5480]  }
0x1f5: {  	[tilespmem:s26+$0x7C40] =	vst v2;
	v2 =	vld [tilespmem:s26+$0x2C80]  }
0x1f6: {  	v3 =	vmax.f32 v3, $0.0e+00;
	v1 =	vadd.f32 v1, v7;
	v7 =	vld [tilespmem:s26+$0x5490]  }
0x1f7: {  	[tilespmem:s26+$0x7C50] =	vst v3;
	v3 =	vld [tilespmem:s26+$0x2C90]  }
0x1f8: {  	v1 =	vmax.f32 v1, $0.0e+00;
	v4 =	vadd.f32 v4, v5;
	v5 =	vld [tilespmem:s26+$0x54A0]  }
0x1f9: {  	[tilespmem:s26+$0x7C60] =	vst v1;
	v1 =	vld [tilespmem:s26+$0x2CA0]  }
0x1fa: {  	v4 =	vmax.f32 v4, $0.0e+00;
	v2 =	vadd.f32 v2, v6;
	v6 =	vld [tilespmem:s26+$0x54B0]  }
0x1fb: {  	[tilespmem:s26+$0x7C70] =	vst v4;
	v4 =	vld [tilespmem:s26+$0x2CB0]  }
0x1fc: {  	v2 =	vmax.f32 v2, $0.0e+00;
	v3 =	vadd.f32 v3, v7;
	v7 =	vld [tilespmem:s26+$0x54C0]  }
0x1fd: {  	[tilespmem:s26+$0x7C80] =	vst v2;
	v2 =	vld [tilespmem:s26+$0x2CC0]  }
0x1fe: {  	v3 =	vmax.f32 v3, $0.0e+00;
	v1 =	vadd.f32 v1, v5;
	v5 =	vld [tilespmem:s26+$0x54D0]  }
0x1ff: {  	[tilespmem:s26+$0x7C90] =	vst v3;
	v3 =	vld [tilespmem:s26+$0x2CD0]  }
0x200: {  	v1 =	vmax.f32 v1, $0.0e+00;
	v4 =	vadd.f32 v4, v6;
	v6 =	vld [tilespmem:s26+$0x54E0]  }
0x201: {  	[tilespmem:s26+$0x7CA0] =	vst v1;
	v1 =	vld [tilespmem:s26+$0x2CE0]  }
0x202: {  	v4 =	vmax.f32 v4, $0.0e+00;
	v2 =	vadd.f32 v2, v7;
	v7 =	vld [tilespmem:s26+$0x54F0]  }
0x203: {  	[tilespmem:s26+$0x7CB0] =	vst v4;
	v4 =	vld [tilespmem:s26+$0x2CF0]  }
0x204: {  	v2 =	vmax.f32 v2, $0.0e+00;
	v3 =	vadd.f32 v3, v5;
	v5 =	vld [tilespmem:s26+$0x5500]  }
0x205: {  	[tilespmem:s26+$0x7CC0] =	vst v2;
	v2 =	vld [tilespmem:s26+$0x2D00]  }
0x206: {  	v3 =	vmax.f32 v3, $0.0e+00;
	v1 =	vadd.f32 v1, v6;
	v6 =	vld [tilespmem:s26+$0x5510]  }
0x207: {  	[tilespmem:s26+$0x7CD0] =	vst v3;
	v3 =	vld [tilespmem:s26+$0x2D10]  }
0x208: {  	v1 =	vmax.f32 v1, $0.0e+00;
	v4 =	vadd.f32 v4, v7;
	v7 =	vld [tilespmem:s26+$0x5520]  }
0x209: {  	[tilespmem:s26+$0x7CE0] =	vst v1;
	v1 =	vld [tilespmem:s26+$0x2D20]  }
0x20a: {  	v4 =	vmax.f32 v4, $0.0e+00;
	v2 =	vadd.f32 v2, v5;
	v5 =	vld [tilespmem:s26+$0x5530]  }
0x20b: {  	[tilespmem:s26+$0x7CF0] =	vst v4;
	v4 =	vld [tilespmem:s26+$0x2D30]  }
0x20c: {  	v2 =	vmax.f32 v2, $0.0e+00;
	v3 =	vadd.f32 v3, v6;
	v6 =	vld [tilespmem:s26+$0x5540]  }
0x20d: {  	[tilespmem:s26+$0x7D00] =	vst v2;
	v2 =	vld [tilespmem:s26+$0x2D40]  }
0x20e: {  	v3 =	vmax.f32 v3, $0.0e+00;
	v1 =	vadd.f32 v1, v7;
	v7 =	vld [tilespmem:s26+$0x5550]  }
0x20f: {  	[tilespmem:s26+$0x7D10] =	vst v3;
	v3 =	vld [tilespmem:s26+$0x2D50]  }
0x210: {  	v1 =	vmax.f32 v1, $0.0e+00;
	v4 =	vadd.f32 v4, v5;
	v5 =	vld [tilespmem:s26+$0x5560]  }
0x211: {  	[tilespmem:s26+$0x7D20] =	vst v1;
	v1 =	vld [tilespmem:s26+$0x2D60]  }
0x212: {  	v4 =	vmax.f32 v4, $0.0e+00;
	v2 =	vadd.f32 v2, v6;
	v6 =	vld [tilespmem:s26+$0x5570]  }
0x213: {  	[tilespmem:s26+$0x7D30] =	vst v4;
	v4 =	vld [tilespmem:s26+$0x2D70]  }
0x214: {  	v2 =	vmax.f32 v2, $0.0e+00;
	v3 =	vadd.f32 v3, v7;
	v7 =	vld [tilespmem:s26+$0x5580]  }
0x215: {  	[tilespmem:s26+$0x7D40] =	vst v2;
	v2 =	vld [tilespmem:s26+$0x2D80]  }
0x216: {  	v3 =	vmax.f32 v3, $0.0e+00;
	v1 =	vadd.f32 v1, v5;
	v5 =	vld [tilespmem:s26+$0x5590]  }
0x217: {  	[tilespmem:s26+$0x7D50] =	vst v3;
	v3 =	vld [tilespmem:s26+$0x2D90]  }
0x218: {  	v1 =	vmax.f32 v1, $0.0e+00;
	v4 =	vadd.f32 v4, v6;
	v6 =	vld [tilespmem:s26+$0x55A0]  }
0x219: {  	[tilespmem:s26+$0x7D60] =	vst v1;
	v1 =	vld [tilespmem:s26+$0x2DA0]  }
0x21a: {  	v4 =	vmax.f32 v4, $0.0e+00;
	v2 =	vadd.f32 v2, v7;
	v7 =	vld [tilespmem:s26+$0x55B0]  }
0x21b: {  	[tilespmem:s26+$0x7D70] =	vst v4;
	v8 =	vld [tilespmem:s26+$0x2DB0]  }
0x21c: {  	v2 =	vmax.f32 v2, $0.0e+00;
	v3 =	vadd.f32 v3, v5;
	v9 =	vld [tilespmem:s26+$0x55C0]  }
0x21d: {  	[tilespmem:s26+$0x7D80] =	vst v2;
	v10 =	vld [tilespmem:s26+$0x2DC0]  }
.Ltmp6:
0x21e: {  	v2 =	vmax.f32 v3, $0.0e+00;
	v3 =	vadd.f32 v1, v6;
	v1 =	vld [tilespmem:s26+$0x55D0];
	(pc) =	sbr.rel @p2 .LBB2_10-.Ltmp6, $4  }
0x21f: {  	[tilespmem:s26+$0x7D90] =	vst v2;
	v4 =	vld [tilespmem:s26+$0x2DD0]  }
0x220: {  	v3 =	vmax.f32 v3, $0.0e+00;
	v6 =	vadd.f32 v8, v7;
	v2 =	vld [tilespmem:s26+$0x55E0]  }
0x221: {  	s30 =	sshra.s32 s29, $0x2;
	[tilespmem:s26+$0x7DA0] =	vst v3;
	v5 =	vld [tilespmem:s26+$0x2DE0]  }
0x222: {  	s29 =	sadd.s32 $0x800, s29;
	v3 =	vld [tilespmem:s30+$0x55F0];
	v7 =	vmax.f32 v6, $0.0e+00;
	v6 =	vadd.f32 v10, v9  }
0x223: {  	v8 =	vld [tilespmem:s30+$0x2DF0];
	[tilespmem:s26+$0x7DB0] =	vst v7  }
0x224: {  	v7 =	vld [tilespmem:s30+$0x5400];
	v6 =	vmax.f32 v6, $0.0e+00;
	v1 =	vadd.f32 v4, v1  }
0x225: {  	v9 =	vld [tilespmem:s30+$0x2C00];
	[tilespmem:s26+$0x7DC0] =	vst v6  }
0x226: {  	v27 =	vld [tilespmem:s30+$0x5410];
	v1 =	vmax.f32 v1, $0.0e+00;
	v2 =	vadd.f32 v5, v2  }
0x227: {  	v6 =	vld [tilespmem:s30+$0x2C10];
	[tilespmem:s26+$0x7DD0] =	vst v1  }
0x228: {  	v1 =	vld [tilespmem:s30+$0x5420];
	v2 =	vmax.f32 v2, $0.0e+00  }
0x229: {  	v28 =	vld [tilespmem:s30+$0x2C20];
	[tilespmem:s26+$0x7DE0] =	vst v2  }
0x22a: {  	v2 =	vld [tilespmem:s30+$0x5430]  }
0x22b: {  	v3 =	vadd.f32 v8, v3;
	v29 =	vld [tilespmem:s30+$0x2C30]  }
0x22c: {  	v7 =	vadd.f32 v9, v7;
	v30 =	vld [tilespmem:s30+$0x5440]  }
0x22d: {  	v3 =	vmax.f32 v3, $0.0e+00;
	v31 =	vld [tilespmem:s30+$0x5450]  }
0x22e: {  	v32 =	vld [tilespmem:s30+$0x2C50];
	[tilespmem:s30+$0x7DF0] =	vst v3;
	v3 =	vmax.f32 v7, $0.0e+00;
	v1 =	vadd.f32 v28, v1  }
0x22f: {  	[tilespmem:s30+$0x7C00] =	vst v3;
	v3 =	vld [tilespmem:s30+$0x2C40]  }
0x230: {  	v33 =	vld [tilespmem:s30+$0x5460];
	v1 =	vmax.f32 v1, $0.0e+00  }
0x231: {  	[tilespmem:s30+$0x7C20] =	vst v1;
	v1 =	vld [tilespmem:s30+$0x2C60]  }
0x232: {  	v34 =	vld [tilespmem:s30+$0x5470]  }
0x233: {  	v35 =	vld [tilespmem:s30+$0x5480];
	v2 =	vadd.f32 v29, v2  }
0x234: {  	v36 =	vld [tilespmem:s30+$0x5490];
	v3 =	vadd.f32 v3, v30  }
0x235: {  	v37 =	vld [tilespmem:s30+$0x2C90];
	v2 =	vmax.f32 v2, $0.0e+00  }
0x236: {  	[tilespmem:s30+$0x7C30] =	vst v2;
	v2 =	vld [tilespmem:s30+$0x2C70];
	v3 =	vmax.f32 v3, $0.0e+00;
	v1 =	vadd.f32 v1, v33  }
0x237: {  	[tilespmem:s30+$0x7C40] =	vst v3;
	v3 =	vld [tilespmem:s30+$0x2C80]  }
0x238: {  	v38 =	vld [tilespmem:s30+$0x54A0];
	v1 =	vmax.f32 v1, $0.0e+00  }
0x239: {  	[tilespmem:s30+$0x7C60] =	vst v1;
	v1 =	vld [tilespmem:s30+$0x2CA0]  }
0x23a: {  	v39 =	vld [tilespmem:s30+$0x54B0]  }
0x23b: {  	v40 =	vld [tilespmem:s30+$0x54C0];
	v2 =	vadd.f32 v2, v34  }
0x23c: {  	v41 =	vld [tilespmem:s30+$0x54D0];
	v3 =	vadd.f32 v3, v35  }
0x23d: {  	v42 =	vld [tilespmem:s30+$0x2CD0];
	v2 =	vmax.f32 v2, $0.0e+00  }
0x23e: {  	[tilespmem:s30+$0x7C70] =	vst v2;
	v2 =	vld [tilespmem:s30+$0x2CB0];
	v3 =	vmax.f32 v3, $0.0e+00;
	v1 =	vadd.f32 v1, v38  }
0x23f: {  	[tilespmem:s30+$0x7C80] =	vst v3;
	v3 =	vld [tilespmem:s30+$0x2CC0]  }
0x240: {  	v43 =	vld [tilespmem:s30+$0x54E0];
	v1 =	vmax.f32 v1, $0.0e+00  }
0x241: {  	[tilespmem:s30+$0x7CA0] =	vst v1;
	v1 =	vld [tilespmem:s30+$0x2CE0]  }
0x242: {  	v44 =	vld [tilespmem:s30+$0x54F0]  }
0x243: {  	v45 =	vld [tilespmem:s30+$0x5500];
	v2 =	vadd.f32 v2, v39  }
0x244: {  	v46 =	vld [tilespmem:s30+$0x5510];
	v3 =	vadd.f32 v3, v40  }
0x245: {  	v47 =	vld [tilespmem:s30+$0x2D10];
	v2 =	vmax.f32 v2, $0.0e+00  }
0x246: {  	[tilespmem:s30+$0x7CB0] =	vst v2;
	v2 =	vld [tilespmem:s30+$0x2CF0];
	v3 =	vmax.f32 v3, $0.0e+00;
	v1 =	vadd.f32 v1, v43  }
0x247: {  	[tilespmem:s30+$0x7CC0] =	vst v3;
	v3 =	vld [tilespmem:s30+$0x2D00]  }
0x248: {  	v48 =	vld [tilespmem:s30+$0x5520];
	v1 =	vmax.f32 v1, $0.0e+00  }
0x249: {  	[tilespmem:s30+$0x7CE0] =	vst v1;
	v1 =	vld [tilespmem:s30+$0x2D20]  }
0x24a: {  	v49 =	vld [tilespmem:s30+$0x5530];
	v4 =	vadd.f32 v6, v27  }
0x24b: {  	v50 =	vld [tilespmem:s30+$0x5540];
	v2 =	vadd.f32 v2, v44  }
0x24c: {  	v51 =	vld [tilespmem:s30+$0x5550];
	v4 =	vmax.f32 v4, $0.0e+00;
	v3 =	vadd.f32 v3, v45  }
0x24d: {  	v52 =	vld [tilespmem:s30+$0x2D50];
	[tilespmem:s30+$0x7C10] =	vst v4;
	v2 =	vmax.f32 v2, $0.0e+00  }
0x24e: {  	[tilespmem:s30+$0x7CF0] =	vst v2;
	v2 =	vld [tilespmem:s30+$0x2D30];
	v3 =	vmax.f32 v3, $0.0e+00;
	v1 =	vadd.f32 v1, v48  }
0x24f: {  	v4 =	vadd.f32 v32, v31;
	[tilespmem:s30+$0x7D00] =	vst v3;
	v3 =	vld [tilespmem:s30+$0x2D40]  }
0x250: {  	v53 =	vld [tilespmem:s30+$0x5560];
	v1 =	vmax.f32 v1, $0.0e+00  }
0x251: {  	v4 =	vmax.f32 v4, $0.0e+00;
	[tilespmem:s30+$0x7D20] =	vst v1;
	v1 =	vld [tilespmem:s30+$0x2D60]  }
0x252: {  	v54 =	vld [tilespmem:s30+$0x5570];
	[tilespmem:s30+$0x7C50] =	vst v4;
	v4 =	vadd.f32 v37, v36  }
0x253: {  	v55 =	vld [tilespmem:s30+$0x5580];
	v2 =	vadd.f32 v2, v49  }
0x254: {  	v56 =	vld [tilespmem:s30+$0x5590];
	v4 =	vmax.f32 v4, $0.0e+00;
	v3 =	vadd.f32 v3, v50  }
0x255: {  	v57 =	vld [tilespmem:s30+$0x2D90];
	[tilespmem:s30+$0x7C90] =	vst v4;
	v2 =	vmax.f32 v2, $0.0e+00  }
0x256: {  	[tilespmem:s30+$0x7D30] =	vst v2;
	v2 =	vld [tilespmem:s30+$0x2D70];
	v3 =	vmax.f32 v3, $0.0e+00;
	v1 =	vadd.f32 v1, v53  }
0x257: {  	v4 =	vadd.f32 v42, v41;
	[tilespmem:s30+$0x7D40] =	vst v3;
	v3 =	vld [tilespmem:s30+$0x2D80]  }
0x258: {  	v58 =	vld [tilespmem:s30+$0x55A0];
	v1 =	vmax.f32 v1, $0.0e+00  }
0x259: {  	v4 =	vmax.f32 v4, $0.0e+00;
	[tilespmem:s30+$0x7D60] =	vst v1;
	v1 =	vld [tilespmem:s30+$0x2DA0]  }
0x25a: {  	v59 =	vld [tilespmem:s30+$0x55B0];
	[tilespmem:s30+$0x7CD0] =	vst v4;
	v4 =	vadd.f32 v47, v46  }
0x25b: {  	v60 =	vld [tilespmem:s30+$0x55C0];
	v2 =	vadd.f32 v2, v54  }
0x25c: {  	v61 =	vld [tilespmem:s30+$0x55D0];
	v4 =	vmax.f32 v4, $0.0e+00;
	v3 =	vadd.f32 v3, v55  }
0x25d: {  	v62 =	vld [tilespmem:s30+$0x2DD0];
	[tilespmem:s30+$0x7D10] =	vst v4;
	v2 =	vmax.f32 v2, $0.0e+00  }
0x25e: {  	[tilespmem:s30+$0x7D70] =	vst v2;
	v2 =	vld [tilespmem:s30+$0x2DB0];
	v3 =	vmax.f32 v3, $0.0e+00;
	v1 =	vadd.f32 v1, v58  }
0x25f: {  	v4 =	vadd.f32 v52, v51;
	[tilespmem:s30+$0x7D80] =	vst v3;
	v3 =	vld [tilespmem:s30+$0x2DC0]  }
0x260: {  	v63 =	vld [tilespmem:s30+$0x55E0];
	v1 =	vmax.f32 v1, $0.0e+00  }
0x261: {  	s29 =	smulhi.u32 $0x66666667, s28;
	v4 =	vmax.f32 v4, $0.0e+00;
	[tilespmem:s30+$0x7DA0] =	vst v1;
	v1 =	vld [tilespmem:s30+$0x2DE0]  }
0x262: {  	[tilespmem:s30+$0x7D50] =	vst v4;
	v4 =	vadd.f32 v57, v56  }
0x263: {  	s26 =	sshrl.u32 s29, $0x2;
	v2 =	vadd.f32 v2, v59  }
0x264: {  	s26 =	smul.u32 $0xA, s26;
	v4 =	vmax.f32 v4, $0.0e+00;
	v3 =	vadd.f32 v3, v60  }
0x265: {  	[tilespmem:s30+$0x7D90] =	vst v4;
	v4 =	vadd.f32 v62, v61;
	v2 =	vmax.f32 v2, $0.0e+00  }
.Ltmp7:
0x266: {  	s26 =	ssub.s32 s28, s26;
	[tilespmem:s30+$0x7DB0] =	vst v2;
	v2 =	vmax.f32 v3, $0.0e+00;
	v1 =	vadd.f32 v1, v63;
	(pc) =	sbr.rel @p1 .LBB2_13-.Ltmp7, $4  }
0x267: {  	s26 =	sshll.u32 s26, $0x7;
	[tilespmem:s30+$0x7DC0] =	vst v2;
	v2 =	vmax.f32 v4, $0.0e+00  }
0x268: {  	s25 =	sadd.s32 s26, s25;
	[tilespmem:s30+$0x7DD0] =	vst v2;
	v1 =	vmax.f32 v1, $0.0e+00  }
0x269: {  	s25 =	sadd.s32 $0x500, s25;
	[tilespmem:s30+$0x7DE0] =	vst v1  }
0x26a: {  	[spmem:s4] =	stream.indirect.scatter.add.f32 [tilespmem:s19], [sflag:$0x7], $0x80, s25, s9, $0xb8;
	[tilespmem:$0x1C880] =	vst v63  }
0x26b: {  	s24 =	sadd.s32 $0x3, s24  }
0x26c: {  	s25 =	smulhi.u32 $0x66666667, s24;
	_ =	sdelay $0x1  }
0x26d: {  	s25 =	sshrl.u32 s25, $0x2  }
0x26e: {  	s26 =	smul.u32 $0xA, s25;
	s25 =	sand.u32 $0x1, s25  }
0x26f: {  	p1 =	seq.s32 s25, $0x1;
	s25 =	simm.s32 $0xC00  }
0x270: {  	s26 =	ssub.s32 s24, s26;
	s25 =	simm.s32 @!p1 $0x0  }
.Ltmp8:
0x271: {  	s24 =	sadd.s32 s7, s24;
	s26 =	sshll.u32 s26, $0x7;
	(pc) =	sbr.rel .LBB2_4-.Ltmp8, $4  }
0x272: {  	s24 =	smul.u32 $0x280, s24;
	s25 =	sadd.s32 s26, s25  }
0x273: {  	[tilespmem:s10], [sflag:$0x3] =	stream.indirect.gather [hbm4b:s0+s9], $0x80, s25, s9, $0xb8;
	[tilespmem:$0x1C880] =	vst v63  }
0x274: {  	s23 =	sadd.s32 $0x1, s23;
	s24 =	sadd.s32 s3, s24  }
0x275: {  	[tilespmem:s11], [sflag:$0x5] =	stream.linear.gather [hbm4b:s24+s6], $0x1400, $0x38;
	[tilespmem:$0x1C880] =	vst v63  }
.LBB2_14:
0x276: {  	_ =	sfence.sel $0x180000  }
0x277: {  	[bflag:$0x0] =	sbarrier.arrive $0xFFFF  }
0x278: {  	_ =	strace $0x90000047  }
0x279: {  	[bflag:$0x2] =	sbarrier.arrive $0xFFFF  }
0x27a: {  	s0 =	rddreg [dreg:$0x4]  }
0x27b: {  	s0 =	sadd.s32 @!p0 $0x100000, s0  }
0x27c: {  	[sflag:s0] =	ssyncadd.tile.s32 @!p0 $0x1;
	_ =	shalt  }
.Lfunc_end2:
_tile_overlayer_lowered:
.L_overlay_start_2:
0x27d: {  	(tag) =	ssettag $0x2  }
0x27e: {  	s0 =	rddreg [dreg:$0x0];
	s2 =	stileid.u32  }
0x27f: {  	s1 =	rddreg [dreg:$0x1];
	p0 =	sne.s32 s2, $0x0  }
0x280: {  	s3 =	rddreg [dreg:$0x2];
	[bflag:$0x3] =	sbarrier.arrive $0xFFFF;
	s2 =	simm.s32 @!p0 $0x1C08  }
0x281: {  	[timem:s3], [sflag:s2] =	dma.local @!p0 [hbm:s0], s1  }
0x282: {  	s0 =	simm.s32 @!p0 $0x8  }
0x283: {  	_ =	swait.ge @!p0 [sflag:s0], s1  }
0x284: {  	s1 =	ssub.s32 @!p0 $0x0, s1;
	[sflag:s0] =	ssyncset.done @!p0 $0x0  }
0x285: {  	[sflag:s0] =	ssyncadd.s32 @!p0 s1  }
0x286: {  	[bflag:$0x3] =	sbarrier.arrive $0xFFFF  }
0x287: {  	_ =	shalt  }

</sc_bundles>
